<compile_context>
chip_gen: v7x
topology: tpu7x:2x2x1
jax: 0.10.2.dev20260603
libtpu: 0.0.44.dev20260713+nightly
codegen_flags: <defaults>
</compile_context>

<pallas_src>
import functools

import jax
import jax.numpy as jnp
from jax import lax
from jax.experimental import pallas as pl
from jax.experimental.pallas import tpu as pltpu
from jax.experimental.pallas import tpu_sc as plsc

_N = 10000
_G = 100
_n = 100
_DF = 128
_DH = 128
_DL = 64
_E = 160000
_W = 128
_NHALF = _N // 2
_TBL = _NHALF * _W
_TBL_PAD = _TBL + 256
_EPW = _E // 16
_ROWS = 79
_FROWS = 78
_ZCH = 32000
_NCH = _TBL // _ZCH
_KMAX = 2
_GB = 20


def _sc_counts_body(ei_hbm, out_hbm, src_v, dst_v,
                    idx_v, val_v, zbuf, table_sh, sem_s, sem_sc):
    cid = lax.axis_index("c")
    sid = lax.axis_index("s")
    base = sid * _EPW
    rowbase = cid * _NHALF

    ones16 = jnp.ones((16,), jnp.float32)
    zeros16 = jnp.zeros((16,), jnp.float32)
    trash16 = jnp.full((16,), _TBL, jnp.int32)
    lane = lax.broadcasted_iota(jnp.int32, (16,), 0)

    cp_s = pltpu.async_copy(ei_hbm.at[pl.ds(base, _EPW)],
                            src_v.at[pl.ds(0, _EPW)], sem_s)
    cp_d = pltpu.async_copy(ei_hbm.at[pl.ds(_E + base, _EPW)],
                            dst_v.at[pl.ds(0, _EPW)], sem_s)

    with jax.named_scope("p1_zbuf"):
        def _zb(i, carry):
            for c in range(8):
                zbuf[pl.ds(i * 128 + c * 16, 16)] = zeros16
            return carry
        lax.fori_loop(0, _ZCH // 128, _zb, 0)

    with jax.named_scope("p2_zerotable"):
        for k in range(_KMAX):
            ch = sid + 16 * k

            @pl.when(ch < _NCH)
            def _():
                pltpu.sync_copy(zbuf, table_sh.at[pl.ds(ch * _ZCH, _ZCH)])

        @pl.when(sid == 0)
        def _():
            pltpu.sync_copy(zbuf.at[pl.ds(0, 256)],
                            table_sh.at[pl.ds(_TBL, 256)])

    for i in range(8):
        val_v[pl.ds(i * 16, 16)] = ones16

    with jax.named_scope("p3_edgewait"):
        cp_s.wait()
        cp_d.wait()

    def _mod_n(v):
        q = lax.shift_right_logical(v * 5243, 19)
        return v - q * _n

    def _flat(s16, d16):
        dloc = d16 - rowbase
        fl = dloc * _W + _mod_n(s16)
        mine = (dloc >= 0) & (dloc < _NHALF)
        return jnp.where(mine, fl, _TBL)

    def _ixrow(r, carry):
        base16 = r * 128
        for c in range(8):
            off = base16 + c * 16
            s16 = src_v[pl.ds(off, 16)]
            d16 = dst_v[pl.ds(off, 16)]
            idx_v[r, pl.ds(c * 16, 16)] = _flat(s16, d16)
        return carry
    with jax.named_scope("p4_idx"):
        lax.fori_loop(0, _FROWS, _ixrow, 0)
        s16 = src_v[pl.ds(_FROWS * 128, 16)]
        d16 = dst_v[pl.ds(_FROWS * 128, 16)]
        idx_v[_FROWS, pl.ds(0, 16)] = _flat(s16, d16)
        for c in range(1, 8):
            idx_v[_FROWS, pl.ds(c * 16, 16)] = trash16

    with jax.named_scope("p5_bar1"):
        plsc.subcore_barrier()

    with jax.named_scope("p6_scatter"):
        for lo in (0, 40):
            hi = min(lo + 40, _ROWS)
            scps = [pltpu.async_copy(val_v, table_sh.at[idx_v.at[j]],
                                     sem_sc, add=True)
                    for j in range(lo, hi)]
            for cp in scps:
                cp.wait()

    with jax.named_scope("p7_bar2"):
        plsc.subcore_barrier()

    with jax.named_scope("p8_copyout"):
        for k in range(_KMAX):
            ch = sid + 16 * k

            @pl.when(ch < _NCH)
            def _():
                pltpu.sync_copy(table_sh.at[pl.ds(ch * _ZCH, _ZCH)], zbuf)
                pltpu.sync_copy(
                    zbuf,
                    out_hbm.at[pl.ds(cid * _TBL + ch * _ZCH, _ZCH)])


@jax.jit
def _sc_counts(ei_flat):
    mesh = plsc.VectorSubcoreMesh(core_axis_name="c", subcore_axis_name="s")
    f = functools.partial(
        pl.kernel,
        mesh=mesh,
        out_type=jax.ShapeDtypeStruct((2 * _TBL,), jnp.float32),
        scratch_types=[
            pltpu.VMEM((_EPW,), jnp.int32),
            pltpu.VMEM((_EPW,), jnp.int32),
            pltpu.VMEM((_ROWS, 128), jnp.int32),
            pltpu.VMEM((128,), jnp.float32),
            pltpu.VMEM((_ZCH,), jnp.float32),
            pltpu.VMEM_SHARED((_TBL_PAD,), jnp.float32),
            pltpu.SemaphoreType.DMA,
            pltpu.SemaphoreType.DMA,
        ],
    )(_sc_counts_body)
    return f(ei_flat)


def _xw1_body(x_ref, w1_ref, y_ref):
    y_ref[...] = jnp.dot(x_ref[...], w1_ref[...],
                         preferred_element_type=jnp.float32)


@jax.jit
def _xw1(x, W1):
    blk = _GB * _n
    return pl.pallas_call(
        _xw1_body,
        grid=(_G // _GB,),
        in_specs=[
            pl.BlockSpec((blk, _DF), lambda g: (g, 0)),
            pl.BlockSpec((_DF, _DH), lambda g: (0, 0)),
        ],
        out_specs=pl.BlockSpec((blk, _DH), lambda g: (g, 0)),
        out_shape=jax.ShapeDtypeStruct((_N, _DH), jnp.float32),
    )(x, W1)


def _tc_elbo_body(cnt_ref, y_ref, eps_ref, b1_ref,
                  wmu_ref, bmu_ref, wlv_ref, blv_ref, out_ref):
    g = pl.program_id(0)
    ones_col = jnp.ones((_n, 1), jnp.float32)
    mm = (((1,), (0,)), ((), ()))
    dl = (((1,), (1,)), ((), ()))
    ri = lax.broadcasted_iota(jnp.int32, (_n, _n), 0)
    ci = lax.broadcasted_iota(jnp.int32, (_n, _n), 1)
    lower = ri > ci

    cts = [cnt_ref[pl.ds(b * _n, _n), 0:_n] for b in range(_GB)]
    ygs = [y_ref[pl.ds(b * _n, _n), :] for b in range(_GB)]
    aggs = [lax.dot_general(cts[b], ygs[b], mm,
                            preferred_element_type=jnp.float32)
            for b in range(_GB)]
    degs = [lax.dot_general(cts[b], ones_col, mm,
                            preferred_element_type=jnp.float32) + 1.0
            for b in range(_GB)]
    hs = [jnp.maximum(
        (ygs[b] + aggs[b]) / degs[b] + b1_ref[...], 0.0)
        for b in range(_GB)]
    mus = [jnp.dot(hs[b], wmu_ref[...], preferred_element_type=jnp.float32)
           + bmu_ref[...] for b in range(_GB)]
    lvs = [jnp.dot(hs[b], wlv_ref[...], preferred_element_type=jnp.float32)
           + blv_ref[...] for b in range(_GB)]
    sigs = [jnp.exp(0.5 * lvs[b]) for b in range(_GB)]
    zs = [mus[b] + sigs[b] * eps_ref[pl.ds(b * _n, _n), :]
          for b in range(_GB)]
    Ls = [lax.dot_general(zs[b], zs[b], dl,
                          preferred_element_type=jnp.float32)
          for b in range(_GB)]

    kl_acc = jnp.zeros((_n, _DL), jnp.float32)
    val_acc = jnp.zeros((_n, _n), jnp.float32)
    for b in range(_GB):
        kl_acc += mus[b] * mus[b] + sigs[b] * sigs[b] - lvs[b]
        L = Ls[b]
        sp = jnp.maximum(L, 0.0) + jnp.log1p(jnp.exp(-jnp.abs(L)))
        val_acc += jnp.where(cts[b] > 0.0, L, 0.0) - sp

    klsum = 0.5 * (jnp.sum(kl_acc) - _GB * _n * _DL)
    logp = jnp.sum(jnp.where(lower, val_acc, 0.0))
    total = klsum - logp

    @pl.when(g == 0)
    def _():
        out_ref[0, 0] = 0.0

    out_ref[0, 0] += total * (1.0 / _G)


@jax.jit
def _tc_elbo(cnt, y, eps, b1, Wmu, bmu, Wlv, blv):
    blk = _GB * _n
    return pl.pallas_call(
        _tc_elbo_body,
        grid=(_G // _GB,),
        in_specs=[
            pl.BlockSpec((blk, _W), lambda g: (g, 0)),
            pl.BlockSpec((blk, _DH), lambda g: (g, 0)),
            pl.BlockSpec((blk, _DL), lambda g: (g, 0)),
            pl.BlockSpec((1, _DH), lambda g: (0, 0)),
            pl.BlockSpec((_DH, _DL), lambda g: (0, 0)),
            pl.BlockSpec((1, _DL), lambda g: (0, 0)),
            pl.BlockSpec((_DH, _DL), lambda g: (0, 0)),
            pl.BlockSpec((1, _DL), lambda g: (0, 0)),
        ],
        out_specs=pl.BlockSpec(memory_space=pltpu.SMEM),
        out_shape=jax.ShapeDtypeStruct((1, 1), jnp.float32),
    )(cnt, y, eps, b1, Wmu, bmu, Wlv, blv)


def kernel(x, edge_index, batch, eps, W1, b1, Wmu, bmu, Wlv, blv, pairs):
    cnt = _sc_counts(edge_index.reshape(2 * _E))
    y = _xw1(x, W1)
    out = _tc_elbo(cnt.reshape(_N, _W), y, eps,
                   b1.reshape(1, _DH), Wmu, bmu.reshape(1, _DL),
                   Wlv, blv.reshape(1, _DL))
    return out[0, 0]

# --- scband reference (transcript-rebuilt; emitter-appended) ---
"""Pipeline reference for scband-vaenode-36996848288046 (READ-ONLY COPY).

The authoritative reference and input builder live on the scoring server;
editing this copy changes nothing except your own understanding.
"""

import jax, jax.numpy as jnp
import numpy as np

N_NODES = 10000
N_GRAPHS = 100
NODES_PER_GRAPH = 100
D_FEAT = 128
D_HIDDEN = 128
D_LATENT = 64
N_EDGES = 160000


def setup_inputs(seed: int = 0) -> dict:
    key = jax.random.key(seed)
    ks = jax.random.split(key, 12)
    x = jax.random.normal(ks[0], (N_NODES, D_FEAT), dtype=jnp.float32)
    # edges are generated within each graph so batch structure is consistent
    eg = jax.random.randint(ks[1], (N_EDGES,), 0, N_GRAPHS)
    src = eg * NODES_PER_GRAPH + jax.random.randint(ks[2], (N_EDGES,), 0, NODES_PER_GRAPH)
    dst = eg * NODES_PER_GRAPH + jax.random.randint(ks[3], (N_EDGES,), 0, NODES_PER_GRAPH)
    edge_index = jnp.stack([src, dst]).astype(jnp.int32)
    batch = jnp.repeat(jnp.arange(N_GRAPHS, dtype=jnp.int32), NODES_PER_GRAPH)
    eps = jax.random.normal(ks[4], (N_NODES, D_LATENT), dtype=jnp.float32)
    s_in = 1.0 / np.sqrt(D_FEAT)
    s_h = 1.0 / np.sqrt(D_HIDDEN)
    W1 = jax.random.normal(ks[5], (D_FEAT, D_HIDDEN), dtype=jnp.float32) * s_in
    b1 = jnp.zeros((D_HIDDEN,), dtype=jnp.float32)
    Wmu = jax.random.normal(ks[6], (D_HIDDEN, D_LATENT), dtype=jnp.float32) * s_h
    bmu = jnp.zeros((D_LATENT,), dtype=jnp.float32)
    Wlv = jax.random.normal(ks[7], (D_HIDDEN, D_LATENT), dtype=jnp.float32) * s_h * 0.1
    blv = jnp.zeros((D_LATENT,), dtype=jnp.float32)
    pi, pj = np.triu_indices(NODES_PER_GRAPH, k=1)
    pairs = jnp.asarray(np.stack([pi, pj], axis=1), dtype=jnp.int32)
    return {"x": x, "edge_index": edge_index, "batch": batch, "eps": eps,
            "W1": W1, "b1": b1, "Wmu": Wmu, "bmu": bmu, "Wlv": Wlv, "blv": blv,
            "pairs": pairs}


def reference(x, edge_index, batch, eps, W1, b1, Wmu, bmu, Wlv, blv, pairs):
    N = x.shape[0]
    P = pairs.shape[0]
    n = int((1 + np.sqrt(1 + 8 * P)) // 2)
    G = N // n
    src, dst = edge_index[0], edge_index[1]
    # GCN-style mean aggregation encoder (scatter-add over edges)
    agg = jax.ops.segment_sum(x[src], dst, num_segments=N)
    deg = jax.ops.segment_sum(jnp.ones_like(dst, dtype=x.dtype), dst, num_segments=N) + 1.0
    h = (x + agg) / deg[:, None]
    h = jax.nn.relu(h @ W1 + b1)
    mu = h @ Wmu + bmu
    logvar = h @ Wlv + blv
    sigma = jnp.exp(0.5 * logvar)
    # reparameterized sample z ~ q(z|x)
    z = mu + sigma * eps
    # KL(q || N(0,I)) per node (td.kl_divergence against standard normal prior)
    kl_node = 0.5 * jnp.sum(mu ** 2 + sigma ** 2 - 1.0 - logvar, axis=-1)
    # build per-graph local adjacency (targets for ordered pairs i<j)
    adj = jnp.zeros((G, n, n), dtype=x.dtype).at[batch[src], src % n, dst % n].set(1.0)
    zb = z.reshape(G, n, -1)
    # inner-product Bernoulli decoder over all node pairs of each graph
    L = jnp.einsum("gim,gjm->gij", zb, zb)
    logits = L[:, pairs[:, 0], pairs[:, 1]]
    targets = adj[:, pairs[:, 0], pairs[:, 1]]
    logp = targets * jax.nn.log_sigmoid(logits) + (1.0 - targets) * jax.nn.log_sigmoid(-logits)
    log_probs = jnp.sum(logp, axis=1)
    kls = kl_node.reshape(G, n).sum(axis=1)
    elbo = jnp.mean(log_probs - kls)
    return -elbo


if False:  # reference __main__ guard neutralized (emitter)
    out = reference(**setup_inputs())
    print(out)

if __name__ == "__main__":
    import jax
    _d = setup_inputs()
    print(jax.jit(kernel)(*tuple(_d.values())))

</pallas_src>

<mosaic_0001>
#map = affine_map<(d0, d1) -> (0)>
module attributes {stable_mosaic.version = 14 : i64} {
  func.func @_sc_counts_body(%arg0: i32, %arg1: i32, %arg2: memref<320000xi32, #tpu.memory_space<hbm>>, %arg3: memref<1280000xf32, #tpu.memory_space<hbm>>, %arg4: memref<10000xi32, #tpu.memory_space<vmem>>, %arg5: memref<10000xi32, #tpu.memory_space<vmem>>, %arg6: memref<79x128xi32, #tpu.memory_space<vmem>>, %arg7: memref<128xf32, #tpu.memory_space<vmem>>, %arg8: memref<32000xf32, #tpu.memory_space<vmem>>, %arg9: memref<640256xf32, #tpu.memory_space<vmem_shared>>, %arg10: memref<!tpu.dma_semaphore, #tpu.memory_space<semaphore_mem>>, %arg11: memref<!tpu.dma_semaphore, #tpu.memory_space<semaphore_mem>>) attributes {dimension_semantics = [#tpu.dimension_semantics<core_parallel>, #tpu.dimension_semantics<subcore_parallel>], iteration_bounds = array<i64: 2, 16>, scalar_prefetch = 0 : i64, scratch_operands = 8 : i64, tpu.core_type = #tpu.core_type<sc_vector_subcore>, window_params = [{transform_indices = #map}, {transform_indices = #map}]} {
    %mul3A = arith.constant 10000 : i32
    %mul3A_0 = arith.muli %arg1, %mul3A : i32
    %mul3A_1 = arith.constant 5000 : i32
    %mul3A_2 = arith.muli %arg0, %mul3A_1 : i32
    %broadcast_in_dim3A = arith.constant 1.000000e+00 : f32
    %broadcast_in_dim3A_3 = vector.broadcast %broadcast_in_dim3A : f32 to vector<16xf32>
    %broadcast_in_dim3A_4 = arith.constant 0.000000e+00 : f32
    %broadcast_in_dim3A_5 = vector.broadcast %broadcast_in_dim3A_4 : f32 to vector<16xf32>
    %broadcast_in_dim3A_6 = arith.constant 640000 : i32
    %broadcast_in_dim3A_7 = vector.broadcast %broadcast_in_dim3A_6 : i32 to vector<16xi32>
    %iota3A = tpu.iota {dimensions = array<i32: 0>} : vector<16xi32>
    %dma_start3A = arith.constant 0 : i32
    %dma_start3A_8 = tpu.memref_slice %arg4[%dma_start3A] : memref<10000xi32, #tpu.memory_space<vmem>> -> memref<10000xi32, #tpu.memory_space<vmem>>
    %dma_start3A_9 = tpu.memref_slice %arg2[%mul3A_0] : memref<320000xi32, #tpu.memory_space<hbm>> -> memref<10000xi32, #tpu.memory_space<hbm>>
    %dma_start3A_10 = arith.constant 0 : i32
    %dma_start3A_11 = tpu.memref_slice %arg4[%dma_start3A_10] : memref<10000xi32, #tpu.memory_space<vmem>> -> memref<10000xi32, #tpu.memory_space<vmem>>
    %dma_start3A_12 = tpu.memref_slice %arg2[%mul3A_0] : memref<320000xi32, #tpu.memory_space<hbm>> -> memref<10000xi32, #tpu.memory_space<hbm>>
    tpu.enqueue_dma source(%dma_start3A_12 : memref<10000xi32, #tpu.memory_space<hbm>>) target(%dma_start3A_11 : memref<10000xi32, #tpu.memory_space<vmem>>) target_semaphore(%arg10 : memref<!tpu.dma_semaphore, #tpu.memory_space<semaphore_mem>>)
    %add3A = arith.constant 160000 : i32
    %add3A_13 = arith.addi %add3A, %mul3A_0 : i32
    %dma_start3A_14 = arith.constant 0 : i32
    %dma_start3A_15 = tpu.memref_slice %arg5[%dma_start3A_14] : memref<10000xi32, #tpu.memory_space<vmem>> -> memref<10000xi32, #tpu.memory_space<vmem>>
    %dma_start3A_16 = tpu.memref_slice %arg2[%add3A_13] : memref<320000xi32, #tpu.memory_space<hbm>> -> memref<10000xi32, #tpu.memory_space<hbm>>
    %dma_start3A_17 = arith.constant 0 : i32
    %dma_start3A_18 = tpu.memref_slice %arg5[%dma_start3A_17] : memref<10000xi32, #tpu.memory_space<vmem>> -> memref<10000xi32, #tpu.memory_space<vmem>>
    %dma_start3A_19 = tpu.memref_slice %arg2[%add3A_13] : memref<320000xi32, #tpu.memory_space<hbm>> -> memref<10000xi32, #tpu.memory_space<hbm>>
    tpu.enqueue_dma source(%dma_start3A_19 : memref<10000xi32, #tpu.memory_space<hbm>>) target(%dma_start3A_18 : memref<10000xi32, #tpu.memory_space<vmem>>) target_semaphore(%arg10 : memref<!tpu.dma_semaphore, #tpu.memory_space<semaphore_mem>>)
    "tpu.trace_start"() <{level = 10 : i32, message = "p1_zbuf"}> : () -> ()
    %scan3A = arith.constant 0 : i32
    %scan3A_20 = arith.constant 0 : i32
    %scan3A_21 = arith.constant 250 : i32
    %scan3A_22 = arith.addi %scan3A_20, %scan3A_21 : i32
    %scan3A_23 = arith.constant 1 : i32
    scf.for %scan3A_1124 = %scan3A_20 to %scan3A_22 step %scan3A_23  : i32 {
      %mul3A_1125 = arith.constant 128 : i32
      %mul3A_1126 = arith.muli %scan3A_1124, %mul3A_1125 : i32
      %add3A_1127 = arith.constant 0 : i32
      %add3A_1128 = arith.addi %mul3A_1126, %add3A_1127 : i32
      %swap3A_1129 = arith.index_cast %add3A_1128 : i32 to index
      %swap3A_1130 = tpu.vector_load %arg8[%swap3A_1129] {strides = array<i32>} : memref<32000xf32, #tpu.memory_space<vmem>>, vector<16xf32>,
      %swap3A_1131 = vector.shape_cast %swap3A_1130 : vector<16xf32> to vector<16xf32>
      %swap3A_1132 = vector.shape_cast %broadcast_in_dim3A_5 : vector<16xf32> to vector<16xf32>
      tpu.vector_store %arg8[%swap3A_1129], %swap3A_1132 {strides = array<i32>} : memref<32000xf32, #tpu.memory_space<vmem>>, vector<16xf32>,
      %mul3A_1133 = arith.constant 128 : i32
      %mul3A_1134 = arith.muli %scan3A_1124, %mul3A_1133 : i32
      %add3A_1135 = arith.constant 16 : i32
      %add3A_1136 = arith.addi %mul3A_1134, %add3A_1135 : i32
      %swap3A_1137 = arith.index_cast %add3A_1136 : i32 to index
      %swap3A_1138 = tpu.vector_load %arg8[%swap3A_1137] {strides = array<i32>} : memref<32000xf32, #tpu.memory_space<vmem>>, vector<16xf32>,
      %swap3A_1139 = vector.shape_cast %swap3A_1138 : vector<16xf32> to vector<16xf32>
      %swap3A_1140 = vector.shape_cast %broadcast_in_dim3A_5 : vector<16xf32> to vector<16xf32>
      tpu.vector_store %arg8[%swap3A_1137], %swap3A_1140 {strides = array<i32>} : memref<32000xf32, #tpu.memory_space<vmem>>, vector<16xf32>,
      %mul3A_1141 = arith.constant 128 : i32
      %mul3A_1142 = arith.muli %scan3A_1124, %mul3A_1141 : i32
      %add3A_1143 = arith.constant 32 : i32
      %add3A_1144 = arith.addi %mul3A_1142, %add3A_1143 : i32
      %swap3A_1145 = arith.index_cast %add3A_1144 : i32 to index
      %swap3A_1146 = tpu.vector_load %arg8[%swap3A_1145] {strides = array<i32>} : memref<32000xf32, #tpu.memory_space<vmem>>, vector<16xf32>,
      %swap3A_1147 = vector.shape_cast %swap3A_1146 : vector<16xf32> to vector<16xf32>
      %swap3A_1148 = vector.shape_cast %broadcast_in_dim3A_5 : vector<16xf32> to vector<16xf32>
      tpu.vector_store %arg8[%swap3A_1145], %swap3A_1148 {strides = array<i32>} : memref<32000xf32, #tpu.memory_space<vmem>>, vector<16xf32>,
      %mul3A_1149 = arith.constant 128 : i32
      %mul3A_1150 = arith.muli %scan3A_1124, %mul3A_1149 : i32
      %add3A_1151 = arith.constant 48 : i32
      %add3A_1152 = arith.addi %mul3A_1150, %add3A_1151 : i32
      %swap3A_1153 = arith.index_cast %add3A_1152 : i32 to index
      %swap3A_1154 = tpu.vector_load %arg8[%swap3A_1153] {strides = array<i32>} : memref<32000xf32, #tpu.memory_space<vmem>>, vector<16xf32>,
      %swap3A_1155 = vector.shape_cast %swap3A_1154 : vector<16xf32> to vector<16xf32>
      %swap3A_1156 = vector.shape_cast %broadcast_in_dim3A_5 : vector<16xf32> to vector<16xf32>
      tpu.vector_store %arg8[%swap3A_1153], %swap3A_1156 {strides = array<i32>} : memref<32000xf32, #tpu.memory_space<vmem>>, vector<16xf32>,
      %mul3A_1157 = arith.constant 128 : i32
      %mul3A_1158 = arith.muli %scan3A_1124, %mul3A_1157 : i32
      %add3A_1159 = arith.constant 64 : i32
      %add3A_1160 = arith.addi %mul3A_1158, %add3A_1159 : i32
      %swap3A_1161 = arith.index_cast %add3A_1160 : i32 to index
      %swap3A_1162 = tpu.vector_load %arg8[%swap3A_1161] {strides = array<i32>} : memref<32000xf32, #tpu.memory_space<vmem>>, vector<16xf32>,
      %swap3A_1163 = vector.shape_cast %swap3A_1162 : vector<16xf32> to vector<16xf32>
      %swap3A_1164 = vector.shape_cast %broadcast_in_dim3A_5 : vector<16xf32> to vector<16xf32>
      tpu.vector_store %arg8[%swap3A_1161], %swap3A_1164 {strides = array<i32>} : memref<32000xf32, #tpu.memory_space<vmem>>, vector<16xf32>,
      %mul3A_1165 = arith.constant 128 : i32
      %mul3A_1166 = arith.muli %scan3A_1124, %mul3A_1165 : i32
      %add3A_1167 = arith.constant 80 : i32
      %add3A_1168 = arith.addi %mul3A_1166, %add3A_1167 : i32
      %swap3A_1169 = arith.index_cast %add3A_1168 : i32 to index
      %swap3A_1170 = tpu.vector_load %arg8[%swap3A_1169] {strides = array<i32>} : memref<32000xf32, #tpu.memory_space<vmem>>, vector<16xf32>,
      %swap3A_1171 = vector.shape_cast %swap3A_1170 : vector<16xf32> to vector<16xf32>
      %swap3A_1172 = vector.shape_cast %broadcast_in_dim3A_5 : vector<16xf32> to vector<16xf32>
      tpu.vector_store %arg8[%swap3A_1169], %swap3A_1172 {strides = array<i32>} : memref<32000xf32, #tpu.memory_space<vmem>>, vector<16xf32>,
      %mul3A_1173 = arith.constant 128 : i32
      %mul3A_1174 = arith.muli %scan3A_1124, %mul3A_1173 : i32
      %add3A_1175 = arith.constant 96 : i32
      %add3A_1176 = arith.addi %mul3A_1174, %add3A_1175 : i32
      %swap3A_1177 = arith.index_cast %add3A_1176 : i32 to index
      %swap3A_1178 = tpu.vector_load %arg8[%swap3A_1177] {strides = array<i32>} : memref<32000xf32, #tpu.memory_space<vmem>>, vector<16xf32>,
      %swap3A_1179 = vector.shape_cast %swap3A_1178 : vector<16xf32> to vector<16xf32>
      %swap3A_1180 = vector.shape_cast %broadcast_in_dim3A_5 : vector<16xf32> to vector<16xf32>
      tpu.vector_store %arg8[%swap3A_1177], %swap3A_1180 {strides = array<i32>} : memref<32000xf32, #tpu.memory_space<vmem>>, vector<16xf32>,
      %mul3A_1181 = arith.constant 128 : i32
      %mul3A_1182 = arith.muli %scan3A_1124, %mul3A_1181 : i32
      %add3A_1183 = arith.constant 112 : i32
      %add3A_1184 = arith.addi %mul3A_1182, %add3A_1183 : i32
      %swap3A_1185 = arith.index_cast %add3A_1184 : i32 to index
      %swap3A_1186 = tpu.vector_load %arg8[%swap3A_1185] {strides = array<i32>} : memref<32000xf32, #tpu.memory_space<vmem>>, vector<16xf32>,
      %swap3A_1187 = vector.shape_cast %swap3A_1186 : vector<16xf32> to vector<16xf32>
      %swap3A_1188 = vector.shape_cast %broadcast_in_dim3A_5 : vector<16xf32> to vector<16xf32>
      tpu.vector_store %arg8[%swap3A_1185], %swap3A_1188 {strides = array<i32>} : memref<32000xf32, #tpu.memory_space<vmem>>, vector<16xf32>,
    }
    %scan3A_24 = arith.constant 250 : i32
    "tpu.trace_stop"() : () -> ()
    "tpu.trace_start"() <{level = 10 : i32, message = "p2_zerotable"}> : () -> ()
    %add3A_25 = arith.constant 0 : i32
    %add3A_26 = arith.addi %arg1, %add3A_25 : i32
    %lt3A = arith.constant 20 : i32
    %lt3A_27 = arith.cmpi slt, %add3A_26, %lt3A : i32
    %convert_element_type3A = arith.extui %lt3A_27 : i1 to i32
    %cond3A = arith.constant 0 : i32
    %cond3A_28 = arith.cmpi ne, %convert_element_type3A, %cond3A : i32
    scf.if %cond3A_28 {
      %mul3A_1124 = arith.constant 32000 : i32
      %mul3A_1125 = arith.muli %add3A_26, %mul3A_1124 : i32
      "tpu.region"() ({
        %run_scoped3A = tpu.sem_alloc : memref<!tpu.dma_semaphore, #tpu.memory_space<semaphore_mem>>
        %dma_start3A_1126 = tpu.memref_slice %arg9[%mul3A_1125] : memref<640256xf32, #tpu.memory_space<vmem_shared>> -> memref<32000xf32, #tpu.memory_space<vmem_shared>>
        %dma_start3A_1127 = tpu.memref_slice %arg9[%mul3A_1125] : memref<640256xf32, #tpu.memory_space<vmem_shared>> -> memref<32000xf32, #tpu.memory_space<vmem_shared>>
        tpu.enqueue_dma source(%arg8 : memref<32000xf32, #tpu.memory_space<vmem>>) target(%dma_start3A_1127 : memref<32000xf32, #tpu.memory_space<vmem_shared>>) target_semaphore(%run_scoped3A : memref<!tpu.dma_semaphore, #tpu.memory_space<semaphore_mem>>)
        %dma_wait3A_1128 = tpu.memref_slice %arg9[%mul3A_1125] : memref<640256xf32, #tpu.memory_space<vmem_shared>> -> memref<32000xf32, #tpu.memory_space<vmem_shared>>
        %dma_wait3A_1129 = tpu.memref_slice %arg9[%mul3A_1125] : memref<640256xf32, #tpu.memory_space<vmem_shared>> -> memref<32000xf32, #tpu.memory_space<vmem_shared>>
        tpu.wait_dma2 semaphore(%run_scoped3A : memref<!tpu.dma_semaphore, #tpu.memory_space<semaphore_mem>>) src(%arg8 : memref<32000xf32, #tpu.memory_space<vmem>>) dst(%dma_wait3A_1129 : memref<32000xf32, #tpu.memory_space<vmem_shared>>)
        tpu.yield
      }) : () -> ()
    } else {
    }
    %add3A_29 = arith.constant 16 : i32
    %add3A_30 = arith.addi %arg1, %add3A_29 : i32
    %lt3A_31 = arith.constant 20 : i32
    %lt3A_32 = arith.cmpi slt, %add3A_30, %lt3A_31 : i32
    %convert_element_type3A_33 = arith.extui %lt3A_32 : i1 to i32
    %cond3A_34 = arith.constant 0 : i32
    %cond3A_35 = arith.cmpi ne, %convert_element_type3A_33, %cond3A_34 : i32
    scf.if %cond3A_35 {
      %mul3A_1124 = arith.constant 32000 : i32
      %mul3A_1125 = arith.muli %add3A_30, %mul3A_1124 : i32
      "tpu.region"() ({
        %run_scoped3A = tpu.sem_alloc : memref<!tpu.dma_semaphore, #tpu.memory_space<semaphore_mem>>
        %dma_start3A_1126 = tpu.memref_slice %arg9[%mul3A_1125] : memref<640256xf32, #tpu.memory_space<vmem_shared>> -> memref<32000xf32, #tpu.memory_space<vmem_shared>>
        %dma_start3A_1127 = tpu.memref_slice %arg9[%mul3A_1125] : memref<640256xf32, #tpu.memory_space<vmem_shared>> -> memref<32000xf32, #tpu.memory_space<vmem_shared>>
        tpu.enqueue_dma source(%arg8 : memref<32000xf32, #tpu.memory_space<vmem>>) target(%dma_start3A_1127 : memref<32000xf32, #tpu.memory_space<vmem_shared>>) target_semaphore(%run_scoped3A : memref<!tpu.dma_semaphore, #tpu.memory_space<semaphore_mem>>)
        %dma_wait3A_1128 = tpu.memref_slice %arg9[%mul3A_1125] : memref<640256xf32, #tpu.memory_space<vmem_shared>> -> memref<32000xf32, #tpu.memory_space<vmem_shared>>
        %dma_wait3A_1129 = tpu.memref_slice %arg9[%mul3A_1125] : memref<640256xf32, #tpu.memory_space<vmem_shared>> -> memref<32000xf32, #tpu.memory_space<vmem_shared>>
        tpu.wait_dma2 semaphore(%run_scoped3A : memref<!tpu.dma_semaphore, #tpu.memory_space<semaphore_mem>>) src(%arg8 : memref<32000xf32, #tpu.memory_space<vmem>>) dst(%dma_wait3A_1129 : memref<32000xf32, #tpu.memory_space<vmem_shared>>)
        tpu.yield
      }) : () -> ()
    } else {
    }
    %eq3A = arith.constant 0 : i32
    %eq3A_36 = arith.cmpi eq, %arg1, %eq3A : i32
    %convert_element_type3A_37 = arith.extui %eq3A_36 : i1 to i32
    %cond3A_38 = arith.constant 0 : i32
    %cond3A_39 = arith.cmpi ne, %convert_element_type3A_37, %cond3A_38 : i32
    scf.if %cond3A_39 {
      "tpu.region"() ({
        %run_scoped3A = tpu.sem_alloc : memref<!tpu.dma_semaphore, #tpu.memory_space<semaphore_mem>>
        %dma_start3A_1124 = arith.constant 0 : i32
        %dma_start3A_1125 = tpu.memref_slice %arg8[%dma_start3A_1124] : memref<32000xf32, #tpu.memory_space<vmem>> -> memref<256xf32, #tpu.memory_space<vmem>>
        %dma_start3A_1126 = arith.constant 640000 : i32
        %dma_start3A_1127 = tpu.memref_slice %arg9[%dma_start3A_1126] : memref<640256xf32, #tpu.memory_space<vmem_shared>> -> memref<256xf32, #tpu.memory_space<vmem_shared>>
        %dma_start3A_1128 = arith.constant 640000 : i32
        %dma_start3A_1129 = tpu.memref_slice %arg9[%dma_start3A_1128] : memref<640256xf32, #tpu.memory_space<vmem_shared>> -> memref<256xf32, #tpu.memory_space<vmem_shared>>
        %dma_start3A_1130 = arith.constant 0 : i32
        %dma_start3A_1131 = tpu.memref_slice %arg8[%dma_start3A_1130] : memref<32000xf32, #tpu.memory_space<vmem>> -> memref<256xf32, #tpu.memory_space<vmem>>
        tpu.enqueue_dma source(%dma_start3A_1131 : memref<256xf32, #tpu.memory_space<vmem>>) target(%dma_start3A_1129 : memref<256xf32, #tpu.memory_space<vmem_shared>>) target_semaphore(%run_scoped3A : memref<!tpu.dma_semaphore, #tpu.memory_space<semaphore_mem>>)
        %dma_wait3A_1132 = arith.constant 0 : i32
        %dma_wait3A_1133 = tpu.memref_slice %arg8[%dma_wait3A_1132] : memref<32000xf32, #tpu.memory_space<vmem>> -> memref<256xf32, #tpu.memory_space<vmem>>
        %dma_wait3A_1134 = arith.constant 640000 : i32
        %dma_wait3A_1135 = tpu.memref_slice %arg9[%dma_wait3A_1134] : memref<640256xf32, #tpu.memory_space<vmem_shared>> -> memref<256xf32, #tpu.memory_space<vmem_shared>>
        %dma_wait3A_1136 = arith.constant 640000 : i32
        %dma_wait3A_1137 = tpu.memref_slice %arg9[%dma_wait3A_1136] : memref<640256xf32, #tpu.memory_space<vmem_shared>> -> memref<256xf32, #tpu.memory_space<vmem_shared>>
        %dma_wait3A_1138 = arith.constant 0 : i32
        %dma_wait3A_1139 = tpu.memref_slice %arg8[%dma_wait3A_1138] : memref<32000xf32, #tpu.memory_space<vmem>> -> memref<256xf32, #tpu.memory_space<vmem>>
        tpu.wait_dma2 semaphore(%run_scoped3A : memref<!tpu.dma_semaphore, #tpu.memory_space<semaphore_mem>>) src(%dma_wait3A_1139 : memref<256xf32, #tpu.memory_space<vmem>>) dst(%dma_wait3A_1137 : memref<256xf32, #tpu.memory_space<vmem_shared>>)
        tpu.yield
      }) : () -> ()
    } else {
    }
    "tpu.trace_stop"() : () -> ()
    %swap3A = arith.constant 0 : index
    %swap3A_40 = tpu.vector_load %arg7[%swap3A] {strides = array<i32>} : memref<128xf32, #tpu.memory_space<vmem>>, vector<16xf32>,
    %swap3A_41 = vector.shape_cast %swap3A_40 : vector<16xf32> to vector<16xf32>
    %swap3A_42 = vector.shape_cast %broadcast_in_dim3A_3 : vector<16xf32> to vector<16xf32>
    tpu.vector_store %arg7[%swap3A], %swap3A_42 {strides = array<i32>} : memref<128xf32, #tpu.memory_space<vmem>>, vector<16xf32>,
    %swap3A_43 = arith.constant 16 : index
    %swap3A_44 = tpu.vector_load %arg7[%swap3A_43] {strides = array<i32>} : memref<128xf32, #tpu.memory_space<vmem>>, vector<16xf32>,
    %swap3A_45 = vector.shape_cast %swap3A_44 : vector<16xf32> to vector<16xf32>
    %swap3A_46 = vector.shape_cast %broadcast_in_dim3A_3 : vector<16xf32> to vector<16xf32>
    tpu.vector_store %arg7[%swap3A_43], %swap3A_46 {strides = array<i32>} : memref<128xf32, #tpu.memory_space<vmem>>, vector<16xf32>,
    %swap3A_47 = arith.constant 32 : index
    %swap3A_48 = tpu.vector_load %arg7[%swap3A_47] {strides = array<i32>} : memref<128xf32, #tpu.memory_space<vmem>>, vector<16xf32>,
    %swap3A_49 = vector.shape_cast %swap3A_48 : vector<16xf32> to vector<16xf32>
    %swap3A_50 = vector.shape_cast %broadcast_in_dim3A_3 : vector<16xf32> to vector<16xf32>
    tpu.vector_store %arg7[%swap3A_47], %swap3A_50 {strides = array<i32>} : memref<128xf32, #tpu.memory_space<vmem>>, vector<16xf32>,
    %swap3A_51 = arith.constant 48 : index
    %swap3A_52 = tpu.vector_load %arg7[%swap3A_51] {strides = array<i32>} : memref<128xf32, #tpu.memory_space<vmem>>, vector<16xf32>,
    %swap3A_53 = vector.shape_cast %swap3A_52 : vector<16xf32> to vector<16xf32>
    %swap3A_54 = vector.shape_cast %broadcast_in_dim3A_3 : vector<16xf32> to vector<16xf32>
    tpu.vector_store %arg7[%swap3A_51], %swap3A_54 {strides = array<i32>} : memref<128xf32, #tpu.memory_space<vmem>>, vector<16xf32>,
    %swap3A_55 = arith.constant 64 : index
    %swap3A_56 = tpu.vector_load %arg7[%swap3A_55] {strides = array<i32>} : memref<128xf32, #tpu.memory_space<vmem>>, vector<16xf32>,
    %swap3A_57 = vector.shape_cast %swap3A_56 : vector<16xf32> to vector<16xf32>
    %swap3A_58 = vector.shape_cast %broadcast_in_dim3A_3 : vector<16xf32> to vector<16xf32>
    tpu.vector_store %arg7[%swap3A_55], %swap3A_58 {strides = array<i32>} : memref<128xf32, #tpu.memory_space<vmem>>, vector<16xf32>,
    %swap3A_59 = arith.constant 80 : index
    %swap3A_60 = tpu.vector_load %arg7[%swap3A_59] {strides = array<i32>} : memref<128xf32, #tpu.memory_space<vmem>>, vector<16xf32>,
    %swap3A_61 = vector.shape_cast %swap3A_60 : vector<16xf32> to vector<16xf32>
    %swap3A_62 = vector.shape_cast %broadcast_in_dim3A_3 : vector<16xf32> to vector<16xf32>
    tpu.vector_store %arg7[%swap3A_59], %swap3A_62 {strides = array<i32>} : memref<128xf32, #tpu.memory_space<vmem>>, vector<16xf32>,
    %swap3A_63 = arith.constant 96 : index
    %swap3A_64 = tpu.vector_load %arg7[%swap3A_63] {strides = array<i32>} : memref<128xf32, #tpu.memory_space<vmem>>, vector<16xf32>,
    %swap3A_65 = vector.shape_cast %swap3A_64 : vector<16xf32> to vector<16xf32>
    %swap3A_66 = vector.shape_cast %broadcast_in_dim3A_3 : vector<16xf32> to vector<16xf32>
    tpu.vector_store %arg7[%swap3A_63], %swap3A_66 {strides = array<i32>} : memref<128xf32, #tpu.memory_space<vmem>>, vector<16xf32>,
    %swap3A_67 = arith.constant 112 : index
    %swap3A_68 = tpu.vector_load %arg7[%swap3A_67] {strides = array<i32>} : memref<128xf32, #tpu.memory_space<vmem>>, vector<16xf32>,
    %swap3A_69 = vector.shape_cast %swap3A_68 : vector<16xf32> to vector<16xf32>
    %swap3A_70 = vector.shape_cast %broadcast_in_dim3A_3 : vector<16xf32> to vector<16xf32>
    tpu.vector_store %arg7[%swap3A_67], %swap3A_70 {strides = array<i32>} : memref<128xf32, #tpu.memory_space<vmem>>, vector<16xf32>,
    "tpu.trace_start"() <{level = 10 : i32, message = "p3_edgewait"}> : () -> ()
    %dma_wait3A = arith.constant 0 : i32
    %dma_wait3A_71 = tpu.memref_slice %arg4[%dma_wait3A] : memref<10000xi32, #tpu.memory_space<vmem>> -> memref<10000xi32, #tpu.memory_space<vmem>>
    %dma_wait3A_72 = tpu.memref_slice %arg2[%mul3A_0] : memref<320000xi32, #tpu.memory_space<hbm>> -> memref<10000xi32, #tpu.memory_space<hbm>>
    %dma_wait3A_73 = arith.constant 0 : i32
    %dma_wait3A_74 = tpu.memref_slice %arg4[%dma_wait3A_73] : memref<10000xi32, #tpu.memory_space<vmem>> -> memref<10000xi32, #tpu.memory_space<vmem>>
    %dma_wait3A_75 = tpu.memref_slice %arg2[%mul3A_0] : memref<320000xi32, #tpu.memory_space<hbm>> -> memref<10000xi32, #tpu.memory_space<hbm>>
    tpu.wait_dma2 semaphore(%arg10 : memref<!tpu.dma_semaphore, #tpu.memory_space<semaphore_mem>>) src(%dma_wait3A_75 : memref<10000xi32, #tpu.memory_space<hbm>>) dst(%dma_wait3A_74 : memref<10000xi32, #tpu.memory_space<vmem>>)
    %dma_wait3A_76 = arith.constant 0 : i32
    %dma_wait3A_77 = tpu.memref_slice %arg5[%dma_wait3A_76] : memref<10000xi32, #tpu.memory_space<vmem>> -> memref<10000xi32, #tpu.memory_space<vmem>>
    %dma_wait3A_78 = tpu.memref_slice %arg2[%add3A_13] : memref<320000xi32, #tpu.memory_space<hbm>> -> memref<10000xi32, #tpu.memory_space<hbm>>
    %dma_wait3A_79 = arith.constant 0 : i32
    %dma_wait3A_80 = tpu.memref_slice %arg5[%dma_wait3A_79] : memref<10000xi32, #tpu.memory_space<vmem>> -> memref<10000xi32, #tpu.memory_space<vmem>>
    %dma_wait3A_81 = tpu.memref_slice %arg2[%add3A_13] : memref<320000xi32, #tpu.memory_space<hbm>> -> memref<10000xi32, #tpu.memory_space<hbm>>
    tpu.wait_dma2 semaphore(%arg10 : memref<!tpu.dma_semaphore, #tpu.memory_space<semaphore_mem>>) src(%dma_wait3A_81 : memref<10000xi32, #tpu.memory_space<hbm>>) dst(%dma_wait3A_80 : memref<10000xi32, #tpu.memory_space<vmem>>)
    "tpu.trace_stop"() : () -> ()
    "tpu.trace_start"() <{level = 10 : i32, message = "p4_idx"}> : () -> ()
    %scan3A_82 = arith.constant 0 : i32
    %scan3A_83 = arith.constant 0 : i32
    %scan3A_84 = arith.constant 78 : i32
    %scan3A_85 = arith.addi %scan3A_83, %scan3A_84 : i32
    %scan3A_86 = arith.constant 1 : i32
    scf.for %scan3A_1124 = %scan3A_83 to %scan3A_85 step %scan3A_86  : i32 {
      %mul3A_1125 = arith.constant 128 : i32
      %mul3A_1126 = arith.muli %scan3A_1124, %mul3A_1125 : i32
      %add3A_1127 = arith.constant 0 : i32
      %add3A_1128 = arith.addi %mul3A_1126, %add3A_1127 : i32
      %get3A_1129 = arith.index_cast %add3A_1128 : i32 to index
      %get3A_1130 = tpu.vector_load %arg4[%get3A_1129] {strides = array<i32>} : memref<10000xi32, #tpu.memory_space<vmem>>, vector<16xi32>,
      %get3A_1131 = vector.shape_cast %get3A_1130 : vector<16xi32> to vector<16xi32>
      %get3A_1132 = arith.index_cast %add3A_1128 : i32 to index
      %get3A_1133 = tpu.vector_load %arg5[%get3A_1132] {strides = array<i32>} : memref<10000xi32, #tpu.memory_space<vmem>>, vector<16xi32>,
      %get3A_1134 = vector.shape_cast %get3A_1133 : vector<16xi32> to vector<16xi32>
      %sub3A_1135 = vector.broadcast %mul3A_2 : i32 to vector<16xi32>
      %sub3A_1136 = arith.subi %get3A_1134, %sub3A_1135 : vector<16xi32>
      %mul3A_1137 = arith.constant 128 : i32
      %mul3A_1138 = vector.broadcast %mul3A_1137 : i32 to vector<16xi32>
      %mul3A_1139 = arith.muli %sub3A_1136, %mul3A_1138 : vector<16xi32>
      %mul3A_1140 = arith.constant 5243 : i32
      %mul3A_1141 = vector.broadcast %mul3A_1140 : i32 to vector<16xi32>
      %mul3A_1142 = arith.muli %get3A_1131, %mul3A_1141 : vector<16xi32>
      %shift_right_logical3A_1143 = arith.constant 19 : i32
      %shift_right_logical3A_1144 = vector.broadcast %shift_right_logical3A_1143 : i32 to vector<16xi32>
      %shift_right_logical3A_1145 = arith.shrui %mul3A_1142, %shift_right_logical3A_1144 : vector<16xi32>
      %mul3A_1146 = arith.constant 100 : i32
      %mul3A_1147 = vector.broadcast %mul3A_1146 : i32 to vector<16xi32>
      %mul3A_1148 = arith.muli %shift_right_logical3A_1145, %mul3A_1147 : vector<16xi32>
      %sub3A_1149 = arith.subi %get3A_1131, %mul3A_1148 : vector<16xi32>
      %add3A_1150 = arith.addi %mul3A_1139, %sub3A_1149 : vector<16xi32>
      %ge3A_1151 = arith.constant 0 : i32
      %ge3A_1152 = vector.broadcast %ge3A_1151 : i32 to vector<16xi32>
      %ge3A_1153 = arith.cmpi sge, %sub3A_1136, %ge3A_1152 : vector<16xi32>
      %lt3A_1154 = arith.constant 5000 : i32
      %lt3A_1155 = vector.broadcast %lt3A_1154 : i32 to vector<16xi32>
      %lt3A_1156 = arith.cmpi slt, %sub3A_1136, %lt3A_1155 : vector<16xi32>
      %and3A_1157 = arith.andi %ge3A_1153, %lt3A_1156 : vector<16xi1>
      %jit3A_1158 = arith.constant 640000 : i32
      %broadcast_in_dim3A_1159 = vector.broadcast %jit3A_1158 : i32 to vector<16xi32>
      %select_n3A_1160 = arith.select %and3A_1157, %add3A_1150, %broadcast_in_dim3A_1159 : vector<16xi1>, vector<16xi32>
      %swap3A_1161 = arith.index_cast %scan3A_1124 : i32 to index
      %swap3A_1162 = arith.constant 0 : index
      %swap3A_1163 = tpu.vector_load %arg6[%swap3A_1161, %swap3A_1162] {strides = array<i32>} : memref<79x128xi32, #tpu.memory_space<vmem>>, vector<1x16xi32>,
      %swap3A_1164 = vector.shape_cast %swap3A_1163 : vector<1x16xi32> to vector<16xi32>
      %swap3A_1165 = vector.shape_cast %select_n3A_1160 : vector<16xi32> to vector<1x16xi32>
      tpu.vector_store %arg6[%swap3A_1161, %swap3A_1162], %swap3A_1165 {strides = array<i32>} : memref<79x128xi32, #tpu.memory_space<vmem>>, vector<1x16xi32>,
      %add3A_1166 = arith.constant 16 : i32
      %add3A_1167 = arith.addi %mul3A_1126, %add3A_1166 : i32
      %get3A_1168 = arith.index_cast %add3A_1167 : i32 to index
      %get3A_1169 = tpu.vector_load %arg4[%get3A_1168] {strides = array<i32>} : memref<10000xi32, #tpu.memory_space<vmem>>, vector<16xi32>,
      %get3A_1170 = vector.shape_cast %get3A_1169 : vector<16xi32> to vector<16xi32>
      %get3A_1171 = arith.index_cast %add3A_1167 : i32 to index
      %get3A_1172 = tpu.vector_load %arg5[%get3A_1171] {strides = array<i32>} : memref<10000xi32, #tpu.memory_space<vmem>>, vector<16xi32>,
      %get3A_1173 = vector.shape_cast %get3A_1172 : vector<16xi32> to vector<16xi32>
      %sub3A_1174 = vector.broadcast %mul3A_2 : i32 to vector<16xi32>
      %sub3A_1175 = arith.subi %get3A_1173, %sub3A_1174 : vector<16xi32>
      %mul3A_1176 = arith.constant 128 : i32
      %mul3A_1177 = vector.broadcast %mul3A_1176 : i32 to vector<16xi32>
      %mul3A_1178 = arith.muli %sub3A_1175, %mul3A_1177 : vector<16xi32>
      %mul3A_1179 = arith.constant 5243 : i32
      %mul3A_1180 = vector.broadcast %mul3A_1179 : i32 to vector<16xi32>
      %mul3A_1181 = arith.muli %get3A_1170, %mul3A_1180 : vector<16xi32>
      %shift_right_logical3A_1182 = arith.constant 19 : i32
      %shift_right_logical3A_1183 = vector.broadcast %shift_right_logical3A_1182 : i32 to vector<16xi32>
      %shift_right_logical3A_1184 = arith.shrui %mul3A_1181, %shift_right_logical3A_1183 : vector<16xi32>
      %mul3A_1185 = arith.constant 100 : i32
      %mul3A_1186 = vector.broadcast %mul3A_1185 : i32 to vector<16xi32>
      %mul3A_1187 = arith.muli %shift_right_logical3A_1184, %mul3A_1186 : vector<16xi32>
      %sub3A_1188 = arith.subi %get3A_1170, %mul3A_1187 : vector<16xi32>
      %add3A_1189 = arith.addi %mul3A_1178, %sub3A_1188 : vector<16xi32>
      %ge3A_1190 = arith.constant 0 : i32
      %ge3A_1191 = vector.broadcast %ge3A_1190 : i32 to vector<16xi32>
      %ge3A_1192 = arith.cmpi sge, %sub3A_1175, %ge3A_1191 : vector<16xi32>
      %lt3A_1193 = arith.constant 5000 : i32
      %lt3A_1194 = vector.broadcast %lt3A_1193 : i32 to vector<16xi32>
      %lt3A_1195 = arith.cmpi slt, %sub3A_1175, %lt3A_1194 : vector<16xi32>
      %and3A_1196 = arith.andi %ge3A_1192, %lt3A_1195 : vector<16xi1>
      %jit3A_1197 = arith.constant 640000 : i32
      %broadcast_in_dim3A_1198 = vector.broadcast %jit3A_1197 : i32 to vector<16xi32>
      %select_n3A_1199 = arith.select %and3A_1196, %add3A_1189, %broadcast_in_dim3A_1198 : vector<16xi1>, vector<16xi32>
      %swap3A_1200 = arith.index_cast %scan3A_1124 : i32 to index
      %swap3A_1201 = arith.constant 16 : index
      %swap3A_1202 = tpu.vector_load %arg6[%swap3A_1200, %swap3A_1201] {strides = array<i32>} : memref<79x128xi32, #tpu.memory_space<vmem>>, vector<1x16xi32>,
      %swap3A_1203 = vector.shape_cast %swap3A_1202 : vector<1x16xi32> to vector<16xi32>
      %swap3A_1204 = vector.shape_cast %select_n3A_1199 : vector<16xi32> to vector<1x16xi32>
      tpu.vector_store %arg6[%swap3A_1200, %swap3A_1201], %swap3A_1204 {strides = array<i32>} : memref<79x128xi32, #tpu.memory_space<vmem>>, vector<1x16xi32>,
      %add3A_1205 = arith.constant 32 : i32
      %add3A_1206 = arith.addi %mul3A_1126, %add3A_1205 : i32
      %get3A_1207 = arith.index_cast %add3A_1206 : i32 to index
      %get3A_1208 = tpu.vector_load %arg4[%get3A_1207] {strides = array<i32>} : memref<10000xi32, #tpu.memory_space<vmem>>, vector<16xi32>,
      %get3A_1209 = vector.shape_cast %get3A_1208 : vector<16xi32> to vector<16xi32>
      %get3A_1210 = arith.index_cast %add3A_1206 : i32 to index
      %get3A_1211 = tpu.vector_load %arg5[%get3A_1210] {strides = array<i32>} : memref<10000xi32, #tpu.memory_space<vmem>>, vector<16xi32>,
      %get3A_1212 = vector.shape_cast %get3A_1211 : vector<16xi32> to vector<16xi32>
      %sub3A_1213 = vector.broadcast %mul3A_2 : i32 to vector<16xi32>
      %sub3A_1214 = arith.subi %get3A_1212, %sub3A_1213 : vector<16xi32>
      %mul3A_1215 = arith.constant 128 : i32
      %mul3A_1216 = vector.broadcast %mul3A_1215 : i32 to vector<16xi32>
      %mul3A_1217 = arith.muli %sub3A_1214, %mul3A_1216 : vector<16xi32>
      %mul3A_1218 = arith.constant 5243 : i32
      %mul3A_1219 = vector.broadcast %mul3A_1218 : i32 to vector<16xi32>
      %mul3A_1220 = arith.muli %get3A_1209, %mul3A_1219 : vector<16xi32>
      %shift_right_logical3A_1221 = arith.constant 19 : i32
      %shift_right_logical3A_1222 = vector.broadcast %shift_right_logical3A_1221 : i32 to vector<16xi32>
      %shift_right_logical3A_1223 = arith.shrui %mul3A_1220, %shift_right_logical3A_1222 : vector<16xi32>
      %mul3A_1224 = arith.constant 100 : i32
      %mul3A_1225 = vector.broadcast %mul3A_1224 : i32 to vector<16xi32>
      %mul3A_1226 = arith.muli %shift_right_logical3A_1223, %mul3A_1225 : vector<16xi32>
      %sub3A_1227 = arith.subi %get3A_1209, %mul3A_1226 : vector<16xi32>
      %add3A_1228 = arith.addi %mul3A_1217, %sub3A_1227 : vector<16xi32>
      %ge3A_1229 = arith.constant 0 : i32
      %ge3A_1230 = vector.broadcast %ge3A_1229 : i32 to vector<16xi32>
      %ge3A_1231 = arith.cmpi sge, %sub3A_1214, %ge3A_1230 : vector<16xi32>
      %lt3A_1232 = arith.constant 5000 : i32
      %lt3A_1233 = vector.broadcast %lt3A_1232 : i32 to vector<16xi32>
      %lt3A_1234 = arith.cmpi slt, %sub3A_1214, %lt3A_1233 : vector<16xi32>
      %and3A_1235 = arith.andi %ge3A_1231, %lt3A_1234 : vector<16xi1>
      %jit3A_1236 = arith.constant 640000 : i32
      %broadcast_in_dim3A_1237 = vector.broadcast %jit3A_1236 : i32 to vector<16xi32>
      %select_n3A_1238 = arith.select %and3A_1235, %add3A_1228, %broadcast_in_dim3A_1237 : vector<16xi1>, vector<16xi32>
      %swap3A_1239 = arith.index_cast %scan3A_1124 : i32 to index
      %swap3A_1240 = arith.constant 32 : index
      %swap3A_1241 = tpu.vector_load %arg6[%swap3A_1239, %swap3A_1240] {strides = array<i32>} : memref<79x128xi32, #tpu.memory_space<vmem>>, vector<1x16xi32>,
      %swap3A_1242 = vector.shape_cast %swap3A_1241 : vector<1x16xi32> to vector<16xi32>
      %swap3A_1243 = vector.shape_cast %select_n3A_1238 : vector<16xi32> to vector<1x16xi32>
      tpu.vector_store %arg6[%swap3A_1239, %swap3A_1240], %swap3A_1243 {strides = array<i32>} : memref<79x128xi32, #tpu.memory_space<vmem>>, vector<1x16xi32>,
      %add3A_1244 = arith.constant 48 : i32
      %add3A_1245 = arith.addi %mul3A_1126, %add3A_1244 : i32
      %get3A_1246 = arith.index_cast %add3A_1245 : i32 to index
      %get3A_1247 = tpu.vector_load %arg4[%get3A_1246] {strides = array<i32>} : memref<10000xi32, #tpu.memory_space<vmem>>, vector<16xi32>,
      %get3A_1248 = vector.shape_cast %get3A_1247 : vector<16xi32> to vector<16xi32>
      %get3A_1249 = arith.index_cast %add3A_1245 : i32 to index
      %get3A_1250 = tpu.vector_load %arg5[%get3A_1249] {strides = array<i32>} : memref<10000xi32, #tpu.memory_space<vmem>>, vector<16xi32>,
      %get3A_1251 = vector.shape_cast %get3A_1250 : vector<16xi32> to vector<16xi32>
      %sub3A_1252 = vector.broadcast %mul3A_2 : i32 to vector<16xi32>
      %sub3A_1253 = arith.subi %get3A_1251, %sub3A_1252 : vector<16xi32>
      %mul3A_1254 = arith.constant 128 : i32
      %mul3A_1255 = vector.broadcast %mul3A_1254 : i32 to vector<16xi32>
      %mul3A_1256 = arith.muli %sub3A_1253, %mul3A_1255 : vector<16xi32>
      %mul3A_1257 = arith.constant 5243 : i32
      %mul3A_1258 = vector.broadcast %mul3A_1257 : i32 to vector<16xi32>
      %mul3A_1259 = arith.muli %get3A_1248, %mul3A_1258 : vector<16xi32>
      %shift_right_logical3A_1260 = arith.constant 19 : i32
      %shift_right_logical3A_1261 = vector.broadcast %shift_right_logical3A_1260 : i32 to vector<16xi32>
      %shift_right_logical3A_1262 = arith.shrui %mul3A_1259, %shift_right_logical3A_1261 : vector<16xi32>
      %mul3A_1263 = arith.constant 100 : i32
      %mul3A_1264 = vector.broadcast %mul3A_1263 : i32 to vector<16xi32>
      %mul3A_1265 = arith.muli %shift_right_logical3A_1262, %mul3A_1264 : vector<16xi32>
      %sub3A_1266 = arith.subi %get3A_1248, %mul3A_1265 : vector<16xi32>
      %add3A_1267 = arith.addi %mul3A_1256, %sub3A_1266 : vector<16xi32>
      %ge3A_1268 = arith.constant 0 : i32
      %ge3A_1269 = vector.broadcast %ge3A_1268 : i32 to vector<16xi32>
      %ge3A_1270 = arith.cmpi sge, %sub3A_1253, %ge3A_1269 : vector<16xi32>
      %lt3A_1271 = arith.constant 5000 : i32
      %lt3A_1272 = vector.broadcast %lt3A_1271 : i32 to vector<16xi32>
      %lt3A_1273 = arith.cmpi slt, %sub3A_1253, %lt3A_1272 : vector<16xi32>
      %and3A_1274 = arith.andi %ge3A_1270, %lt3A_1273 : vector<16xi1>
      %jit3A_1275 = arith.constant 640000 : i32
      %broadcast_in_dim3A_1276 = vector.broadcast %jit3A_1275 : i32 to vector<16xi32>
      %select_n3A_1277 = arith.select %and3A_1274, %add3A_1267, %broadcast_in_dim3A_1276 : vector<16xi1>, vector<16xi32>
      %swap3A_1278 = arith.index_cast %scan3A_1124 : i32 to index
      %swap3A_1279 = arith.constant 48 : index
      %swap3A_1280 = tpu.vector_load %arg6[%swap3A_1278, %swap3A_1279] {strides = array<i32>} : memref<79x128xi32, #tpu.memory_space<vmem>>, vector<1x16xi32>,
      %swap3A_1281 = vector.shape_cast %swap3A_1280 : vector<1x16xi32> to vector<16xi32>
      %swap3A_1282 = vector.shape_cast %select_n3A_1277 : vector<16xi32> to vector<1x16xi32>
      tpu.vector_store %arg6[%swap3A_1278, %swap3A_1279], %swap3A_1282 {strides = array<i32>} : memref<79x128xi32, #tpu.memory_space<vmem>>, vector<1x16xi32>,
      %add3A_1283 = arith.constant 64 : i32
      %add3A_1284 = arith.addi %mul3A_1126, %add3A_1283 : i32
      %get3A_1285 = arith.index_cast %add3A_1284 : i32 to index
      %get3A_1286 = tpu.vector_load %arg4[%get3A_1285] {strides = array<i32>} : memref<10000xi32, #tpu.memory_space<vmem>>, vector<16xi32>,
      %get3A_1287 = vector.shape_cast %get3A_1286 : vector<16xi32> to vector<16xi32>
      %get3A_1288 = arith.index_cast %add3A_1284 : i32 to index
      %get3A_1289 = tpu.vector_load %arg5[%get3A_1288] {strides = array<i32>} : memref<10000xi32, #tpu.memory_space<vmem>>, vector<16xi32>,
      %get3A_1290 = vector.shape_cast %get3A_1289 : vector<16xi32> to vector<16xi32>
      %sub3A_1291 = vector.broadcast %mul3A_2 : i32 to vector<16xi32>
      %sub3A_1292 = arith.subi %get3A_1290, %sub3A_1291 : vector<16xi32>
      %mul3A_1293 = arith.constant 128 : i32
      %mul3A_1294 = vector.broadcast %mul3A_1293 : i32 to vector<16xi32>
      %mul3A_1295 = arith.muli %sub3A_1292, %mul3A_1294 : vector<16xi32>
      %mul3A_1296 = arith.constant 5243 : i32
      %mul3A_1297 = vector.broadcast %mul3A_1296 : i32 to vector<16xi32>
      %mul3A_1298 = arith.muli %get3A_1287, %mul3A_1297 : vector<16xi32>
      %shift_right_logical3A_1299 = arith.constant 19 : i32
      %shift_right_logical3A_1300 = vector.broadcast %shift_right_logical3A_1299 : i32 to vector<16xi32>
      %shift_right_logical3A_1301 = arith.shrui %mul3A_1298, %shift_right_logical3A_1300 : vector<16xi32>
      %mul3A_1302 = arith.constant 100 : i32
      %mul3A_1303 = vector.broadcast %mul3A_1302 : i32 to vector<16xi32>
      %mul3A_1304 = arith.muli %shift_right_logical3A_1301, %mul3A_1303 : vector<16xi32>
      %sub3A_1305 = arith.subi %get3A_1287, %mul3A_1304 : vector<16xi32>
      %add3A_1306 = arith.addi %mul3A_1295, %sub3A_1305 : vector<16xi32>
      %ge3A_1307 = arith.constant 0 : i32
      %ge3A_1308 = vector.broadcast %ge3A_1307 : i32 to vector<16xi32>
      %ge3A_1309 = arith.cmpi sge, %sub3A_1292, %ge3A_1308 : vector<16xi32>
      %lt3A_1310 = arith.constant 5000 : i32
      %lt3A_1311 = vector.broadcast %lt3A_1310 : i32 to vector<16xi32>
      %lt3A_1312 = arith.cmpi slt, %sub3A_1292, %lt3A_1311 : vector<16xi32>
      %and3A_1313 = arith.andi %ge3A_1309, %lt3A_1312 : vector<16xi1>
      %jit3A_1314 = arith.constant 640000 : i32
      %broadcast_in_dim3A_1315 = vector.broadcast %jit3A_1314 : i32 to vector<16xi32>
      %select_n3A_1316 = arith.select %and3A_1313, %add3A_1306, %broadcast_in_dim3A_1315 : vector<16xi1>, vector<16xi32>
      %swap3A_1317 = arith.index_cast %scan3A_1124 : i32 to index
      %swap3A_1318 = arith.constant 64 : index
      %swap3A_1319 = tpu.vector_load %arg6[%swap3A_1317, %swap3A_1318] {strides = array<i32>} : memref<79x128xi32, #tpu.memory_space<vmem>>, vector<1x16xi32>,
      %swap3A_1320 = vector.shape_cast %swap3A_1319 : vector<1x16xi32> to vector<16xi32>
      %swap3A_1321 = vector.shape_cast %select_n3A_1316 : vector<16xi32> to vector<1x16xi32>
      tpu.vector_store %arg6[%swap3A_1317, %swap3A_1318], %swap3A_1321 {strides = array<i32>} : memref<79x128xi32, #tpu.memory_space<vmem>>, vector<1x16xi32>,
      %add3A_1322 = arith.constant 80 : i32
      %add3A_1323 = arith.addi %mul3A_1126, %add3A_1322 : i32
      %get3A_1324 = arith.index_cast %add3A_1323 : i32 to index
      %get3A_1325 = tpu.vector_load %arg4[%get3A_1324] {strides = array<i32>} : memref<10000xi32, #tpu.memory_space<vmem>>, vector<16xi32>,
      %get3A_1326 = vector.shape_cast %get3A_1325 : vector<16xi32> to vector<16xi32>
      %get3A_1327 = arith.index_cast %add3A_1323 : i32 to index
      %get3A_1328 = tpu.vector_load %arg5[%get3A_1327] {strides = array<i32>} : memref<10000xi32, #tpu.memory_space<vmem>>, vector<16xi32>,
      %get3A_1329 = vector.shape_cast %get3A_1328 : vector<16xi32> to vector<16xi32>
      %sub3A_1330 = vector.broadcast %mul3A_2 : i32 to vector<16xi32>
      %sub3A_1331 = arith.subi %get3A_1329, %sub3A_1330 : vector<16xi32>
      %mul3A_1332 = arith.constant 128 : i32
      %mul3A_1333 = vector.broadcast %mul3A_1332 : i32 to vector<16xi32>
      %mul3A_1334 = arith.muli %sub3A_1331, %mul3A_1333 : vector<16xi32>
      %mul3A_1335 = arith.constant 5243 : i32
      %mul3A_1336 = vector.broadcast %mul3A_1335 : i32 to vector<16xi32>
      %mul3A_1337 = arith.muli %get3A_1326, %mul3A_1336 : vector<16xi32>
      %shift_right_logical3A_1338 = arith.constant 19 : i32
      %shift_right_logical3A_1339 = vector.broadcast %shift_right_logical3A_1338 : i32 to vector<16xi32>
      %shift_right_logical3A_1340 = arith.shrui %mul3A_1337, %shift_right_logical3A_1339 : vector<16xi32>
      %mul3A_1341 = arith.constant 100 : i32
      %mul3A_1342 = vector.broadcast %mul3A_1341 : i32 to vector<16xi32>
      %mul3A_1343 = arith.muli %shift_right_logical3A_1340, %mul3A_1342 : vector<16xi32>
      %sub3A_1344 = arith.subi %get3A_1326, %mul3A_1343 : vector<16xi32>
      %add3A_1345 = arith.addi %mul3A_1334, %sub3A_1344 : vector<16xi32>
      %ge3A_1346 = arith.constant 0 : i32
      %ge3A_1347 = vector.broadcast %ge3A_1346 : i32 to vector<16xi32>
      %ge3A_1348 = arith.cmpi sge, %sub3A_1331, %ge3A_1347 : vector<16xi32>
      %lt3A_1349 = arith.constant 5000 : i32
      %lt3A_1350 = vector.broadcast %lt3A_1349 : i32 to vector<16xi32>
      %lt3A_1351 = arith.cmpi slt, %sub3A_1331, %lt3A_1350 : vector<16xi32>
      %and3A_1352 = arith.andi %ge3A_1348, %lt3A_1351 : vector<16xi1>
      %jit3A_1353 = arith.constant 640000 : i32
      %broadcast_in_dim3A_1354 = vector.broadcast %jit3A_1353 : i32 to vector<16xi32>
      %select_n3A_1355 = arith.select %and3A_1352, %add3A_1345, %broadcast_in_dim3A_1354 : vector<16xi1>, vector<16xi32>
      %swap3A_1356 = arith.index_cast %scan3A_1124 : i32 to index
      %swap3A_1357 = arith.constant 80 : index
      %swap3A_1358 = tpu.vector_load %arg6[%swap3A_1356, %swap3A_1357] {strides = array<i32>} : memref<79x128xi32, #tpu.memory_space<vmem>>, vector<1x16xi32>,
      %swap3A_1359 = vector.shape_cast %swap3A_1358 : vector<1x16xi32> to vector<16xi32>
      %swap3A_1360 = vector.shape_cast %select_n3A_1355 : vector<16xi32> to vector<1x16xi32>
      tpu.vector_store %arg6[%swap3A_1356, %swap3A_1357], %swap3A_1360 {strides = array<i32>} : memref<79x128xi32, #tpu.memory_space<vmem>>, vector<1x16xi32>,
      %add3A_1361 = arith.constant 96 : i32
      %add3A_1362 = arith.addi %mul3A_1126, %add3A_1361 : i32
      %get3A_1363 = arith.index_cast %add3A_1362 : i32 to index
      %get3A_1364 = tpu.vector_load %arg4[%get3A_1363] {strides = array<i32>} : memref<10000xi32, #tpu.memory_space<vmem>>, vector<16xi32>,
      %get3A_1365 = vector.shape_cast %get3A_1364 : vector<16xi32> to vector<16xi32>
      %get3A_1366 = arith.index_cast %add3A_1362 : i32 to index
      %get3A_1367 = tpu.vector_load %arg5[%get3A_1366] {strides = array<i32>} : memref<10000xi32, #tpu.memory_space<vmem>>, vector<16xi32>,
      %get3A_1368 = vector.shape_cast %get3A_1367 : vector<16xi32> to vector<16xi32>
      %sub3A_1369 = vector.broadcast %mul3A_2 : i32 to vector<16xi32>
      %sub3A_1370 = arith.subi %get3A_1368, %sub3A_1369 : vector<16xi32>
      %mul3A_1371 = arith.constant 128 : i32
      %mul3A_1372 = vector.broadcast %mul3A_1371 : i32 to vector<16xi32>
      %mul3A_1373 = arith.muli %sub3A_1370, %mul3A_1372 : vector<16xi32>
      %mul3A_1374 = arith.constant 5243 : i32
      %mul3A_1375 = vector.broadcast %mul3A_1374 : i32 to vector<16xi32>
      %mul3A_1376 = arith.muli %get3A_1365, %mul3A_1375 : vector<16xi32>
      %shift_right_logical3A_1377 = arith.constant 19 : i32
      %shift_right_logical3A_1378 = vector.broadcast %shift_right_logical3A_1377 : i32 to vector<16xi32>
      %shift_right_logical3A_1379 = arith.shrui %mul3A_1376, %shift_right_logical3A_1378 : vector<16xi32>
      %mul3A_1380 = arith.constant 100 : i32
      %mul3A_1381 = vector.broadcast %mul3A_1380 : i32 to vector<16xi32>
      %mul3A_1382 = arith.muli %shift_right_logical3A_1379, %mul3A_1381 : vector<16xi32>
      %sub3A_1383 = arith.subi %get3A_1365, %mul3A_1382 : vector<16xi32>
      %add3A_1384 = arith.addi %mul3A_1373, %sub3A_1383 : vector<16xi32>
      %ge3A_1385 = arith.constant 0 : i32
      %ge3A_1386 = vector.broadcast %ge3A_1385 : i32 to vector<16xi32>
      %ge3A_1387 = arith.cmpi sge, %sub3A_1370, %ge3A_1386 : vector<16xi32>
      %lt3A_1388 = arith.constant 5000 : i32
      %lt3A_1389 = vector.broadcast %lt3A_1388 : i32 to vector<16xi32>
      %lt3A_1390 = arith.cmpi slt, %sub3A_1370, %lt3A_1389 : vector<16xi32>
      %and3A_1391 = arith.andi %ge3A_1387, %lt3A_1390 : vector<16xi1>
      %jit3A_1392 = arith.constant 640000 : i32
      %broadcast_in_dim3A_1393 = vector.broadcast %jit3A_1392 : i32 to vector<16xi32>
      %select_n3A_1394 = arith.select %and3A_1391, %add3A_1384, %broadcast_in_dim3A_1393 : vector<16xi1>, vector<16xi32>
      %swap3A_1395 = arith.index_cast %scan3A_1124 : i32 to index
      %swap3A_1396 = arith.constant 96 : index
      %swap3A_1397 = tpu.vector_load %arg6[%swap3A_1395, %swap3A_1396] {strides = array<i32>} : memref<79x128xi32, #tpu.memory_space<vmem>>, vector<1x16xi32>,
      %swap3A_1398 = vector.shape_cast %swap3A_1397 : vector<1x16xi32> to vector<16xi32>
      %swap3A_1399 = vector.shape_cast %select_n3A_1394 : vector<16xi32> to vector<1x16xi32>
      tpu.vector_store %arg6[%swap3A_1395, %swap3A_1396], %swap3A_1399 {strides = array<i32>} : memref<79x128xi32, #tpu.memory_space<vmem>>, vector<1x16xi32>,
      %add3A_1400 = arith.constant 112 : i32
      %add3A_1401 = arith.addi %mul3A_1126, %add3A_1400 : i32
      %get3A_1402 = arith.index_cast %add3A_1401 : i32 to index
      %get3A_1403 = tpu.vector_load %arg4[%get3A_1402] {strides = array<i32>} : memref<10000xi32, #tpu.memory_space<vmem>>, vector<16xi32>,
      %get3A_1404 = vector.shape_cast %get3A_1403 : vector<16xi32> to vector<16xi32>
      %get3A_1405 = arith.index_cast %add3A_1401 : i32 to index
      %get3A_1406 = tpu.vector_load %arg5[%get3A_1405] {strides = array<i32>} : memref<10000xi32, #tpu.memory_space<vmem>>, vector<16xi32>,
      %get3A_1407 = vector.shape_cast %get3A_1406 : vector<16xi32> to vector<16xi32>
      %sub3A_1408 = vector.broadcast %mul3A_2 : i32 to vector<16xi32>
      %sub3A_1409 = arith.subi %get3A_1407, %sub3A_1408 : vector<16xi32>
      %mul3A_1410 = arith.constant 128 : i32
      %mul3A_1411 = vector.broadcast %mul3A_1410 : i32 to vector<16xi32>
      %mul3A_1412 = arith.muli %sub3A_1409, %mul3A_1411 : vector<16xi32>
      %mul3A_1413 = arith.constant 5243 : i32
      %mul3A_1414 = vector.broadcast %mul3A_1413 : i32 to vector<16xi32>
      %mul3A_1415 = arith.muli %get3A_1404, %mul3A_1414 : vector<16xi32>
      %shift_right_logical3A_1416 = arith.constant 19 : i32
      %shift_right_logical3A_1417 = vector.broadcast %shift_right_logical3A_1416 : i32 to vector<16xi32>
      %shift_right_logical3A_1418 = arith.shrui %mul3A_1415, %shift_right_logical3A_1417 : vector<16xi32>
      %mul3A_1419 = arith.constant 100 : i32
      %mul3A_1420 = vector.broadcast %mul3A_1419 : i32 to vector<16xi32>
      %mul3A_1421 = arith.muli %shift_right_logical3A_1418, %mul3A_1420 : vector<16xi32>
      %sub3A_1422 = arith.subi %get3A_1404, %mul3A_1421 : vector<16xi32>
      %add3A_1423 = arith.addi %mul3A_1412, %sub3A_1422 : vector<16xi32>
      %ge3A_1424 = arith.constant 0 : i32
      %ge3A_1425 = vector.broadcast %ge3A_1424 : i32 to vector<16xi32>
      %ge3A_1426 = arith.cmpi sge, %sub3A_1409, %ge3A_1425 : vector<16xi32>
      %lt3A_1427 = arith.constant 5000 : i32
      %lt3A_1428 = vector.broadcast %lt3A_1427 : i32 to vector<16xi32>
      %lt3A_1429 = arith.cmpi slt, %sub3A_1409, %lt3A_1428 : vector<16xi32>
      %and3A_1430 = arith.andi %ge3A_1426, %lt3A_1429 : vector<16xi1>
      %jit3A_1431 = arith.constant 640000 : i32
      %broadcast_in_dim3A_1432 = vector.broadcast %jit3A_1431 : i32 to vector<16xi32>
      %select_n3A_1433 = arith.select %and3A_1430, %add3A_1423, %broadcast_in_dim3A_1432 : vector<16xi1>, vector<16xi32>
      %swap3A_1434 = arith.index_cast %scan3A_1124 : i32 to index
      %swap3A_1435 = arith.constant 112 : index
      %swap3A_1436 = tpu.vector_load %arg6[%swap3A_1434, %swap3A_1435] {strides = array<i32>} : memref<79x128xi32, #tpu.memory_space<vmem>>, vector<1x16xi32>,
      %swap3A_1437 = vector.shape_cast %swap3A_1436 : vector<1x16xi32> to vector<16xi32>
      %swap3A_1438 = vector.shape_cast %select_n3A_1433 : vector<16xi32> to vector<1x16xi32>
      tpu.vector_store %arg6[%swap3A_1434, %swap3A_1435], %swap3A_1438 {strides = array<i32>} : memref<79x128xi32, #tpu.memory_space<vmem>>, vector<1x16xi32>,
    }
    %scan3A_87 = arith.constant 78 : i32
    %get3A = arith.constant 9984 : index
    %get3A_88 = tpu.vector_load %arg4[%get3A] {strides = array<i32>} : memref<10000xi32, #tpu.memory_space<vmem>>, vector<16xi32>,
    %get3A_89 = vector.shape_cast %get3A_88 : vector<16xi32> to vector<16xi32>
    %get3A_90 = arith.constant 9984 : index
    %get3A_91 = tpu.vector_load %arg5[%get3A_90] {strides = array<i32>} : memref<10000xi32, #tpu.memory_space<vmem>>, vector<16xi32>,
    %get3A_92 = vector.shape_cast %get3A_91 : vector<16xi32> to vector<16xi32>
    %sub3A = vector.broadcast %mul3A_2 : i32 to vector<16xi32>
    %sub3A_93 = arith.subi %get3A_92, %sub3A : vector<16xi32>
    %mul3A_94 = arith.constant 128 : i32
    %mul3A_95 = vector.broadcast %mul3A_94 : i32 to vector<16xi32>
    %mul3A_96 = arith.muli %sub3A_93, %mul3A_95 : vector<16xi32>
    %mul3A_97 = arith.constant 5243 : i32
    %mul3A_98 = vector.broadcast %mul3A_97 : i32 to vector<16xi32>
    %mul3A_99 = arith.muli %get3A_89, %mul3A_98 : vector<16xi32>
    %shift_right_logical3A = arith.constant 19 : i32
    %shift_right_logical3A_100 = vector.broadcast %shift_right_logical3A : i32 to vector<16xi32>
    %shift_right_logical3A_101 = arith.shrui %mul3A_99, %shift_right_logical3A_100 : vector<16xi32>
    %mul3A_102 = arith.constant 100 : i32
    %mul3A_103 = vector.broadcast %mul3A_102 : i32 to vector<16xi32>
    %mul3A_104 = arith.muli %shift_right_logical3A_101, %mul3A_103 : vector<16xi32>
    %sub3A_105 = arith.subi %get3A_89, %mul3A_104 : vector<16xi32>
    %add3A_106 = arith.addi %mul3A_96, %sub3A_105 : vector<16xi32>
    %ge3A = arith.constant 0 : i32
    %ge3A_107 = vector.broadcast %ge3A : i32 to vector<16xi32>
    %ge3A_108 = arith.cmpi sge, %sub3A_93, %ge3A_107 : vector<16xi32>
    %lt3A_109 = arith.constant 5000 : i32
    %lt3A_110 = vector.broadcast %lt3A_109 : i32 to vector<16xi32>
    %lt3A_111 = arith.cmpi slt, %sub3A_93, %lt3A_110 : vector<16xi32>
    %and3A = arith.andi %ge3A_108, %lt3A_111 : vector<16xi1>
    %jit3A = arith.constant 640000 : i32
    %broadcast_in_dim3A_112 = vector.broadcast %jit3A : i32 to vector<16xi32>
    %select_n3A = arith.select %and3A, %add3A_106, %broadcast_in_dim3A_112 : vector<16xi1>, vector<16xi32>
    %swap3A_113 = arith.constant 78 : i32
    %swap3A_114 = arith.index_cast %swap3A_113 : i32 to index
    %swap3A_115 = arith.constant 0 : index
    %swap3A_116 = tpu.vector_load %arg6[%swap3A_114, %swap3A_115] {strides = array<i32>} : memref<79x128xi32, #tpu.memory_space<vmem>>, vector<1x16xi32>,
    %swap3A_117 = vector.shape_cast %swap3A_116 : vector<1x16xi32> to vector<16xi32>
    %swap3A_118 = vector.shape_cast %select_n3A : vector<16xi32> to vector<1x16xi32>
    tpu.vector_store %arg6[%swap3A_114, %swap3A_115], %swap3A_118 {strides = array<i32>} : memref<79x128xi32, #tpu.memory_space<vmem>>, vector<1x16xi32>,
    %swap3A_119 = arith.constant 78 : i32
    %swap3A_120 = arith.index_cast %swap3A_119 : i32 to index
    %swap3A_121 = arith.constant 16 : index
    %swap3A_122 = tpu.vector_load %arg6[%swap3A_120, %swap3A_121] {strides = array<i32>} : memref<79x128xi32, #tpu.memory_space<vmem>>, vector<1x16xi32>,
    %swap3A_123 = vector.shape_cast %swap3A_122 : vector<1x16xi32> to vector<16xi32>
    %swap3A_124 = vector.shape_cast %broadcast_in_dim3A_7 : vector<16xi32> to vector<1x16xi32>
    tpu.vector_store %arg6[%swap3A_120, %swap3A_121], %swap3A_124 {strides = array<i32>} : memref<79x128xi32, #tpu.memory_space<vmem>>, vector<1x16xi32>,
    %swap3A_125 = arith.constant 78 : i32
    %swap3A_126 = arith.index_cast %swap3A_125 : i32 to index
    %swap3A_127 = arith.constant 32 : index
    %swap3A_128 = tpu.vector_load %arg6[%swap3A_126, %swap3A_127] {strides = array<i32>} : memref<79x128xi32, #tpu.memory_space<vmem>>, vector<1x16xi32>,
    %swap3A_129 = vector.shape_cast %swap3A_128 : vector<1x16xi32> to vector<16xi32>
    %swap3A_130 = vector.shape_cast %broadcast_in_dim3A_7 : vector<16xi32> to vector<1x16xi32>
    tpu.vector_store %arg6[%swap3A_126, %swap3A_127], %swap3A_130 {strides = array<i32>} : memref<79x128xi32, #tpu.memory_space<vmem>>, vector<1x16xi32>,
    %swap3A_131 = arith.constant 78 : i32
    %swap3A_132 = arith.index_cast %swap3A_131 : i32 to index
    %swap3A_133 = arith.constant 48 : index
    %swap3A_134 = tpu.vector_load %arg6[%swap3A_132, %swap3A_133] {strides = array<i32>} : memref<79x128xi32, #tpu.memory_space<vmem>>, vector<1x16xi32>,
    %swap3A_135 = vector.shape_cast %swap3A_134 : vector<1x16xi32> to vector<16xi32>
    %swap3A_136 = vector.shape_cast %broadcast_in_dim3A_7 : vector<16xi32> to vector<1x16xi32>
    tpu.vector_store %arg6[%swap3A_132, %swap3A_133], %swap3A_136 {strides = array<i32>} : memref<79x128xi32, #tpu.memory_space<vmem>>, vector<1x16xi32>,
    %swap3A_137 = arith.constant 78 : i32
    %swap3A_138 = arith.index_cast %swap3A_137 : i32 to index
    %swap3A_139 = arith.constant 64 : index
    %swap3A_140 = tpu.vector_load %arg6[%swap3A_138, %swap3A_139] {strides = array<i32>} : memref<79x128xi32, #tpu.memory_space<vmem>>, vector<1x16xi32>,
    %swap3A_141 = vector.shape_cast %swap3A_140 : vector<1x16xi32> to vector<16xi32>
    %swap3A_142 = vector.shape_cast %broadcast_in_dim3A_7 : vector<16xi32> to vector<1x16xi32>
    tpu.vector_store %arg6[%swap3A_138, %swap3A_139], %swap3A_142 {strides = array<i32>} : memref<79x128xi32, #tpu.memory_space<vmem>>, vector<1x16xi32>,
    %swap3A_143 = arith.constant 78 : i32
    %swap3A_144 = arith.index_cast %swap3A_143 : i32 to index
    %swap3A_145 = arith.constant 80 : index
    %swap3A_146 = tpu.vector_load %arg6[%swap3A_144, %swap3A_145] {strides = array<i32>} : memref<79x128xi32, #tpu.memory_space<vmem>>, vector<1x16xi32>,
    %swap3A_147 = vector.shape_cast %swap3A_146 : vector<1x16xi32> to vector<16xi32>
    %swap3A_148 = vector.shape_cast %broadcast_in_dim3A_7 : vector<16xi32> to vector<1x16xi32>
    tpu.vector_store %arg6[%swap3A_144, %swap3A_145], %swap3A_148 {strides = array<i32>} : memref<79x128xi32, #tpu.memory_space<vmem>>, vector<1x16xi32>,
    %swap3A_149 = arith.constant 78 : i32
    %swap3A_150 = arith.index_cast %swap3A_149 : i32 to index
    %swap3A_151 = arith.constant 96 : index
    %swap3A_152 = tpu.vector_load %arg6[%swap3A_150, %swap3A_151] {strides = array<i32>} : memref<79x128xi32, #tpu.memory_space<vmem>>, vector<1x16xi32>,
    %swap3A_153 = vector.shape_cast %swap3A_152 : vector<1x16xi32> to vector<16xi32>
    %swap3A_154 = vector.shape_cast %broadcast_in_dim3A_7 : vector<16xi32> to vector<1x16xi32>
    tpu.vector_store %arg6[%swap3A_150, %swap3A_151], %swap3A_154 {strides = array<i32>} : memref<79x128xi32, #tpu.memory_space<vmem>>, vector<1x16xi32>,
    %swap3A_155 = arith.constant 78 : i32
    %swap3A_156 = arith.index_cast %swap3A_155 : i32 to index
    %swap3A_157 = arith.constant 112 : index
    %swap3A_158 = tpu.vector_load %arg6[%swap3A_156, %swap3A_157] {strides = array<i32>} : memref<79x128xi32, #tpu.memory_space<vmem>>, vector<1x16xi32>,
    %swap3A_159 = vector.shape_cast %swap3A_158 : vector<1x16xi32> to vector<16xi32>
    %swap3A_160 = vector.shape_cast %broadcast_in_dim3A_7 : vector<16xi32> to vector<1x16xi32>
    tpu.vector_store %arg6[%swap3A_156, %swap3A_157], %swap3A_160 {strides = array<i32>} : memref<79x128xi32, #tpu.memory_space<vmem>>, vector<1x16xi32>,
    "tpu.trace_stop"() : () -> ()
    "tpu.trace_start"() <{level = 10 : i32, message = "p5_bar1"}> : () -> ()
    %barrier3A = arith.constant 0 : index
    tpu.barrier barrier_id(%barrier3A)
    %dma_start3A_161 = arith.constant 0 : i32
    "tpu.trace_stop"() : () -> ()
    "tpu.trace_start"() <{level = 10 : i32, message = "p6_scatter"}> : () -> ()
    %dma_start3A_162 = arith.constant 0 : i32
    %dma_start3A_163 = tpu.memref_slice %arg6[%dma_start3A_161, %dma_start3A_162] : memref<79x128xi32, #tpu.memory_space<vmem>> -> memref<1x128xi32, #tpu.memory_space<vmem>>
    %dma_start3A_164 = tpu.memref_squeeze %dma_start3A_163 : memref<1x128xi32, #tpu.memory_space<vmem>> -> memref<128xi32, #tpu.memory_space<vmem>>
    %dma_start3A_165 = arith.constant 0 : i32
    %dma_start3A_166 = tpu.memref_slice %arg9[%dma_start3A_165] : memref<640256xf32, #tpu.memory_space<vmem_shared>> -> memref<640256xf32, #tpu.memory_space<vmem_shared>>
    tpu.enqueue_indirect_dma source(%arg7 : memref<128xf32, #tpu.memory_space<vmem>>) target(%dma_start3A_166 : memref<640256xf32, #tpu.memory_space<vmem_shared>>) offsets(%dma_start3A_164 : memref<128xi32, #tpu.memory_space<vmem>>) semaphore(%arg11 : memref<!tpu.dma_semaphore, #tpu.memory_space<semaphore_mem>>) {add = true}
    %dma_start3A_167 = arith.constant 1 : i32
    %dma_start3A_168 = arith.constant 0 : i32
    %dma_start3A_169 = tpu.memref_slice %arg6[%dma_start3A_167, %dma_start3A_168] : memref<79x128xi32, #tpu.memory_space<vmem>> -> memref<1x128xi32, #tpu.memory_space<vmem>>
    %dma_start3A_170 = tpu.memref_squeeze %dma_start3A_169 : memref<1x128xi32, #tpu.memory_space<vmem>> -> memref<128xi32, #tpu.memory_space<vmem>>
    %dma_start3A_171 = arith.constant 0 : i32
    %dma_start3A_172 = tpu.memref_slice %arg9[%dma_start3A_171] : memref<640256xf32, #tpu.memory_space<vmem_shared>> -> memref<640256xf32, #tpu.memory_space<vmem_shared>>
    tpu.enqueue_indirect_dma source(%arg7 : memref<128xf32, #tpu.memory_space<vmem>>) target(%dma_start3A_172 : memref<640256xf32, #tpu.memory_space<vmem_shared>>) offsets(%dma_start3A_170 : memref<128xi32, #tpu.memory_space<vmem>>) semaphore(%arg11 : memref<!tpu.dma_semaphore, #tpu.memory_space<semaphore_mem>>) {add = true}
    %dma_start3A_173 = arith.constant 2 : i32
    %dma_start3A_174 = arith.constant 0 : i32
    %dma_start3A_175 = tpu.memref_slice %arg6[%dma_start3A_173, %dma_start3A_174] : memref<79x128xi32, #tpu.memory_space<vmem>> -> memref<1x128xi32, #tpu.memory_space<vmem>>
    %dma_start3A_176 = tpu.memref_squeeze %dma_start3A_175 : memref<1x128xi32, #tpu.memory_space<vmem>> -> memref<128xi32, #tpu.memory_space<vmem>>
    %dma_start3A_177 = arith.constant 0 : i32
    %dma_start3A_178 = tpu.memref_slice %arg9[%dma_start3A_177] : memref<640256xf32, #tpu.memory_space<vmem_shared>> -> memref<640256xf32, #tpu.memory_space<vmem_shared>>
    tpu.enqueue_indirect_dma source(%arg7 : memref<128xf32, #tpu.memory_space<vmem>>) target(%dma_start3A_178 : memref<640256xf32, #tpu.memory_space<vmem_shared>>) offsets(%dma_start3A_176 : memref<128xi32, #tpu.memory_space<vmem>>) semaphore(%arg11 : memref<!tpu.dma_semaphore, #tpu.memory_space<semaphore_mem>>) {add = true}
    %dma_start3A_179 = arith.constant 3 : i32
    %dma_start3A_180 = arith.constant 0 : i32
    %dma_start3A_181 = tpu.memref_slice %arg6[%dma_start3A_179, %dma_start3A_180] : memref<79x128xi32, #tpu.memory_space<vmem>> -> memref<1x128xi32, #tpu.memory_space<vmem>>
    %dma_start3A_182 = tpu.memref_squeeze %dma_start3A_181 : memref<1x128xi32, #tpu.memory_space<vmem>> -> memref<128xi32, #tpu.memory_space<vmem>>
    %dma_start3A_183 = arith.constant 0 : i32
    %dma_start3A_184 = tpu.memref_slice %arg9[%dma_start3A_183] : memref<640256xf32, #tpu.memory_space<vmem_shared>> -> memref<640256xf32, #tpu.memory_space<vmem_shared>>
    tpu.enqueue_indirect_dma source(%arg7 : memref<128xf32, #tpu.memory_space<vmem>>) target(%dma_start3A_184 : memref<640256xf32, #tpu.memory_space<vmem_shared>>) offsets(%dma_start3A_182 : memref<128xi32, #tpu.memory_space<vmem>>) semaphore(%arg11 : memref<!tpu.dma_semaphore, #tpu.memory_space<semaphore_mem>>) {add = true}
    %dma_start3A_185 = arith.constant 4 : i32
    %dma_start3A_186 = arith.constant 0 : i32
    %dma_start3A_187 = tpu.memref_slice %arg6[%dma_start3A_185, %dma_start3A_186] : memref<79x128xi32, #tpu.memory_space<vmem>> -> memref<1x128xi32, #tpu.memory_space<vmem>>
    %dma_start3A_188 = tpu.memref_squeeze %dma_start3A_187 : memref<1x128xi32, #tpu.memory_space<vmem>> -> memref<128xi32, #tpu.memory_space<vmem>>
    %dma_start3A_189 = arith.constant 0 : i32
    %dma_start3A_190 = tpu.memref_slice %arg9[%dma_start3A_189] : memref<640256xf32, #tpu.memory_space<vmem_shared>> -> memref<640256xf32, #tpu.memory_space<vmem_shared>>
    tpu.enqueue_indirect_dma source(%arg7 : memref<128xf32, #tpu.memory_space<vmem>>) target(%dma_start3A_190 : memref<640256xf32, #tpu.memory_space<vmem_shared>>) offsets(%dma_start3A_188 : memref<128xi32, #tpu.memory_space<vmem>>) semaphore(%arg11 : memref<!tpu.dma_semaphore, #tpu.memory_space<semaphore_mem>>) {add = true}
    %dma_start3A_191 = arith.constant 5 : i32
    %dma_start3A_192 = arith.constant 0 : i32
    %dma_start3A_193 = tpu.memref_slice %arg6[%dma_start3A_191, %dma_start3A_192] : memref<79x128xi32, #tpu.memory_space<vmem>> -> memref<1x128xi32, #tpu.memory_space<vmem>>
    %dma_start3A_194 = tpu.memref_squeeze %dma_start3A_193 : memref<1x128xi32, #tpu.memory_space<vmem>> -> memref<128xi32, #tpu.memory_space<vmem>>
    %dma_start3A_195 = arith.constant 0 : i32
    %dma_start3A_196 = tpu.memref_slice %arg9[%dma_start3A_195] : memref<640256xf32, #tpu.memory_space<vmem_shared>> -> memref<640256xf32, #tpu.memory_space<vmem_shared>>
    tpu.enqueue_indirect_dma source(%arg7 : memref<128xf32, #tpu.memory_space<vmem>>) target(%dma_start3A_196 : memref<640256xf32, #tpu.memory_space<vmem_shared>>) offsets(%dma_start3A_194 : memref<128xi32, #tpu.memory_space<vmem>>) semaphore(%arg11 : memref<!tpu.dma_semaphore, #tpu.memory_space<semaphore_mem>>) {add = true}
    %dma_start3A_197 = arith.constant 6 : i32
    %dma_start3A_198 = arith.constant 0 : i32
    %dma_start3A_199 = tpu.memref_slice %arg6[%dma_start3A_197, %dma_start3A_198] : memref<79x128xi32, #tpu.memory_space<vmem>> -> memref<1x128xi32, #tpu.memory_space<vmem>>
    %dma_start3A_200 = tpu.memref_squeeze %dma_start3A_199 : memref<1x128xi32, #tpu.memory_space<vmem>> -> memref<128xi32, #tpu.memory_space<vmem>>
    %dma_start3A_201 = arith.constant 0 : i32
    %dma_start3A_202 = tpu.memref_slice %arg9[%dma_start3A_201] : memref<640256xf32, #tpu.memory_space<vmem_shared>> -> memref<640256xf32, #tpu.memory_space<vmem_shared>>
    tpu.enqueue_indirect_dma source(%arg7 : memref<128xf32, #tpu.memory_space<vmem>>) target(%dma_start3A_202 : memref<640256xf32, #tpu.memory_space<vmem_shared>>) offsets(%dma_start3A_200 : memref<128xi32, #tpu.memory_space<vmem>>) semaphore(%arg11 : memref<!tpu.dma_semaphore, #tpu.memory_space<semaphore_mem>>) {add = true}
    %dma_start3A_203 = arith.constant 7 : i32
    %dma_start3A_204 = arith.constant 0 : i32
    %dma_start3A_205 = tpu.memref_slice %arg6[%dma_start3A_203, %dma_start3A_204] : memref<79x128xi32, #tpu.memory_space<vmem>> -> memref<1x128xi32, #tpu.memory_space<vmem>>
    %dma_start3A_206 = tpu.memref_squeeze %dma_start3A_205 : memref<1x128xi32, #tpu.memory_space<vmem>> -> memref<128xi32, #tpu.memory_space<vmem>>
    %dma_start3A_207 = arith.constant 0 : i32
    %dma_start3A_208 = tpu.memref_slice %arg9[%dma_start3A_207] : memref<640256xf32, #tpu.memory_space<vmem_shared>> -> memref<640256xf32, #tpu.memory_space<vmem_shared>>
    tpu.enqueue_indirect_dma source(%arg7 : memref<128xf32, #tpu.memory_space<vmem>>) target(%dma_start3A_208 : memref<640256xf32, #tpu.memory_space<vmem_shared>>) offsets(%dma_start3A_206 : memref<128xi32, #tpu.memory_space<vmem>>) semaphore(%arg11 : memref<!tpu.dma_semaphore, #tpu.memory_space<semaphore_mem>>) {add = true}
    %dma_start3A_209 = arith.constant 8 : i32
    %dma_start3A_210 = arith.constant 0 : i32
    %dma_start3A_211 = tpu.memref_slice %arg6[%dma_start3A_209, %dma_start3A_210] : memref<79x128xi32, #tpu.memory_space<vmem>> -> memref<1x128xi32, #tpu.memory_space<vmem>>
    %dma_start3A_212 = tpu.memref_squeeze %dma_start3A_211 : memref<1x128xi32, #tpu.memory_space<vmem>> -> memref<128xi32, #tpu.memory_space<vmem>>
    %dma_start3A_213 = arith.constant 0 : i32
    %dma_start3A_214 = tpu.memref_slice %arg9[%dma_start3A_213] : memref<640256xf32, #tpu.memory_space<vmem_shared>> -> memref<640256xf32, #tpu.memory_space<vmem_shared>>
    tpu.enqueue_indirect_dma source(%arg7 : memref<128xf32, #tpu.memory_space<vmem>>) target(%dma_start3A_214 : memref<640256xf32, #tpu.memory_space<vmem_shared>>) offsets(%dma_start3A_212 : memref<128xi32, #tpu.memory_space<vmem>>) semaphore(%arg11 : memref<!tpu.dma_semaphore, #tpu.memory_space<semaphore_mem>>) {add = true}
    %dma_start3A_215 = arith.constant 9 : i32
    %dma_start3A_216 = arith.constant 0 : i32
    %dma_start3A_217 = tpu.memref_slice %arg6[%dma_start3A_215, %dma_start3A_216] : memref<79x128xi32, #tpu.memory_space<vmem>> -> memref<1x128xi32, #tpu.memory_space<vmem>>
    %dma_start3A_218 = tpu.memref_squeeze %dma_start3A_217 : memref<1x128xi32, #tpu.memory_space<vmem>> -> memref<128xi32, #tpu.memory_space<vmem>>
    %dma_start3A_219 = arith.constant 0 : i32
    %dma_start3A_220 = tpu.memref_slice %arg9[%dma_start3A_219] : memref<640256xf32, #tpu.memory_space<vmem_shared>> -> memref<640256xf32, #tpu.memory_space<vmem_shared>>
    tpu.enqueue_indirect_dma source(%arg7 : memref<128xf32, #tpu.memory_space<vmem>>) target(%dma_start3A_220 : memref<640256xf32, #tpu.memory_space<vmem_shared>>) offsets(%dma_start3A_218 : memref<128xi32, #tpu.memory_space<vmem>>) semaphore(%arg11 : memref<!tpu.dma_semaphore, #tpu.memory_space<semaphore_mem>>) {add = true}
    %dma_start3A_221 = arith.constant 10 : i32
    %dma_start3A_222 = arith.constant 0 : i32
    %dma_start3A_223 = tpu.memref_slice %arg6[%dma_start3A_221, %dma_start3A_222] : memref<79x128xi32, #tpu.memory_space<vmem>> -> memref<1x128xi32, #tpu.memory_space<vmem>>
    %dma_start3A_224 = tpu.memref_squeeze %dma_start3A_223 : memref<1x128xi32, #tpu.memory_space<vmem>> -> memref<128xi32, #tpu.memory_space<vmem>>
    %dma_start3A_225 = arith.constant 0 : i32
    %dma_start3A_226 = tpu.memref_slice %arg9[%dma_start3A_225] : memref<640256xf32, #tpu.memory_space<vmem_shared>> -> memref<640256xf32, #tpu.memory_space<vmem_shared>>
    tpu.enqueue_indirect_dma source(%arg7 : memref<128xf32, #tpu.memory_space<vmem>>) target(%dma_start3A_226 : memref<640256xf32, #tpu.memory_space<vmem_shared>>) offsets(%dma_start3A_224 : memref<128xi32, #tpu.memory_space<vmem>>) semaphore(%arg11 : memref<!tpu.dma_semaphore, #tpu.memory_space<semaphore_mem>>) {add = true}
    %dma_start3A_227 = arith.constant 11 : i32
    %dma_start3A_228 = arith.constant 0 : i32
    %dma_start3A_229 = tpu.memref_slice %arg6[%dma_start3A_227, %dma_start3A_228] : memref<79x128xi32, #tpu.memory_space<vmem>> -> memref<1x128xi32, #tpu.memory_space<vmem>>
    %dma_start3A_230 = tpu.memref_squeeze %dma_start3A_229 : memref<1x128xi32, #tpu.memory_space<vmem>> -> memref<128xi32, #tpu.memory_space<vmem>>
    %dma_start3A_231 = arith.constant 0 : i32
    %dma_start3A_232 = tpu.memref_slice %arg9[%dma_start3A_231] : memref<640256xf32, #tpu.memory_space<vmem_shared>> -> memref<640256xf32, #tpu.memory_space<vmem_shared>>
    tpu.enqueue_indirect_dma source(%arg7 : memref<128xf32, #tpu.memory_space<vmem>>) target(%dma_start3A_232 : memref<640256xf32, #tpu.memory_space<vmem_shared>>) offsets(%dma_start3A_230 : memref<128xi32, #tpu.memory_space<vmem>>) semaphore(%arg11 : memref<!tpu.dma_semaphore, #tpu.memory_space<semaphore_mem>>) {add = true}
    %dma_start3A_233 = arith.constant 12 : i32
    %dma_start3A_234 = arith.constant 0 : i32
    %dma_start3A_235 = tpu.memref_slice %arg6[%dma_start3A_233, %dma_start3A_234] : memref<79x128xi32, #tpu.memory_space<vmem>> -> memref<1x128xi32, #tpu.memory_space<vmem>>
    %dma_start3A_236 = tpu.memref_squeeze %dma_start3A_235 : memref<1x128xi32, #tpu.memory_space<vmem>> -> memref<128xi32, #tpu.memory_space<vmem>>
    %dma_start3A_237 = arith.constant 0 : i32
    %dma_start3A_238 = tpu.memref_slice %arg9[%dma_start3A_237] : memref<640256xf32, #tpu.memory_space<vmem_shared>> -> memref<640256xf32, #tpu.memory_space<vmem_shared>>
    tpu.enqueue_indirect_dma source(%arg7 : memref<128xf32, #tpu.memory_space<vmem>>) target(%dma_start3A_238 : memref<640256xf32, #tpu.memory_space<vmem_shared>>) offsets(%dma_start3A_236 : memref<128xi32, #tpu.memory_space<vmem>>) semaphore(%arg11 : memref<!tpu.dma_semaphore, #tpu.memory_space<semaphore_mem>>) {add = true}
    %dma_start3A_239 = arith.constant 13 : i32
    %dma_start3A_240 = arith.constant 0 : i32
    %dma_start3A_241 = tpu.memref_slice %arg6[%dma_start3A_239, %dma_start3A_240] : memref<79x128xi32, #tpu.memory_space<vmem>> -> memref<1x128xi32, #tpu.memory_space<vmem>>
    %dma_start3A_242 = tpu.memref_squeeze %dma_start3A_241 : memref<1x128xi32, #tpu.memory_space<vmem>> -> memref<128xi32, #tpu.memory_space<vmem>>
    %dma_start3A_243 = arith.constant 0 : i32
    %dma_start3A_244 = tpu.memref_slice %arg9[%dma_start3A_243] : memref<640256xf32, #tpu.memory_space<vmem_shared>> -> memref<640256xf32, #tpu.memory_space<vmem_shared>>
    tpu.enqueue_indirect_dma source(%arg7 : memref<128xf32, #tpu.memory_space<vmem>>) target(%dma_start3A_244 : memref<640256xf32, #tpu.memory_space<vmem_shared>>) offsets(%dma_start3A_242 : memref<128xi32, #tpu.memory_space<vmem>>) semaphore(%arg11 : memref<!tpu.dma_semaphore, #tpu.memory_space<semaphore_mem>>) {add = true}
    %dma_start3A_245 = arith.constant 14 : i32
    %dma_start3A_246 = arith.constant 0 : i32
    %dma_start3A_247 = tpu.memref_slice %arg6[%dma_start3A_245, %dma_start3A_246] : memref<79x128xi32, #tpu.memory_space<vmem>> -> memref<1x128xi32, #tpu.memory_space<vmem>>
    %dma_start3A_248 = tpu.memref_squeeze %dma_start3A_247 : memref<1x128xi32, #tpu.memory_space<vmem>> -> memref<128xi32, #tpu.memory_space<vmem>>
    %dma_start3A_249 = arith.constant 0 : i32
    %dma_start3A_250 = tpu.memref_slice %arg9[%dma_start3A_249] : memref<640256xf32, #tpu.memory_space<vmem_shared>> -> memref<640256xf32, #tpu.memory_space<vmem_shared>>
    tpu.enqueue_indirect_dma source(%arg7 : memref<128xf32, #tpu.memory_space<vmem>>) target(%dma_start3A_250 : memref<640256xf32, #tpu.memory_space<vmem_shared>>) offsets(%dma_start3A_248 : memref<128xi32, #tpu.memory_space<vmem>>) semaphore(%arg11 : memref<!tpu.dma_semaphore, #tpu.memory_space<semaphore_mem>>) {add = true}
    %dma_start3A_251 = arith.constant 15 : i32
    %dma_start3A_252 = arith.constant 0 : i32
    %dma_start3A_253 = tpu.memref_slice %arg6[%dma_start3A_251, %dma_start3A_252] : memref<79x128xi32, #tpu.memory_space<vmem>> -> memref<1x128xi32, #tpu.memory_space<vmem>>
    %dma_start3A_254 = tpu.memref_squeeze %dma_start3A_253 : memref<1x128xi32, #tpu.memory_space<vmem>> -> memref<128xi32, #tpu.memory_space<vmem>>
    %dma_start3A_255 = arith.constant 0 : i32
    %dma_start3A_256 = tpu.memref_slice %arg9[%dma_start3A_255] : memref<640256xf32, #tpu.memory_space<vmem_shared>> -> memref<640256xf32, #tpu.memory_space<vmem_shared>>
    tpu.enqueue_indirect_dma source(%arg7 : memref<128xf32, #tpu.memory_space<vmem>>) target(%dma_start3A_256 : memref<640256xf32, #tpu.memory_space<vmem_shared>>) offsets(%dma_start3A_254 : memref<128xi32, #tpu.memory_space<vmem>>) semaphore(%arg11 : memref<!tpu.dma_semaphore, #tpu.memory_space<semaphore_mem>>) {add = true}
    %dma_start3A_257 = arith.constant 16 : i32
    %dma_start3A_258 = arith.constant 0 : i32
    %dma_start3A_259 = tpu.memref_slice %arg6[%dma_start3A_257, %dma_start3A_258] : memref<79x128xi32, #tpu.memory_space<vmem>> -> memref<1x128xi32, #tpu.memory_space<vmem>>
    %dma_start3A_260 = tpu.memref_squeeze %dma_start3A_259 : memref<1x128xi32, #tpu.memory_space<vmem>> -> memref<128xi32, #tpu.memory_space<vmem>>
    %dma_start3A_261 = arith.constant 0 : i32
    %dma_start3A_262 = tpu.memref_slice %arg9[%dma_start3A_261] : memref<640256xf32, #tpu.memory_space<vmem_shared>> -> memref<640256xf32, #tpu.memory_space<vmem_shared>>
    tpu.enqueue_indirect_dma source(%arg7 : memref<128xf32, #tpu.memory_space<vmem>>) target(%dma_start3A_262 : memref<640256xf32, #tpu.memory_space<vmem_shared>>) offsets(%dma_start3A_260 : memref<128xi32, #tpu.memory_space<vmem>>) semaphore(%arg11 : memref<!tpu.dma_semaphore, #tpu.memory_space<semaphore_mem>>) {add = true}
    %dma_start3A_263 = arith.constant 17 : i32
    %dma_start3A_264 = arith.constant 0 : i32
    %dma_start3A_265 = tpu.memref_slice %arg6[%dma_start3A_263, %dma_start3A_264] : memref<79x128xi32, #tpu.memory_space<vmem>> -> memref<1x128xi32, #tpu.memory_space<vmem>>
    %dma_start3A_266 = tpu.memref_squeeze %dma_start3A_265 : memref<1x128xi32, #tpu.memory_space<vmem>> -> memref<128xi32, #tpu.memory_space<vmem>>
    %dma_start3A_267 = arith.constant 0 : i32
    %dma_start3A_268 = tpu.memref_slice %arg9[%dma_start3A_267] : memref<640256xf32, #tpu.memory_space<vmem_shared>> -> memref<640256xf32, #tpu.memory_space<vmem_shared>>
    tpu.enqueue_indirect_dma source(%arg7 : memref<128xf32, #tpu.memory_space<vmem>>) target(%dma_start3A_268 : memref<640256xf32, #tpu.memory_space<vmem_shared>>) offsets(%dma_start3A_266 : memref<128xi32, #tpu.memory_space<vmem>>) semaphore(%arg11 : memref<!tpu.dma_semaphore, #tpu.memory_space<semaphore_mem>>) {add = true}
    %dma_start3A_269 = arith.constant 18 : i32
    %dma_start3A_270 = arith.constant 0 : i32
    %dma_start3A_271 = tpu.memref_slice %arg6[%dma_start3A_269, %dma_start3A_270] : memref<79x128xi32, #tpu.memory_space<vmem>> -> memref<1x128xi32, #tpu.memory_space<vmem>>
    %dma_start3A_272 = tpu.memref_squeeze %dma_start3A_271 : memref<1x128xi32, #tpu.memory_space<vmem>> -> memref<128xi32, #tpu.memory_space<vmem>>
    %dma_start3A_273 = arith.constant 0 : i32
    %dma_start3A_274 = tpu.memref_slice %arg9[%dma_start3A_273] : memref<640256xf32, #tpu.memory_space<vmem_shared>> -> memref<640256xf32, #tpu.memory_space<vmem_shared>>
    tpu.enqueue_indirect_dma source(%arg7 : memref<128xf32, #tpu.memory_space<vmem>>) target(%dma_start3A_274 : memref<640256xf32, #tpu.memory_space<vmem_shared>>) offsets(%dma_start3A_272 : memref<128xi32, #tpu.memory_space<vmem>>) semaphore(%arg11 : memref<!tpu.dma_semaphore, #tpu.memory_space<semaphore_mem>>) {add = true}
    %dma_start3A_275 = arith.constant 19 : i32
    %dma_start3A_276 = arith.constant 0 : i32
    %dma_start3A_277 = tpu.memref_slice %arg6[%dma_start3A_275, %dma_start3A_276] : memref<79x128xi32, #tpu.memory_space<vmem>> -> memref<1x128xi32, #tpu.memory_space<vmem>>
    %dma_start3A_278 = tpu.memref_squeeze %dma_start3A_277 : memref<1x128xi32, #tpu.memory_space<vmem>> -> memref<128xi32, #tpu.memory_space<vmem>>
    %dma_start3A_279 = arith.constant 0 : i32
    %dma_start3A_280 = tpu.memref_slice %arg9[%dma_start3A_279] : memref<640256xf32, #tpu.memory_space<vmem_shared>> -> memref<640256xf32, #tpu.memory_space<vmem_shared>>
    tpu.enqueue_indirect_dma source(%arg7 : memref<128xf32, #tpu.memory_space<vmem>>) target(%dma_start3A_280 : memref<640256xf32, #tpu.memory_space<vmem_shared>>) offsets(%dma_start3A_278 : memref<128xi32, #tpu.memory_space<vmem>>) semaphore(%arg11 : memref<!tpu.dma_semaphore, #tpu.memory_space<semaphore_mem>>) {add = true}
    %dma_start3A_281 = arith.constant 20 : i32
    %dma_start3A_282 = arith.constant 0 : i32
    %dma_start3A_283 = tpu.memref_slice %arg6[%dma_start3A_281, %dma_start3A_282] : memref<79x128xi32, #tpu.memory_space<vmem>> -> memref<1x128xi32, #tpu.memory_space<vmem>>
    %dma_start3A_284 = tpu.memref_squeeze %dma_start3A_283 : memref<1x128xi32, #tpu.memory_space<vmem>> -> memref<128xi32, #tpu.memory_space<vmem>>
    %dma_start3A_285 = arith.constant 0 : i32
    %dma_start3A_286 = tpu.memref_slice %arg9[%dma_start3A_285] : memref<640256xf32, #tpu.memory_space<vmem_shared>> -> memref<640256xf32, #tpu.memory_space<vmem_shared>>
    tpu.enqueue_indirect_dma source(%arg7 : memref<128xf32, #tpu.memory_space<vmem>>) target(%dma_start3A_286 : memref<640256xf32, #tpu.memory_space<vmem_shared>>) offsets(%dma_start3A_284 : memref<128xi32, #tpu.memory_space<vmem>>) semaphore(%arg11 : memref<!tpu.dma_semaphore, #tpu.memory_space<semaphore_mem>>) {add = true}
    %dma_start3A_287 = arith.constant 21 : i32
    %dma_start3A_288 = arith.constant 0 : i32
    %dma_start3A_289 = tpu.memref_slice %arg6[%dma_start3A_287, %dma_start3A_288] : memref<79x128xi32, #tpu.memory_space<vmem>> -> memref<1x128xi32, #tpu.memory_space<vmem>>
    %dma_start3A_290 = tpu.memref_squeeze %dma_start3A_289 : memref<1x128xi32, #tpu.memory_space<vmem>> -> memref<128xi32, #tpu.memory_space<vmem>>
    %dma_start3A_291 = arith.constant 0 : i32
    %dma_start3A_292 = tpu.memref_slice %arg9[%dma_start3A_291] : memref<640256xf32, #tpu.memory_space<vmem_shared>> -> memref<640256xf32, #tpu.memory_space<vmem_shared>>
    tpu.enqueue_indirect_dma source(%arg7 : memref<128xf32, #tpu.memory_space<vmem>>) target(%dma_start3A_292 : memref<640256xf32, #tpu.memory_space<vmem_shared>>) offsets(%dma_start3A_290 : memref<128xi32, #tpu.memory_space<vmem>>) semaphore(%arg11 : memref<!tpu.dma_semaphore, #tpu.memory_space<semaphore_mem>>) {add = true}
    %dma_start3A_293 = arith.constant 22 : i32
    %dma_start3A_294 = arith.constant 0 : i32
    %dma_start3A_295 = tpu.memref_slice %arg6[%dma_start3A_293, %dma_start3A_294] : memref<79x128xi32, #tpu.memory_space<vmem>> -> memref<1x128xi32, #tpu.memory_space<vmem>>
    %dma_start3A_296 = tpu.memref_squeeze %dma_start3A_295 : memref<1x128xi32, #tpu.memory_space<vmem>> -> memref<128xi32, #tpu.memory_space<vmem>>
    %dma_start3A_297 = arith.constant 0 : i32
    %dma_start3A_298 = tpu.memref_slice %arg9[%dma_start3A_297] : memref<640256xf32, #tpu.memory_space<vmem_shared>> -> memref<640256xf32, #tpu.memory_space<vmem_shared>>
    tpu.enqueue_indirect_dma source(%arg7 : memref<128xf32, #tpu.memory_space<vmem>>) target(%dma_start3A_298 : memref<640256xf32, #tpu.memory_space<vmem_shared>>) offsets(%dma_start3A_296 : memref<128xi32, #tpu.memory_space<vmem>>) semaphore(%arg11 : memref<!tpu.dma_semaphore, #tpu.memory_space<semaphore_mem>>) {add = true}
    %dma_start3A_299 = arith.constant 23 : i32
    %dma_start3A_300 = arith.constant 0 : i32
    %dma_start3A_301 = tpu.memref_slice %arg6[%dma_start3A_299, %dma_start3A_300] : memref<79x128xi32, #tpu.memory_space<vmem>> -> memref<1x128xi32, #tpu.memory_space<vmem>>
    %dma_start3A_302 = tpu.memref_squeeze %dma_start3A_301 : memref<1x128xi32, #tpu.memory_space<vmem>> -> memref<128xi32, #tpu.memory_space<vmem>>
    %dma_start3A_303 = arith.constant 0 : i32
    %dma_start3A_304 = tpu.memref_slice %arg9[%dma_start3A_303] : memref<640256xf32, #tpu.memory_space<vmem_shared>> -> memref<640256xf32, #tpu.memory_space<vmem_shared>>
    tpu.enqueue_indirect_dma source(%arg7 : memref<128xf32, #tpu.memory_space<vmem>>) target(%dma_start3A_304 : memref<640256xf32, #tpu.memory_space<vmem_shared>>) offsets(%dma_start3A_302 : memref<128xi32, #tpu.memory_space<vmem>>) semaphore(%arg11 : memref<!tpu.dma_semaphore, #tpu.memory_space<semaphore_mem>>) {add = true}
    %dma_start3A_305 = arith.constant 24 : i32
    %dma_start3A_306 = arith.constant 0 : i32
    %dma_start3A_307 = tpu.memref_slice %arg6[%dma_start3A_305, %dma_start3A_306] : memref<79x128xi32, #tpu.memory_space<vmem>> -> memref<1x128xi32, #tpu.memory_space<vmem>>
    %dma_start3A_308 = tpu.memref_squeeze %dma_start3A_307 : memref<1x128xi32, #tpu.memory_space<vmem>> -> memref<128xi32, #tpu.memory_space<vmem>>
    %dma_start3A_309 = arith.constant 0 : i32
    %dma_start3A_310 = tpu.memref_slice %arg9[%dma_start3A_309] : memref<640256xf32, #tpu.memory_space<vmem_shared>> -> memref<640256xf32, #tpu.memory_space<vmem_shared>>
    tpu.enqueue_indirect_dma source(%arg7 : memref<128xf32, #tpu.memory_space<vmem>>) target(%dma_start3A_310 : memref<640256xf32, #tpu.memory_space<vmem_shared>>) offsets(%dma_start3A_308 : memref<128xi32, #tpu.memory_space<vmem>>) semaphore(%arg11 : memref<!tpu.dma_semaphore, #tpu.memory_space<semaphore_mem>>) {add = true}
    %dma_start3A_311 = arith.constant 25 : i32
    %dma_start3A_312 = arith.constant 0 : i32
    %dma_start3A_313 = tpu.memref_slice %arg6[%dma_start3A_311, %dma_start3A_312] : memref<79x128xi32, #tpu.memory_space<vmem>> -> memref<1x128xi32, #tpu.memory_space<vmem>>
    %dma_start3A_314 = tpu.memref_squeeze %dma_start3A_313 : memref<1x128xi32, #tpu.memory_space<vmem>> -> memref<128xi32, #tpu.memory_space<vmem>>
    %dma_start3A_315 = arith.constant 0 : i32
    %dma_start3A_316 = tpu.memref_slice %arg9[%dma_start3A_315] : memref<640256xf32, #tpu.memory_space<vmem_shared>> -> memref<640256xf32, #tpu.memory_space<vmem_shared>>
    tpu.enqueue_indirect_dma source(%arg7 : memref<128xf32, #tpu.memory_space<vmem>>) target(%dma_start3A_316 : memref<640256xf32, #tpu.memory_space<vmem_shared>>) offsets(%dma_start3A_314 : memref<128xi32, #tpu.memory_space<vmem>>) semaphore(%arg11 : memref<!tpu.dma_semaphore, #tpu.memory_space<semaphore_mem>>) {add = true}
    %dma_start3A_317 = arith.constant 26 : i32
    %dma_start3A_318 = arith.constant 0 : i32
    %dma_start3A_319 = tpu.memref_slice %arg6[%dma_start3A_317, %dma_start3A_318] : memref<79x128xi32, #tpu.memory_space<vmem>> -> memref<1x128xi32, #tpu.memory_space<vmem>>
    %dma_start3A_320 = tpu.memref_squeeze %dma_start3A_319 : memref<1x128xi32, #tpu.memory_space<vmem>> -> memref<128xi32, #tpu.memory_space<vmem>>
    %dma_start3A_321 = arith.constant 0 : i32
    %dma_start3A_322 = tpu.memref_slice %arg9[%dma_start3A_321] : memref<640256xf32, #tpu.memory_space<vmem_shared>> -> memref<640256xf32, #tpu.memory_space<vmem_shared>>
    tpu.enqueue_indirect_dma source(%arg7 : memref<128xf32, #tpu.memory_space<vmem>>) target(%dma_start3A_322 : memref<640256xf32, #tpu.memory_space<vmem_shared>>) offsets(%dma_start3A_320 : memref<128xi32, #tpu.memory_space<vmem>>) semaphore(%arg11 : memref<!tpu.dma_semaphore, #tpu.memory_space<semaphore_mem>>) {add = true}
    %dma_start3A_323 = arith.constant 27 : i32
    %dma_start3A_324 = arith.constant 0 : i32
    %dma_start3A_325 = tpu.memref_slice %arg6[%dma_start3A_323, %dma_start3A_324] : memref<79x128xi32, #tpu.memory_space<vmem>> -> memref<1x128xi32, #tpu.memory_space<vmem>>
    %dma_start3A_326 = tpu.memref_squeeze %dma_start3A_325 : memref<1x128xi32, #tpu.memory_space<vmem>> -> memref<128xi32, #tpu.memory_space<vmem>>
    %dma_start3A_327 = arith.constant 0 : i32
    %dma_start3A_328 = tpu.memref_slice %arg9[%dma_start3A_327] : memref<640256xf32, #tpu.memory_space<vmem_shared>> -> memref<640256xf32, #tpu.memory_space<vmem_shared>>
    tpu.enqueue_indirect_dma source(%arg7 : memref<128xf32, #tpu.memory_space<vmem>>) target(%dma_start3A_328 : memref<640256xf32, #tpu.memory_space<vmem_shared>>) offsets(%dma_start3A_326 : memref<128xi32, #tpu.memory_space<vmem>>) semaphore(%arg11 : memref<!tpu.dma_semaphore, #tpu.memory_space<semaphore_mem>>) {add = true}
    %dma_start3A_329 = arith.constant 28 : i32
    %dma_start3A_330 = arith.constant 0 : i32
    %dma_start3A_331 = tpu.memref_slice %arg6[%dma_start3A_329, %dma_start3A_330] : memref<79x128xi32, #tpu.memory_space<vmem>> -> memref<1x128xi32, #tpu.memory_space<vmem>>
    %dma_start3A_332 = tpu.memref_squeeze %dma_start3A_331 : memref<1x128xi32, #tpu.memory_space<vmem>> -> memref<128xi32, #tpu.memory_space<vmem>>
    %dma_start3A_333 = arith.constant 0 : i32
    %dma_start3A_334 = tpu.memref_slice %arg9[%dma_start3A_333] : memref<640256xf32, #tpu.memory_space<vmem_shared>> -> memref<640256xf32, #tpu.memory_space<vmem_shared>>
    tpu.enqueue_indirect_dma source(%arg7 : memref<128xf32, #tpu.memory_space<vmem>>) target(%dma_start3A_334 : memref<640256xf32, #tpu.memory_space<vmem_shared>>) offsets(%dma_start3A_332 : memref<128xi32, #tpu.memory_space<vmem>>) semaphore(%arg11 : memref<!tpu.dma_semaphore, #tpu.memory_space<semaphore_mem>>) {add = true}
    %dma_start3A_335 = arith.constant 29 : i32
    %dma_start3A_336 = arith.constant 0 : i32
    %dma_start3A_337 = tpu.memref_slice %arg6[%dma_start3A_335, %dma_start3A_336] : memref<79x128xi32, #tpu.memory_space<vmem>> -> memref<1x128xi32, #tpu.memory_space<vmem>>
    %dma_start3A_338 = tpu.memref_squeeze %dma_start3A_337 : memref<1x128xi32, #tpu.memory_space<vmem>> -> memref<128xi32, #tpu.memory_space<vmem>>
    %dma_start3A_339 = arith.constant 0 : i32
    %dma_start3A_340 = tpu.memref_slice %arg9[%dma_start3A_339] : memref<640256xf32, #tpu.memory_space<vmem_shared>> -> memref<640256xf32, #tpu.memory_space<vmem_shared>>
    tpu.enqueue_indirect_dma source(%arg7 : memref<128xf32, #tpu.memory_space<vmem>>) target(%dma_start3A_340 : memref<640256xf32, #tpu.memory_space<vmem_shared>>) offsets(%dma_start3A_338 : memref<128xi32, #tpu.memory_space<vmem>>) semaphore(%arg11 : memref<!tpu.dma_semaphore, #tpu.memory_space<semaphore_mem>>) {add = true}
    %dma_start3A_341 = arith.constant 30 : i32
    %dma_start3A_342 = arith.constant 0 : i32
    %dma_start3A_343 = tpu.memref_slice %arg6[%dma_start3A_341, %dma_start3A_342] : memref<79x128xi32, #tpu.memory_space<vmem>> -> memref<1x128xi32, #tpu.memory_space<vmem>>
    %dma_start3A_344 = tpu.memref_squeeze %dma_start3A_343 : memref<1x128xi32, #tpu.memory_space<vmem>> -> memref<128xi32, #tpu.memory_space<vmem>>
    %dma_start3A_345 = arith.constant 0 : i32
    %dma_start3A_346 = tpu.memref_slice %arg9[%dma_start3A_345] : memref<640256xf32, #tpu.memory_space<vmem_shared>> -> memref<640256xf32, #tpu.memory_space<vmem_shared>>
    tpu.enqueue_indirect_dma source(%arg7 : memref<128xf32, #tpu.memory_space<vmem>>) target(%dma_start3A_346 : memref<640256xf32, #tpu.memory_space<vmem_shared>>) offsets(%dma_start3A_344 : memref<128xi32, #tpu.memory_space<vmem>>) semaphore(%arg11 : memref<!tpu.dma_semaphore, #tpu.memory_space<semaphore_mem>>) {add = true}
    %dma_start3A_347 = arith.constant 31 : i32
    %dma_start3A_348 = arith.constant 0 : i32
    %dma_start3A_349 = tpu.memref_slice %arg6[%dma_start3A_347, %dma_start3A_348] : memref<79x128xi32, #tpu.memory_space<vmem>> -> memref<1x128xi32, #tpu.memory_space<vmem>>
    %dma_start3A_350 = tpu.memref_squeeze %dma_start3A_349 : memref<1x128xi32, #tpu.memory_space<vmem>> -> memref<128xi32, #tpu.memory_space<vmem>>
    %dma_start3A_351 = arith.constant 0 : i32
    %dma_start3A_352 = tpu.memref_slice %arg9[%dma_start3A_351] : memref<640256xf32, #tpu.memory_space<vmem_shared>> -> memref<640256xf32, #tpu.memory_space<vmem_shared>>
    tpu.enqueue_indirect_dma source(%arg7 : memref<128xf32, #tpu.memory_space<vmem>>) target(%dma_start3A_352 : memref<640256xf32, #tpu.memory_space<vmem_shared>>) offsets(%dma_start3A_350 : memref<128xi32, #tpu.memory_space<vmem>>) semaphore(%arg11 : memref<!tpu.dma_semaphore, #tpu.memory_space<semaphore_mem>>) {add = true}
    %dma_start3A_353 = arith.constant 32 : i32
    %dma_start3A_354 = arith.constant 0 : i32
    %dma_start3A_355 = tpu.memref_slice %arg6[%dma_start3A_353, %dma_start3A_354] : memref<79x128xi32, #tpu.memory_space<vmem>> -> memref<1x128xi32, #tpu.memory_space<vmem>>
    %dma_start3A_356 = tpu.memref_squeeze %dma_start3A_355 : memref<1x128xi32, #tpu.memory_space<vmem>> -> memref<128xi32, #tpu.memory_space<vmem>>
    %dma_start3A_357 = arith.constant 0 : i32
    %dma_start3A_358 = tpu.memref_slice %arg9[%dma_start3A_357] : memref<640256xf32, #tpu.memory_space<vmem_shared>> -> memref<640256xf32, #tpu.memory_space<vmem_shared>>
    tpu.enqueue_indirect_dma source(%arg7 : memref<128xf32, #tpu.memory_space<vmem>>) target(%dma_start3A_358 : memref<640256xf32, #tpu.memory_space<vmem_shared>>) offsets(%dma_start3A_356 : memref<128xi32, #tpu.memory_space<vmem>>) semaphore(%arg11 : memref<!tpu.dma_semaphore, #tpu.memory_space<semaphore_mem>>) {add = true}
    %dma_start3A_359 = arith.constant 33 : i32
    %dma_start3A_360 = arith.constant 0 : i32
    %dma_start3A_361 = tpu.memref_slice %arg6[%dma_start3A_359, %dma_start3A_360] : memref<79x128xi32, #tpu.memory_space<vmem>> -> memref<1x128xi32, #tpu.memory_space<vmem>>
    %dma_start3A_362 = tpu.memref_squeeze %dma_start3A_361 : memref<1x128xi32, #tpu.memory_space<vmem>> -> memref<128xi32, #tpu.memory_space<vmem>>
    %dma_start3A_363 = arith.constant 0 : i32
    %dma_start3A_364 = tpu.memref_slice %arg9[%dma_start3A_363] : memref<640256xf32, #tpu.memory_space<vmem_shared>> -> memref<640256xf32, #tpu.memory_space<vmem_shared>>
    tpu.enqueue_indirect_dma source(%arg7 : memref<128xf32, #tpu.memory_space<vmem>>) target(%dma_start3A_364 : memref<640256xf32, #tpu.memory_space<vmem_shared>>) offsets(%dma_start3A_362 : memref<128xi32, #tpu.memory_space<vmem>>) semaphore(%arg11 : memref<!tpu.dma_semaphore, #tpu.memory_space<semaphore_mem>>) {add = true}
    %dma_start3A_365 = arith.constant 34 : i32
    %dma_start3A_366 = arith.constant 0 : i32
    %dma_start3A_367 = tpu.memref_slice %arg6[%dma_start3A_365, %dma_start3A_366] : memref<79x128xi32, #tpu.memory_space<vmem>> -> memref<1x128xi32, #tpu.memory_space<vmem>>
    %dma_start3A_368 = tpu.memref_squeeze %dma_start3A_367 : memref<1x128xi32, #tpu.memory_space<vmem>> -> memref<128xi32, #tpu.memory_space<vmem>>
    %dma_start3A_369 = arith.constant 0 : i32
    %dma_start3A_370 = tpu.memref_slice %arg9[%dma_start3A_369] : memref<640256xf32, #tpu.memory_space<vmem_shared>> -> memref<640256xf32, #tpu.memory_space<vmem_shared>>
    tpu.enqueue_indirect_dma source(%arg7 : memref<128xf32, #tpu.memory_space<vmem>>) target(%dma_start3A_370 : memref<640256xf32, #tpu.memory_space<vmem_shared>>) offsets(%dma_start3A_368 : memref<128xi32, #tpu.memory_space<vmem>>) semaphore(%arg11 : memref<!tpu.dma_semaphore, #tpu.memory_space<semaphore_mem>>) {add = true}
    %dma_start3A_371 = arith.constant 35 : i32
    %dma_start3A_372 = arith.constant 0 : i32
    %dma_start3A_373 = tpu.memref_slice %arg6[%dma_start3A_371, %dma_start3A_372] : memref<79x128xi32, #tpu.memory_space<vmem>> -> memref<1x128xi32, #tpu.memory_space<vmem>>
    %dma_start3A_374 = tpu.memref_squeeze %dma_start3A_373 : memref<1x128xi32, #tpu.memory_space<vmem>> -> memref<128xi32, #tpu.memory_space<vmem>>
    %dma_start3A_375 = arith.constant 0 : i32
    %dma_start3A_376 = tpu.memref_slice %arg9[%dma_start3A_375] : memref<640256xf32, #tpu.memory_space<vmem_shared>> -> memref<640256xf32, #tpu.memory_space<vmem_shared>>
    tpu.enqueue_indirect_dma source(%arg7 : memref<128xf32, #tpu.memory_space<vmem>>) target(%dma_start3A_376 : memref<640256xf32, #tpu.memory_space<vmem_shared>>) offsets(%dma_start3A_374 : memref<128xi32, #tpu.memory_space<vmem>>) semaphore(%arg11 : memref<!tpu.dma_semaphore, #tpu.memory_space<semaphore_mem>>) {add = true}
    %dma_start3A_377 = arith.constant 36 : i32
    %dma_start3A_378 = arith.constant 0 : i32
    %dma_start3A_379 = tpu.memref_slice %arg6[%dma_start3A_377, %dma_start3A_378] : memref<79x128xi32, #tpu.memory_space<vmem>> -> memref<1x128xi32, #tpu.memory_space<vmem>>
    %dma_start3A_380 = tpu.memref_squeeze %dma_start3A_379 : memref<1x128xi32, #tpu.memory_space<vmem>> -> memref<128xi32, #tpu.memory_space<vmem>>
    %dma_start3A_381 = arith.constant 0 : i32
    %dma_start3A_382 = tpu.memref_slice %arg9[%dma_start3A_381] : memref<640256xf32, #tpu.memory_space<vmem_shared>> -> memref<640256xf32, #tpu.memory_space<vmem_shared>>
    tpu.enqueue_indirect_dma source(%arg7 : memref<128xf32, #tpu.memory_space<vmem>>) target(%dma_start3A_382 : memref<640256xf32, #tpu.memory_space<vmem_shared>>) offsets(%dma_start3A_380 : memref<128xi32, #tpu.memory_space<vmem>>) semaphore(%arg11 : memref<!tpu.dma_semaphore, #tpu.memory_space<semaphore_mem>>) {add = true}
    %dma_start3A_383 = arith.constant 37 : i32
    %dma_start3A_384 = arith.constant 0 : i32
    %dma_start3A_385 = tpu.memref_slice %arg6[%dma_start3A_383, %dma_start3A_384] : memref<79x128xi32, #tpu.memory_space<vmem>> -> memref<1x128xi32, #tpu.memory_space<vmem>>
    %dma_start3A_386 = tpu.memref_squeeze %dma_start3A_385 : memref<1x128xi32, #tpu.memory_space<vmem>> -> memref<128xi32, #tpu.memory_space<vmem>>
    %dma_start3A_387 = arith.constant 0 : i32
    %dma_start3A_388 = tpu.memref_slice %arg9[%dma_start3A_387] : memref<640256xf32, #tpu.memory_space<vmem_shared>> -> memref<640256xf32, #tpu.memory_space<vmem_shared>>
    tpu.enqueue_indirect_dma source(%arg7 : memref<128xf32, #tpu.memory_space<vmem>>) target(%dma_start3A_388 : memref<640256xf32, #tpu.memory_space<vmem_shared>>) offsets(%dma_start3A_386 : memref<128xi32, #tpu.memory_space<vmem>>) semaphore(%arg11 : memref<!tpu.dma_semaphore, #tpu.memory_space<semaphore_mem>>) {add = true}
    %dma_start3A_389 = arith.constant 38 : i32
    %dma_start3A_390 = arith.constant 0 : i32
    %dma_start3A_391 = tpu.memref_slice %arg6[%dma_start3A_389, %dma_start3A_390] : memref<79x128xi32, #tpu.memory_space<vmem>> -> memref<1x128xi32, #tpu.memory_space<vmem>>
    %dma_start3A_392 = tpu.memref_squeeze %dma_start3A_391 : memref<1x128xi32, #tpu.memory_space<vmem>> -> memref<128xi32, #tpu.memory_space<vmem>>
    %dma_start3A_393 = arith.constant 0 : i32
    %dma_start3A_394 = tpu.memref_slice %arg9[%dma_start3A_393] : memref<640256xf32, #tpu.memory_space<vmem_shared>> -> memref<640256xf32, #tpu.memory_space<vmem_shared>>
    tpu.enqueue_indirect_dma source(%arg7 : memref<128xf32, #tpu.memory_space<vmem>>) target(%dma_start3A_394 : memref<640256xf32, #tpu.memory_space<vmem_shared>>) offsets(%dma_start3A_392 : memref<128xi32, #tpu.memory_space<vmem>>) semaphore(%arg11 : memref<!tpu.dma_semaphore, #tpu.memory_space<semaphore_mem>>) {add = true}
    %dma_start3A_395 = arith.constant 39 : i32
    %dma_start3A_396 = arith.constant 0 : i32
    %dma_start3A_397 = tpu.memref_slice %arg6[%dma_start3A_395, %dma_start3A_396] : memref<79x128xi32, #tpu.memory_space<vmem>> -> memref<1x128xi32, #tpu.memory_space<vmem>>
    %dma_start3A_398 = tpu.memref_squeeze %dma_start3A_397 : memref<1x128xi32, #tpu.memory_space<vmem>> -> memref<128xi32, #tpu.memory_space<vmem>>
    %dma_start3A_399 = arith.constant 0 : i32
    %dma_start3A_400 = tpu.memref_slice %arg9[%dma_start3A_399] : memref<640256xf32, #tpu.memory_space<vmem_shared>> -> memref<640256xf32, #tpu.memory_space<vmem_shared>>
    tpu.enqueue_indirect_dma source(%arg7 : memref<128xf32, #tpu.memory_space<vmem>>) target(%dma_start3A_400 : memref<640256xf32, #tpu.memory_space<vmem_shared>>) offsets(%dma_start3A_398 : memref<128xi32, #tpu.memory_space<vmem>>) semaphore(%arg11 : memref<!tpu.dma_semaphore, #tpu.memory_space<semaphore_mem>>) {add = true}
    %dma_wait3A_401 = arith.constant 0 : i32
    %dma_wait3A_402 = arith.constant 0 : i32
    %dma_wait3A_403 = tpu.memref_slice %arg6[%dma_wait3A_401, %dma_wait3A_402] : memref<79x128xi32, #tpu.memory_space<vmem>> -> memref<1x128xi32, #tpu.memory_space<vmem>>
    %dma_wait3A_404 = tpu.memref_squeeze %dma_wait3A_403 : memref<1x128xi32, #tpu.memory_space<vmem>> -> memref<128xi32, #tpu.memory_space<vmem>>
    %dma_wait3A_405 = arith.constant 0 : i32
    %dma_wait3A_406 = tpu.memref_slice %arg9[%dma_wait3A_405] : memref<640256xf32, #tpu.memory_space<vmem_shared>> -> memref<640256xf32, #tpu.memory_space<vmem_shared>>
    tpu.wait_indirect_dma semaphore(%arg11 : memref<!tpu.dma_semaphore, #tpu.memory_space<semaphore_mem>>) src(%arg7 : memref<128xf32, #tpu.memory_space<vmem>>) dst(%dma_wait3A_406 : memref<640256xf32, #tpu.memory_space<vmem_shared>>)
    %dma_wait3A_407 = arith.constant 1 : i32
    %dma_wait3A_408 = arith.constant 0 : i32
    %dma_wait3A_409 = tpu.memref_slice %arg6[%dma_wait3A_407, %dma_wait3A_408] : memref<79x128xi32, #tpu.memory_space<vmem>> -> memref<1x128xi32, #tpu.memory_space<vmem>>
    %dma_wait3A_410 = tpu.memref_squeeze %dma_wait3A_409 : memref<1x128xi32, #tpu.memory_space<vmem>> -> memref<128xi32, #tpu.memory_space<vmem>>
    %dma_wait3A_411 = arith.constant 0 : i32
    %dma_wait3A_412 = tpu.memref_slice %arg9[%dma_wait3A_411] : memref<640256xf32, #tpu.memory_space<vmem_shared>> -> memref<640256xf32, #tpu.memory_space<vmem_shared>>
    tpu.wait_indirect_dma semaphore(%arg11 : memref<!tpu.dma_semaphore, #tpu.memory_space<semaphore_mem>>) src(%arg7 : memref<128xf32, #tpu.memory_space<vmem>>) dst(%dma_wait3A_412 : memref<640256xf32, #tpu.memory_space<vmem_shared>>)
    %dma_wait3A_413 = arith.constant 2 : i32
    %dma_wait3A_414 = arith.constant 0 : i32
    %dma_wait3A_415 = tpu.memref_slice %arg6[%dma_wait3A_413, %dma_wait3A_414] : memref<79x128xi32, #tpu.memory_space<vmem>> -> memref<1x128xi32, #tpu.memory_space<vmem>>
    %dma_wait3A_416 = tpu.memref_squeeze %dma_wait3A_415 : memref<1x128xi32, #tpu.memory_space<vmem>> -> memref<128xi32, #tpu.memory_space<vmem>>
    %dma_wait3A_417 = arith.constant 0 : i32
    %dma_wait3A_418 = tpu.memref_slice %arg9[%dma_wait3A_417] : memref<640256xf32, #tpu.memory_space<vmem_shared>> -> memref<640256xf32, #tpu.memory_space<vmem_shared>>
    tpu.wait_indirect_dma semaphore(%arg11 : memref<!tpu.dma_semaphore, #tpu.memory_space<semaphore_mem>>) src(%arg7 : memref<128xf32, #tpu.memory_space<vmem>>) dst(%dma_wait3A_418 : memref<640256xf32, #tpu.memory_space<vmem_shared>>)
    %dma_wait3A_419 = arith.constant 3 : i32
    %dma_wait3A_420 = arith.constant 0 : i32
    %dma_wait3A_421 = tpu.memref_slice %arg6[%dma_wait3A_419, %dma_wait3A_420] : memref<79x128xi32, #tpu.memory_space<vmem>> -> memref<1x128xi32, #tpu.memory_space<vmem>>
    %dma_wait3A_422 = tpu.memref_squeeze %dma_wait3A_421 : memref<1x128xi32, #tpu.memory_space<vmem>> -> memref<128xi32, #tpu.memory_space<vmem>>
    %dma_wait3A_423 = arith.constant 0 : i32
    %dma_wait3A_424 = tpu.memref_slice %arg9[%dma_wait3A_423] : memref<640256xf32, #tpu.memory_space<vmem_shared>> -> memref<640256xf32, #tpu.memory_space<vmem_shared>>
    tpu.wait_indirect_dma semaphore(%arg11 : memref<!tpu.dma_semaphore, #tpu.memory_space<semaphore_mem>>) src(%arg7 : memref<128xf32, #tpu.memory_space<vmem>>) dst(%dma_wait3A_424 : memref<640256xf32, #tpu.memory_space<vmem_shared>>)
    %dma_wait3A_425 = arith.constant 4 : i32
    %dma_wait3A_426 = arith.constant 0 : i32
    %dma_wait3A_427 = tpu.memref_slice %arg6[%dma_wait3A_425, %dma_wait3A_426] : memref<79x128xi32, #tpu.memory_space<vmem>> -> memref<1x128xi32, #tpu.memory_space<vmem>>
    %dma_wait3A_428 = tpu.memref_squeeze %dma_wait3A_427 : memref<1x128xi32, #tpu.memory_space<vmem>> -> memref<128xi32, #tpu.memory_space<vmem>>
    %dma_wait3A_429 = arith.constant 0 : i32
    %dma_wait3A_430 = tpu.memref_slice %arg9[%dma_wait3A_429] : memref<640256xf32, #tpu.memory_space<vmem_shared>> -> memref<640256xf32, #tpu.memory_space<vmem_shared>>
    tpu.wait_indirect_dma semaphore(%arg11 : memref<!tpu.dma_semaphore, #tpu.memory_space<semaphore_mem>>) src(%arg7 : memref<128xf32, #tpu.memory_space<vmem>>) dst(%dma_wait3A_430 : memref<640256xf32, #tpu.memory_space<vmem_shared>>)
    %dma_wait3A_431 = arith.constant 5 : i32
    %dma_wait3A_432 = arith.constant 0 : i32
    %dma_wait3A_433 = tpu.memref_slice %arg6[%dma_wait3A_431, %dma_wait3A_432] : memref<79x128xi32, #tpu.memory_space<vmem>> -> memref<1x128xi32, #tpu.memory_space<vmem>>
    %dma_wait3A_434 = tpu.memref_squeeze %dma_wait3A_433 : memref<1x128xi32, #tpu.memory_space<vmem>> -> memref<128xi32, #tpu.memory_space<vmem>>
    %dma_wait3A_435 = arith.constant 0 : i32
    %dma_wait3A_436 = tpu.memref_slice %arg9[%dma_wait3A_435] : memref<640256xf32, #tpu.memory_space<vmem_shared>> -> memref<640256xf32, #tpu.memory_space<vmem_shared>>
    tpu.wait_indirect_dma semaphore(%arg11 : memref<!tpu.dma_semaphore, #tpu.memory_space<semaphore_mem>>) src(%arg7 : memref<128xf32, #tpu.memory_space<vmem>>) dst(%dma_wait3A_436 : memref<640256xf32, #tpu.memory_space<vmem_shared>>)
    %dma_wait3A_437 = arith.constant 6 : i32
    %dma_wait3A_438 = arith.constant 0 : i32
    %dma_wait3A_439 = tpu.memref_slice %arg6[%dma_wait3A_437, %dma_wait3A_438] : memref<79x128xi32, #tpu.memory_space<vmem>> -> memref<1x128xi32, #tpu.memory_space<vmem>>
    %dma_wait3A_440 = tpu.memref_squeeze %dma_wait3A_439 : memref<1x128xi32, #tpu.memory_space<vmem>> -> memref<128xi32, #tpu.memory_space<vmem>>
    %dma_wait3A_441 = arith.constant 0 : i32
    %dma_wait3A_442 = tpu.memref_slice %arg9[%dma_wait3A_441] : memref<640256xf32, #tpu.memory_space<vmem_shared>> -> memref<640256xf32, #tpu.memory_space<vmem_shared>>
    tpu.wait_indirect_dma semaphore(%arg11 : memref<!tpu.dma_semaphore, #tpu.memory_space<semaphore_mem>>) src(%arg7 : memref<128xf32, #tpu.memory_space<vmem>>) dst(%dma_wait3A_442 : memref<640256xf32, #tpu.memory_space<vmem_shared>>)
    %dma_wait3A_443 = arith.constant 7 : i32
    %dma_wait3A_444 = arith.constant 0 : i32
    %dma_wait3A_445 = tpu.memref_slice %arg6[%dma_wait3A_443, %dma_wait3A_444] : memref<79x128xi32, #tpu.memory_space<vmem>> -> memref<1x128xi32, #tpu.memory_space<vmem>>
    %dma_wait3A_446 = tpu.memref_squeeze %dma_wait3A_445 : memref<1x128xi32, #tpu.memory_space<vmem>> -> memref<128xi32, #tpu.memory_space<vmem>>
    %dma_wait3A_447 = arith.constant 0 : i32
    %dma_wait3A_448 = tpu.memref_slice %arg9[%dma_wait3A_447] : memref<640256xf32, #tpu.memory_space<vmem_shared>> -> memref<640256xf32, #tpu.memory_space<vmem_shared>>
    tpu.wait_indirect_dma semaphore(%arg11 : memref<!tpu.dma_semaphore, #tpu.memory_space<semaphore_mem>>) src(%arg7 : memref<128xf32, #tpu.memory_space<vmem>>) dst(%dma_wait3A_448 : memref<640256xf32, #tpu.memory_space<vmem_shared>>)
    %dma_wait3A_449 = arith.constant 8 : i32
    %dma_wait3A_450 = arith.constant 0 : i32
    %dma_wait3A_451 = tpu.memref_slice %arg6[%dma_wait3A_449, %dma_wait3A_450] : memref<79x128xi32, #tpu.memory_space<vmem>> -> memref<1x128xi32, #tpu.memory_space<vmem>>
    %dma_wait3A_452 = tpu.memref_squeeze %dma_wait3A_451 : memref<1x128xi32, #tpu.memory_space<vmem>> -> memref<128xi32, #tpu.memory_space<vmem>>
    %dma_wait3A_453 = arith.constant 0 : i32
    %dma_wait3A_454 = tpu.memref_slice %arg9[%dma_wait3A_453] : memref<640256xf32, #tpu.memory_space<vmem_shared>> -> memref<640256xf32, #tpu.memory_space<vmem_shared>>
    tpu.wait_indirect_dma semaphore(%arg11 : memref<!tpu.dma_semaphore, #tpu.memory_space<semaphore_mem>>) src(%arg7 : memref<128xf32, #tpu.memory_space<vmem>>) dst(%dma_wait3A_454 : memref<640256xf32, #tpu.memory_space<vmem_shared>>)
    %dma_wait3A_455 = arith.constant 9 : i32
    %dma_wait3A_456 = arith.constant 0 : i32
    %dma_wait3A_457 = tpu.memref_slice %arg6[%dma_wait3A_455, %dma_wait3A_456] : memref<79x128xi32, #tpu.memory_space<vmem>> -> memref<1x128xi32, #tpu.memory_space<vmem>>
    %dma_wait3A_458 = tpu.memref_squeeze %dma_wait3A_457 : memref<1x128xi32, #tpu.memory_space<vmem>> -> memref<128xi32, #tpu.memory_space<vmem>>
    %dma_wait3A_459 = arith.constant 0 : i32
    %dma_wait3A_460 = tpu.memref_slice %arg9[%dma_wait3A_459] : memref<640256xf32, #tpu.memory_space<vmem_shared>> -> memref<640256xf32, #tpu.memory_space<vmem_shared>>
    tpu.wait_indirect_dma semaphore(%arg11 : memref<!tpu.dma_semaphore, #tpu.memory_space<semaphore_mem>>) src(%arg7 : memref<128xf32, #tpu.memory_space<vmem>>) dst(%dma_wait3A_460 : memref<640256xf32, #tpu.memory_space<vmem_shared>>)
    %dma_wait3A_461 = arith.constant 10 : i32
    %dma_wait3A_462 = arith.constant 0 : i32
    %dma_wait3A_463 = tpu.memref_slice %arg6[%dma_wait3A_461, %dma_wait3A_462] : memref<79x128xi32, #tpu.memory_space<vmem>> -> memref<1x128xi32, #tpu.memory_space<vmem>>
    %dma_wait3A_464 = tpu.memref_squeeze %dma_wait3A_463 : memref<1x128xi32, #tpu.memory_space<vmem>> -> memref<128xi32, #tpu.memory_space<vmem>>
    %dma_wait3A_465 = arith.constant 0 : i32
    %dma_wait3A_466 = tpu.memref_slice %arg9[%dma_wait3A_465] : memref<640256xf32, #tpu.memory_space<vmem_shared>> -> memref<640256xf32, #tpu.memory_space<vmem_shared>>
    tpu.wait_indirect_dma semaphore(%arg11 : memref<!tpu.dma_semaphore, #tpu.memory_space<semaphore_mem>>) src(%arg7 : memref<128xf32, #tpu.memory_space<vmem>>) dst(%dma_wait3A_466 : memref<640256xf32, #tpu.memory_space<vmem_shared>>)
    %dma_wait3A_467 = arith.constant 11 : i32
    %dma_wait3A_468 = arith.constant 0 : i32
    %dma_wait3A_469 = tpu.memref_slice %arg6[%dma_wait3A_467, %dma_wait3A_468] : memref<79x128xi32, #tpu.memory_space<vmem>> -> memref<1x128xi32, #tpu.memory_space<vmem>>
    %dma_wait3A_470 = tpu.memref_squeeze %dma_wait3A_469 : memref<1x128xi32, #tpu.memory_space<vmem>> -> memref<128xi32, #tpu.memory_space<vmem>>
    %dma_wait3A_471 = arith.constant 0 : i32
    %dma_wait3A_472 = tpu.memref_slice %arg9[%dma_wait3A_471] : memref<640256xf32, #tpu.memory_space<vmem_shared>> -> memref<640256xf32, #tpu.memory_space<vmem_shared>>
    tpu.wait_indirect_dma semaphore(%arg11 : memref<!tpu.dma_semaphore, #tpu.memory_space<semaphore_mem>>) src(%arg7 : memref<128xf32, #tpu.memory_space<vmem>>) dst(%dma_wait3A_472 : memref<640256xf32, #tpu.memory_space<vmem_shared>>)
    %dma_wait3A_473 = arith.constant 12 : i32
    %dma_wait3A_474 = arith.constant 0 : i32
    %dma_wait3A_475 = tpu.memref_slice %arg6[%dma_wait3A_473, %dma_wait3A_474] : memref<79x128xi32, #tpu.memory_space<vmem>> -> memref<1x128xi32, #tpu.memory_space<vmem>>
    %dma_wait3A_476 = tpu.memref_squeeze %dma_wait3A_475 : memref<1x128xi32, #tpu.memory_space<vmem>> -> memref<128xi32, #tpu.memory_space<vmem>>
    %dma_wait3A_477 = arith.constant 0 : i32
    %dma_wait3A_478 = tpu.memref_slice %arg9[%dma_wait3A_477] : memref<640256xf32, #tpu.memory_space<vmem_shared>> -> memref<640256xf32, #tpu.memory_space<vmem_shared>>
    tpu.wait_indirect_dma semaphore(%arg11 : memref<!tpu.dma_semaphore, #tpu.memory_space<semaphore_mem>>) src(%arg7 : memref<128xf32, #tpu.memory_space<vmem>>) dst(%dma_wait3A_478 : memref<640256xf32, #tpu.memory_space<vmem_shared>>)
    %dma_wait3A_479 = arith.constant 13 : i32
    %dma_wait3A_480 = arith.constant 0 : i32
    %dma_wait3A_481 = tpu.memref_slice %arg6[%dma_wait3A_479, %dma_wait3A_480] : memref<79x128xi32, #tpu.memory_space<vmem>> -> memref<1x128xi32, #tpu.memory_space<vmem>>
    %dma_wait3A_482 = tpu.memref_squeeze %dma_wait3A_481 : memref<1x128xi32, #tpu.memory_space<vmem>> -> memref<128xi32, #tpu.memory_space<vmem>>
    %dma_wait3A_483 = arith.constant 0 : i32
    %dma_wait3A_484 = tpu.memref_slice %arg9[%dma_wait3A_483] : memref<640256xf32, #tpu.memory_space<vmem_shared>> -> memref<640256xf32, #tpu.memory_space<vmem_shared>>
    tpu.wait_indirect_dma semaphore(%arg11 : memref<!tpu.dma_semaphore, #tpu.memory_space<semaphore_mem>>) src(%arg7 : memref<128xf32, #tpu.memory_space<vmem>>) dst(%dma_wait3A_484 : memref<640256xf32, #tpu.memory_space<vmem_shared>>)
    %dma_wait3A_485 = arith.constant 14 : i32
    %dma_wait3A_486 = arith.constant 0 : i32
    %dma_wait3A_487 = tpu.memref_slice %arg6[%dma_wait3A_485, %dma_wait3A_486] : memref<79x128xi32, #tpu.memory_space<vmem>> -> memref<1x128xi32, #tpu.memory_space<vmem>>
    %dma_wait3A_488 = tpu.memref_squeeze %dma_wait3A_487 : memref<1x128xi32, #tpu.memory_space<vmem>> -> memref<128xi32, #tpu.memory_space<vmem>>
    %dma_wait3A_489 = arith.constant 0 : i32
    %dma_wait3A_490 = tpu.memref_slice %arg9[%dma_wait3A_489] : memref<640256xf32, #tpu.memory_space<vmem_shared>> -> memref<640256xf32, #tpu.memory_space<vmem_shared>>
    tpu.wait_indirect_dma semaphore(%arg11 : memref<!tpu.dma_semaphore, #tpu.memory_space<semaphore_mem>>) src(%arg7 : memref<128xf32, #tpu.memory_space<vmem>>) dst(%dma_wait3A_490 : memref<640256xf32, #tpu.memory_space<vmem_shared>>)
    %dma_wait3A_491 = arith.constant 15 : i32
    %dma_wait3A_492 = arith.constant 0 : i32
    %dma_wait3A_493 = tpu.memref_slice %arg6[%dma_wait3A_491, %dma_wait3A_492] : memref<79x128xi32, #tpu.memory_space<vmem>> -> memref<1x128xi32, #tpu.memory_space<vmem>>
    %dma_wait3A_494 = tpu.memref_squeeze %dma_wait3A_493 : memref<1x128xi32, #tpu.memory_space<vmem>> -> memref<128xi32, #tpu.memory_space<vmem>>
    %dma_wait3A_495 = arith.constant 0 : i32
    %dma_wait3A_496 = tpu.memref_slice %arg9[%dma_wait3A_495] : memref<640256xf32, #tpu.memory_space<vmem_shared>> -> memref<640256xf32, #tpu.memory_space<vmem_shared>>
    tpu.wait_indirect_dma semaphore(%arg11 : memref<!tpu.dma_semaphore, #tpu.memory_space<semaphore_mem>>) src(%arg7 : memref<128xf32, #tpu.memory_space<vmem>>) dst(%dma_wait3A_496 : memref<640256xf32, #tpu.memory_space<vmem_shared>>)
    %dma_wait3A_497 = arith.constant 16 : i32
    %dma_wait3A_498 = arith.constant 0 : i32
    %dma_wait3A_499 = tpu.memref_slice %arg6[%dma_wait3A_497, %dma_wait3A_498] : memref<79x128xi32, #tpu.memory_space<vmem>> -> memref<1x128xi32, #tpu.memory_space<vmem>>
    %dma_wait3A_500 = tpu.memref_squeeze %dma_wait3A_499 : memref<1x128xi32, #tpu.memory_space<vmem>> -> memref<128xi32, #tpu.memory_space<vmem>>
    %dma_wait3A_501 = arith.constant 0 : i32
    %dma_wait3A_502 = tpu.memref_slice %arg9[%dma_wait3A_501] : memref<640256xf32, #tpu.memory_space<vmem_shared>> -> memref<640256xf32, #tpu.memory_space<vmem_shared>>
    tpu.wait_indirect_dma semaphore(%arg11 : memref<!tpu.dma_semaphore, #tpu.memory_space<semaphore_mem>>) src(%arg7 : memref<128xf32, #tpu.memory_space<vmem>>) dst(%dma_wait3A_502 : memref<640256xf32, #tpu.memory_space<vmem_shared>>)
    %dma_wait3A_503 = arith.constant 17 : i32
    %dma_wait3A_504 = arith.constant 0 : i32
    %dma_wait3A_505 = tpu.memref_slice %arg6[%dma_wait3A_503, %dma_wait3A_504] : memref<79x128xi32, #tpu.memory_space<vmem>> -> memref<1x128xi32, #tpu.memory_space<vmem>>
    %dma_wait3A_506 = tpu.memref_squeeze %dma_wait3A_505 : memref<1x128xi32, #tpu.memory_space<vmem>> -> memref<128xi32, #tpu.memory_space<vmem>>
    %dma_wait3A_507 = arith.constant 0 : i32
    %dma_wait3A_508 = tpu.memref_slice %arg9[%dma_wait3A_507] : memref<640256xf32, #tpu.memory_space<vmem_shared>> -> memref<640256xf32, #tpu.memory_space<vmem_shared>>
    tpu.wait_indirect_dma semaphore(%arg11 : memref<!tpu.dma_semaphore, #tpu.memory_space<semaphore_mem>>) src(%arg7 : memref<128xf32, #tpu.memory_space<vmem>>) dst(%dma_wait3A_508 : memref<640256xf32, #tpu.memory_space<vmem_shared>>)
    %dma_wait3A_509 = arith.constant 18 : i32
    %dma_wait3A_510 = arith.constant 0 : i32
    %dma_wait3A_511 = tpu.memref_slice %arg6[%dma_wait3A_509, %dma_wait3A_510] : memref<79x128xi32, #tpu.memory_space<vmem>> -> memref<1x128xi32, #tpu.memory_space<vmem>>
    %dma_wait3A_512 = tpu.memref_squeeze %dma_wait3A_511 : memref<1x128xi32, #tpu.memory_space<vmem>> -> memref<128xi32, #tpu.memory_space<vmem>>
    %dma_wait3A_513 = arith.constant 0 : i32
    %dma_wait3A_514 = tpu.memref_slice %arg9[%dma_wait3A_513] : memref<640256xf32, #tpu.memory_space<vmem_shared>> -> memref<640256xf32, #tpu.memory_space<vmem_shared>>
    tpu.wait_indirect_dma semaphore(%arg11 : memref<!tpu.dma_semaphore, #tpu.memory_space<semaphore_mem>>) src(%arg7 : memref<128xf32, #tpu.memory_space<vmem>>) dst(%dma_wait3A_514 : memref<640256xf32, #tpu.memory_space<vmem_shared>>)
    %dma_wait3A_515 = arith.constant 19 : i32
    %dma_wait3A_516 = arith.constant 0 : i32
    %dma_wait3A_517 = tpu.memref_slice %arg6[%dma_wait3A_515, %dma_wait3A_516] : memref<79x128xi32, #tpu.memory_space<vmem>> -> memref<1x128xi32, #tpu.memory_space<vmem>>
    %dma_wait3A_518 = tpu.memref_squeeze %dma_wait3A_517 : memref<1x128xi32, #tpu.memory_space<vmem>> -> memref<128xi32, #tpu.memory_space<vmem>>
    %dma_wait3A_519 = arith.constant 0 : i32
    %dma_wait3A_520 = tpu.memref_slice %arg9[%dma_wait3A_519] : memref<640256xf32, #tpu.memory_space<vmem_shared>> -> memref<640256xf32, #tpu.memory_space<vmem_shared>>
    tpu.wait_indirect_dma semaphore(%arg11 : memref<!tpu.dma_semaphore, #tpu.memory_space<semaphore_mem>>) src(%arg7 : memref<128xf32, #tpu.memory_space<vmem>>) dst(%dma_wait3A_520 : memref<640256xf32, #tpu.memory_space<vmem_shared>>)
    %dma_wait3A_521 = arith.constant 20 : i32
    %dma_wait3A_522 = arith.constant 0 : i32
    %dma_wait3A_523 = tpu.memref_slice %arg6[%dma_wait3A_521, %dma_wait3A_522] : memref<79x128xi32, #tpu.memory_space<vmem>> -> memref<1x128xi32, #tpu.memory_space<vmem>>
    %dma_wait3A_524 = tpu.memref_squeeze %dma_wait3A_523 : memref<1x128xi32, #tpu.memory_space<vmem>> -> memref<128xi32, #tpu.memory_space<vmem>>
    %dma_wait3A_525 = arith.constant 0 : i32
    %dma_wait3A_526 = tpu.memref_slice %arg9[%dma_wait3A_525] : memref<640256xf32, #tpu.memory_space<vmem_shared>> -> memref<640256xf32, #tpu.memory_space<vmem_shared>>
    tpu.wait_indirect_dma semaphore(%arg11 : memref<!tpu.dma_semaphore, #tpu.memory_space<semaphore_mem>>) src(%arg7 : memref<128xf32, #tpu.memory_space<vmem>>) dst(%dma_wait3A_526 : memref<640256xf32, #tpu.memory_space<vmem_shared>>)
    %dma_wait3A_527 = arith.constant 21 : i32
    %dma_wait3A_528 = arith.constant 0 : i32
    %dma_wait3A_529 = tpu.memref_slice %arg6[%dma_wait3A_527, %dma_wait3A_528] : memref<79x128xi32, #tpu.memory_space<vmem>> -> memref<1x128xi32, #tpu.memory_space<vmem>>
    %dma_wait3A_530 = tpu.memref_squeeze %dma_wait3A_529 : memref<1x128xi32, #tpu.memory_space<vmem>> -> memref<128xi32, #tpu.memory_space<vmem>>
    %dma_wait3A_531 = arith.constant 0 : i32
    %dma_wait3A_532 = tpu.memref_slice %arg9[%dma_wait3A_531] : memref<640256xf32, #tpu.memory_space<vmem_shared>> -> memref<640256xf32, #tpu.memory_space<vmem_shared>>
    tpu.wait_indirect_dma semaphore(%arg11 : memref<!tpu.dma_semaphore, #tpu.memory_space<semaphore_mem>>) src(%arg7 : memref<128xf32, #tpu.memory_space<vmem>>) dst(%dma_wait3A_532 : memref<640256xf32, #tpu.memory_space<vmem_shared>>)
    %dma_wait3A_533 = arith.constant 22 : i32
    %dma_wait3A_534 = arith.constant 0 : i32
    %dma_wait3A_535 = tpu.memref_slice %arg6[%dma_wait3A_533, %dma_wait3A_534] : memref<79x128xi32, #tpu.memory_space<vmem>> -> memref<1x128xi32, #tpu.memory_space<vmem>>
    %dma_wait3A_536 = tpu.memref_squeeze %dma_wait3A_535 : memref<1x128xi32, #tpu.memory_space<vmem>> -> memref<128xi32, #tpu.memory_space<vmem>>
    %dma_wait3A_537 = arith.constant 0 : i32
    %dma_wait3A_538 = tpu.memref_slice %arg9[%dma_wait3A_537] : memref<640256xf32, #tpu.memory_space<vmem_shared>> -> memref<640256xf32, #tpu.memory_space<vmem_shared>>
    tpu.wait_indirect_dma semaphore(%arg11 : memref<!tpu.dma_semaphore, #tpu.memory_space<semaphore_mem>>) src(%arg7 : memref<128xf32, #tpu.memory_space<vmem>>) dst(%dma_wait3A_538 : memref<640256xf32, #tpu.memory_space<vmem_shared>>)
    %dma_wait3A_539 = arith.constant 23 : i32
    %dma_wait3A_540 = arith.constant 0 : i32
    %dma_wait3A_541 = tpu.memref_slice %arg6[%dma_wait3A_539, %dma_wait3A_540] : memref<79x128xi32, #tpu.memory_space<vmem>> -> memref<1x128xi32, #tpu.memory_space<vmem>>
    %dma_wait3A_542 = tpu.memref_squeeze %dma_wait3A_541 : memref<1x128xi32, #tpu.memory_space<vmem>> -> memref<128xi32, #tpu.memory_space<vmem>>
    %dma_wait3A_543 = arith.constant 0 : i32
    %dma_wait3A_544 = tpu.memref_slice %arg9[%dma_wait3A_543] : memref<640256xf32, #tpu.memory_space<vmem_shared>> -> memref<640256xf32, #tpu.memory_space<vmem_shared>>
    tpu.wait_indirect_dma semaphore(%arg11 : memref<!tpu.dma_semaphore, #tpu.memory_space<semaphore_mem>>) src(%arg7 : memref<128xf32, #tpu.memory_space<vmem>>) dst(%dma_wait3A_544 : memref<640256xf32, #tpu.memory_space<vmem_shared>>)
    %dma_wait3A_545 = arith.constant 24 : i32
    %dma_wait3A_546 = arith.constant 0 : i32
    %dma_wait3A_547 = tpu.memref_slice %arg6[%dma_wait3A_545, %dma_wait3A_546] : memref<79x128xi32, #tpu.memory_space<vmem>> -> memref<1x128xi32, #tpu.memory_space<vmem>>
    %dma_wait3A_548 = tpu.memref_squeeze %dma_wait3A_547 : memref<1x128xi32, #tpu.memory_space<vmem>> -> memref<128xi32, #tpu.memory_space<vmem>>
    %dma_wait3A_549 = arith.constant 0 : i32
    %dma_wait3A_550 = tpu.memref_slice %arg9[%dma_wait3A_549] : memref<640256xf32, #tpu.memory_space<vmem_shared>> -> memref<640256xf32, #tpu.memory_space<vmem_shared>>
    tpu.wait_indirect_dma semaphore(%arg11 : memref<!tpu.dma_semaphore, #tpu.memory_space<semaphore_mem>>) src(%arg7 : memref<128xf32, #tpu.memory_space<vmem>>) dst(%dma_wait3A_550 : memref<640256xf32, #tpu.memory_space<vmem_shared>>)
    %dma_wait3A_551 = arith.constant 25 : i32
    %dma_wait3A_552 = arith.constant 0 : i32
    %dma_wait3A_553 = tpu.memref_slice %arg6[%dma_wait3A_551, %dma_wait3A_552] : memref<79x128xi32, #tpu.memory_space<vmem>> -> memref<1x128xi32, #tpu.memory_space<vmem>>
    %dma_wait3A_554 = tpu.memref_squeeze %dma_wait3A_553 : memref<1x128xi32, #tpu.memory_space<vmem>> -> memref<128xi32, #tpu.memory_space<vmem>>
    %dma_wait3A_555 = arith.constant 0 : i32
    %dma_wait3A_556 = tpu.memref_slice %arg9[%dma_wait3A_555] : memref<640256xf32, #tpu.memory_space<vmem_shared>> -> memref<640256xf32, #tpu.memory_space<vmem_shared>>
    tpu.wait_indirect_dma semaphore(%arg11 : memref<!tpu.dma_semaphore, #tpu.memory_space<semaphore_mem>>) src(%arg7 : memref<128xf32, #tpu.memory_space<vmem>>) dst(%dma_wait3A_556 : memref<640256xf32, #tpu.memory_space<vmem_shared>>)
    %dma_wait3A_557 = arith.constant 26 : i32
    %dma_wait3A_558 = arith.constant 0 : i32
    %dma_wait3A_559 = tpu.memref_slice %arg6[%dma_wait3A_557, %dma_wait3A_558] : memref<79x128xi32, #tpu.memory_space<vmem>> -> memref<1x128xi32, #tpu.memory_space<vmem>>
    %dma_wait3A_560 = tpu.memref_squeeze %dma_wait3A_559 : memref<1x128xi32, #tpu.memory_space<vmem>> -> memref<128xi32, #tpu.memory_space<vmem>>
    %dma_wait3A_561 = arith.constant 0 : i32
    %dma_wait3A_562 = tpu.memref_slice %arg9[%dma_wait3A_561] : memref<640256xf32, #tpu.memory_space<vmem_shared>> -> memref<640256xf32, #tpu.memory_space<vmem_shared>>
    tpu.wait_indirect_dma semaphore(%arg11 : memref<!tpu.dma_semaphore, #tpu.memory_space<semaphore_mem>>) src(%arg7 : memref<128xf32, #tpu.memory_space<vmem>>) dst(%dma_wait3A_562 : memref<640256xf32, #tpu.memory_space<vmem_shared>>)
    %dma_wait3A_563 = arith.constant 27 : i32
    %dma_wait3A_564 = arith.constant 0 : i32
    %dma_wait3A_565 = tpu.memref_slice %arg6[%dma_wait3A_563, %dma_wait3A_564] : memref<79x128xi32, #tpu.memory_space<vmem>> -> memref<1x128xi32, #tpu.memory_space<vmem>>
    %dma_wait3A_566 = tpu.memref_squeeze %dma_wait3A_565 : memref<1x128xi32, #tpu.memory_space<vmem>> -> memref<128xi32, #tpu.memory_space<vmem>>
    %dma_wait3A_567 = arith.constant 0 : i32
    %dma_wait3A_568 = tpu.memref_slice %arg9[%dma_wait3A_567] : memref<640256xf32, #tpu.memory_space<vmem_shared>> -> memref<640256xf32, #tpu.memory_space<vmem_shared>>
    tpu.wait_indirect_dma semaphore(%arg11 : memref<!tpu.dma_semaphore, #tpu.memory_space<semaphore_mem>>) src(%arg7 : memref<128xf32, #tpu.memory_space<vmem>>) dst(%dma_wait3A_568 : memref<640256xf32, #tpu.memory_space<vmem_shared>>)
    %dma_wait3A_569 = arith.constant 28 : i32
    %dma_wait3A_570 = arith.constant 0 : i32
    %dma_wait3A_571 = tpu.memref_slice %arg6[%dma_wait3A_569, %dma_wait3A_570] : memref<79x128xi32, #tpu.memory_space<vmem>> -> memref<1x128xi32, #tpu.memory_space<vmem>>
    %dma_wait3A_572 = tpu.memref_squeeze %dma_wait3A_571 : memref<1x128xi32, #tpu.memory_space<vmem>> -> memref<128xi32, #tpu.memory_space<vmem>>
    %dma_wait3A_573 = arith.constant 0 : i32
    %dma_wait3A_574 = tpu.memref_slice %arg9[%dma_wait3A_573] : memref<640256xf32, #tpu.memory_space<vmem_shared>> -> memref<640256xf32, #tpu.memory_space<vmem_shared>>
    tpu.wait_indirect_dma semaphore(%arg11 : memref<!tpu.dma_semaphore, #tpu.memory_space<semaphore_mem>>) src(%arg7 : memref<128xf32, #tpu.memory_space<vmem>>) dst(%dma_wait3A_574 : memref<640256xf32, #tpu.memory_space<vmem_shared>>)
    %dma_wait3A_575 = arith.constant 29 : i32
    %dma_wait3A_576 = arith.constant 0 : i32
    %dma_wait3A_577 = tpu.memref_slice %arg6[%dma_wait3A_575, %dma_wait3A_576] : memref<79x128xi32, #tpu.memory_space<vmem>> -> memref<1x128xi32, #tpu.memory_space<vmem>>
    %dma_wait3A_578 = tpu.memref_squeeze %dma_wait3A_577 : memref<1x128xi32, #tpu.memory_space<vmem>> -> memref<128xi32, #tpu.memory_space<vmem>>
    %dma_wait3A_579 = arith.constant 0 : i32
    %dma_wait3A_580 = tpu.memref_slice %arg9[%dma_wait3A_579] : memref<640256xf32, #tpu.memory_space<vmem_shared>> -> memref<640256xf32, #tpu.memory_space<vmem_shared>>
    tpu.wait_indirect_dma semaphore(%arg11 : memref<!tpu.dma_semaphore, #tpu.memory_space<semaphore_mem>>) src(%arg7 : memref<128xf32, #tpu.memory_space<vmem>>) dst(%dma_wait3A_580 : memref<640256xf32, #tpu.memory_space<vmem_shared>>)
    %dma_wait3A_581 = arith.constant 30 : i32
    %dma_wait3A_582 = arith.constant 0 : i32
    %dma_wait3A_583 = tpu.memref_slice %arg6[%dma_wait3A_581, %dma_wait3A_582] : memref<79x128xi32, #tpu.memory_space<vmem>> -> memref<1x128xi32, #tpu.memory_space<vmem>>
    %dma_wait3A_584 = tpu.memref_squeeze %dma_wait3A_583 : memref<1x128xi32, #tpu.memory_space<vmem>> -> memref<128xi32, #tpu.memory_space<vmem>>
    %dma_wait3A_585 = arith.constant 0 : i32
    %dma_wait3A_586 = tpu.memref_slice %arg9[%dma_wait3A_585] : memref<640256xf32, #tpu.memory_space<vmem_shared>> -> memref<640256xf32, #tpu.memory_space<vmem_shared>>
    tpu.wait_indirect_dma semaphore(%arg11 : memref<!tpu.dma_semaphore, #tpu.memory_space<semaphore_mem>>) src(%arg7 : memref<128xf32, #tpu.memory_space<vmem>>) dst(%dma_wait3A_586 : memref<640256xf32, #tpu.memory_space<vmem_shared>>)
    %dma_wait3A_587 = arith.constant 31 : i32
    %dma_wait3A_588 = arith.constant 0 : i32
    %dma_wait3A_589 = tpu.memref_slice %arg6[%dma_wait3A_587, %dma_wait3A_588] : memref<79x128xi32, #tpu.memory_space<vmem>> -> memref<1x128xi32, #tpu.memory_space<vmem>>
    %dma_wait3A_590 = tpu.memref_squeeze %dma_wait3A_589 : memref<1x128xi32, #tpu.memory_space<vmem>> -> memref<128xi32, #tpu.memory_space<vmem>>
    %dma_wait3A_591 = arith.constant 0 : i32
    %dma_wait3A_592 = tpu.memref_slice %arg9[%dma_wait3A_591] : memref<640256xf32, #tpu.memory_space<vmem_shared>> -> memref<640256xf32, #tpu.memory_space<vmem_shared>>
    tpu.wait_indirect_dma semaphore(%arg11 : memref<!tpu.dma_semaphore, #tpu.memory_space<semaphore_mem>>) src(%arg7 : memref<128xf32, #tpu.memory_space<vmem>>) dst(%dma_wait3A_592 : memref<640256xf32, #tpu.memory_space<vmem_shared>>)
    %dma_wait3A_593 = arith.constant 32 : i32
    %dma_wait3A_594 = arith.constant 0 : i32
    %dma_wait3A_595 = tpu.memref_slice %arg6[%dma_wait3A_593, %dma_wait3A_594] : memref<79x128xi32, #tpu.memory_space<vmem>> -> memref<1x128xi32, #tpu.memory_space<vmem>>
    %dma_wait3A_596 = tpu.memref_squeeze %dma_wait3A_595 : memref<1x128xi32, #tpu.memory_space<vmem>> -> memref<128xi32, #tpu.memory_space<vmem>>
    %dma_wait3A_597 = arith.constant 0 : i32
    %dma_wait3A_598 = tpu.memref_slice %arg9[%dma_wait3A_597] : memref<640256xf32, #tpu.memory_space<vmem_shared>> -> memref<640256xf32, #tpu.memory_space<vmem_shared>>
    tpu.wait_indirect_dma semaphore(%arg11 : memref<!tpu.dma_semaphore, #tpu.memory_space<semaphore_mem>>) src(%arg7 : memref<128xf32, #tpu.memory_space<vmem>>) dst(%dma_wait3A_598 : memref<640256xf32, #tpu.memory_space<vmem_shared>>)
    %dma_wait3A_599 = arith.constant 33 : i32
    %dma_wait3A_600 = arith.constant 0 : i32
    %dma_wait3A_601 = tpu.memref_slice %arg6[%dma_wait3A_599, %dma_wait3A_600] : memref<79x128xi32, #tpu.memory_space<vmem>> -> memref<1x128xi32, #tpu.memory_space<vmem>>
    %dma_wait3A_602 = tpu.memref_squeeze %dma_wait3A_601 : memref<1x128xi32, #tpu.memory_space<vmem>> -> memref<128xi32, #tpu.memory_space<vmem>>
    %dma_wait3A_603 = arith.constant 0 : i32
    %dma_wait3A_604 = tpu.memref_slice %arg9[%dma_wait3A_603] : memref<640256xf32, #tpu.memory_space<vmem_shared>> -> memref<640256xf32, #tpu.memory_space<vmem_shared>>
    tpu.wait_indirect_dma semaphore(%arg11 : memref<!tpu.dma_semaphore, #tpu.memory_space<semaphore_mem>>) src(%arg7 : memref<128xf32, #tpu.memory_space<vmem>>) dst(%dma_wait3A_604 : memref<640256xf32, #tpu.memory_space<vmem_shared>>)
    %dma_wait3A_605 = arith.constant 34 : i32
    %dma_wait3A_606 = arith.constant 0 : i32
    %dma_wait3A_607 = tpu.memref_slice %arg6[%dma_wait3A_605, %dma_wait3A_606] : memref<79x128xi32, #tpu.memory_space<vmem>> -> memref<1x128xi32, #tpu.memory_space<vmem>>
    %dma_wait3A_608 = tpu.memref_squeeze %dma_wait3A_607 : memref<1x128xi32, #tpu.memory_space<vmem>> -> memref<128xi32, #tpu.memory_space<vmem>>
    %dma_wait3A_609 = arith.constant 0 : i32
    %dma_wait3A_610 = tpu.memref_slice %arg9[%dma_wait3A_609] : memref<640256xf32, #tpu.memory_space<vmem_shared>> -> memref<640256xf32, #tpu.memory_space<vmem_shared>>
    tpu.wait_indirect_dma semaphore(%arg11 : memref<!tpu.dma_semaphore, #tpu.memory_space<semaphore_mem>>) src(%arg7 : memref<128xf32, #tpu.memory_space<vmem>>) dst(%dma_wait3A_610 : memref<640256xf32, #tpu.memory_space<vmem_shared>>)
    %dma_wait3A_611 = arith.constant 35 : i32
    %dma_wait3A_612 = arith.constant 0 : i32
    %dma_wait3A_613 = tpu.memref_slice %arg6[%dma_wait3A_611, %dma_wait3A_612] : memref<79x128xi32, #tpu.memory_space<vmem>> -> memref<1x128xi32, #tpu.memory_space<vmem>>
    %dma_wait3A_614 = tpu.memref_squeeze %dma_wait3A_613 : memref<1x128xi32, #tpu.memory_space<vmem>> -> memref<128xi32, #tpu.memory_space<vmem>>
    %dma_wait3A_615 = arith.constant 0 : i32
    %dma_wait3A_616 = tpu.memref_slice %arg9[%dma_wait3A_615] : memref<640256xf32, #tpu.memory_space<vmem_shared>> -> memref<640256xf32, #tpu.memory_space<vmem_shared>>
    tpu.wait_indirect_dma semaphore(%arg11 : memref<!tpu.dma_semaphore, #tpu.memory_space<semaphore_mem>>) src(%arg7 : memref<128xf32, #tpu.memory_space<vmem>>) dst(%dma_wait3A_616 : memref<640256xf32, #tpu.memory_space<vmem_shared>>)
    %dma_wait3A_617 = arith.constant 36 : i32
    %dma_wait3A_618 = arith.constant 0 : i32
    %dma_wait3A_619 = tpu.memref_slice %arg6[%dma_wait3A_617, %dma_wait3A_618] : memref<79x128xi32, #tpu.memory_space<vmem>> -> memref<1x128xi32, #tpu.memory_space<vmem>>
    %dma_wait3A_620 = tpu.memref_squeeze %dma_wait3A_619 : memref<1x128xi32, #tpu.memory_space<vmem>> -> memref<128xi32, #tpu.memory_space<vmem>>
    %dma_wait3A_621 = arith.constant 0 : i32
    %dma_wait3A_622 = tpu.memref_slice %arg9[%dma_wait3A_621] : memref<640256xf32, #tpu.memory_space<vmem_shared>> -> memref<640256xf32, #tpu.memory_space<vmem_shared>>
    tpu.wait_indirect_dma semaphore(%arg11 : memref<!tpu.dma_semaphore, #tpu.memory_space<semaphore_mem>>) src(%arg7 : memref<128xf32, #tpu.memory_space<vmem>>) dst(%dma_wait3A_622 : memref<640256xf32, #tpu.memory_space<vmem_shared>>)
    %dma_wait3A_623 = arith.constant 37 : i32
    %dma_wait3A_624 = arith.constant 0 : i32
    %dma_wait3A_625 = tpu.memref_slice %arg6[%dma_wait3A_623, %dma_wait3A_624] : memref<79x128xi32, #tpu.memory_space<vmem>> -> memref<1x128xi32, #tpu.memory_space<vmem>>
    %dma_wait3A_626 = tpu.memref_squeeze %dma_wait3A_625 : memref<1x128xi32, #tpu.memory_space<vmem>> -> memref<128xi32, #tpu.memory_space<vmem>>
    %dma_wait3A_627 = arith.constant 0 : i32
    %dma_wait3A_628 = tpu.memref_slice %arg9[%dma_wait3A_627] : memref<640256xf32, #tpu.memory_space<vmem_shared>> -> memref<640256xf32, #tpu.memory_space<vmem_shared>>
    tpu.wait_indirect_dma semaphore(%arg11 : memref<!tpu.dma_semaphore, #tpu.memory_space<semaphore_mem>>) src(%arg7 : memref<128xf32, #tpu.memory_space<vmem>>) dst(%dma_wait3A_628 : memref<640256xf32, #tpu.memory_space<vmem_shared>>)
    %dma_wait3A_629 = arith.constant 38 : i32
    %dma_wait3A_630 = arith.constant 0 : i32
    %dma_wait3A_631 = tpu.memref_slice %arg6[%dma_wait3A_629, %dma_wait3A_630] : memref<79x128xi32, #tpu.memory_space<vmem>> -> memref<1x128xi32, #tpu.memory_space<vmem>>
    %dma_wait3A_632 = tpu.memref_squeeze %dma_wait3A_631 : memref<1x128xi32, #tpu.memory_space<vmem>> -> memref<128xi32, #tpu.memory_space<vmem>>
    %dma_wait3A_633 = arith.constant 0 : i32
    %dma_wait3A_634 = tpu.memref_slice %arg9[%dma_wait3A_633] : memref<640256xf32, #tpu.memory_space<vmem_shared>> -> memref<640256xf32, #tpu.memory_space<vmem_shared>>
    tpu.wait_indirect_dma semaphore(%arg11 : memref<!tpu.dma_semaphore, #tpu.memory_space<semaphore_mem>>) src(%arg7 : memref<128xf32, #tpu.memory_space<vmem>>) dst(%dma_wait3A_634 : memref<640256xf32, #tpu.memory_space<vmem_shared>>)
    %dma_wait3A_635 = arith.constant 39 : i32
    %dma_wait3A_636 = arith.constant 0 : i32
    %dma_wait3A_637 = tpu.memref_slice %arg6[%dma_wait3A_635, %dma_wait3A_636] : memref<79x128xi32, #tpu.memory_space<vmem>> -> memref<1x128xi32, #tpu.memory_space<vmem>>
    %dma_wait3A_638 = tpu.memref_squeeze %dma_wait3A_637 : memref<1x128xi32, #tpu.memory_space<vmem>> -> memref<128xi32, #tpu.memory_space<vmem>>
    %dma_wait3A_639 = arith.constant 0 : i32
    %dma_wait3A_640 = tpu.memref_slice %arg9[%dma_wait3A_639] : memref<640256xf32, #tpu.memory_space<vmem_shared>> -> memref<640256xf32, #tpu.memory_space<vmem_shared>>
    tpu.wait_indirect_dma semaphore(%arg11 : memref<!tpu.dma_semaphore, #tpu.memory_space<semaphore_mem>>) src(%arg7 : memref<128xf32, #tpu.memory_space<vmem>>) dst(%dma_wait3A_640 : memref<640256xf32, #tpu.memory_space<vmem_shared>>)
    %dma_start3A_641 = arith.constant 40 : i32
    %dma_start3A_642 = arith.constant 0 : i32
    %dma_start3A_643 = tpu.memref_slice %arg6[%dma_start3A_641, %dma_start3A_642] : memref<79x128xi32, #tpu.memory_space<vmem>> -> memref<1x128xi32, #tpu.memory_space<vmem>>
    %dma_start3A_644 = tpu.memref_squeeze %dma_start3A_643 : memref<1x128xi32, #tpu.memory_space<vmem>> -> memref<128xi32, #tpu.memory_space<vmem>>
    %dma_start3A_645 = arith.constant 0 : i32
    %dma_start3A_646 = tpu.memref_slice %arg9[%dma_start3A_645] : memref<640256xf32, #tpu.memory_space<vmem_shared>> -> memref<640256xf32, #tpu.memory_space<vmem_shared>>
    tpu.enqueue_indirect_dma source(%arg7 : memref<128xf32, #tpu.memory_space<vmem>>) target(%dma_start3A_646 : memref<640256xf32, #tpu.memory_space<vmem_shared>>) offsets(%dma_start3A_644 : memref<128xi32, #tpu.memory_space<vmem>>) semaphore(%arg11 : memref<!tpu.dma_semaphore, #tpu.memory_space<semaphore_mem>>) {add = true}
    %dma_start3A_647 = arith.constant 41 : i32
    %dma_start3A_648 = arith.constant 0 : i32
    %dma_start3A_649 = tpu.memref_slice %arg6[%dma_start3A_647, %dma_start3A_648] : memref<79x128xi32, #tpu.memory_space<vmem>> -> memref<1x128xi32, #tpu.memory_space<vmem>>
    %dma_start3A_650 = tpu.memref_squeeze %dma_start3A_649 : memref<1x128xi32, #tpu.memory_space<vmem>> -> memref<128xi32, #tpu.memory_space<vmem>>
    %dma_start3A_651 = arith.constant 0 : i32
    %dma_start3A_652 = tpu.memref_slice %arg9[%dma_start3A_651] : memref<640256xf32, #tpu.memory_space<vmem_shared>> -> memref<640256xf32, #tpu.memory_space<vmem_shared>>
    tpu.enqueue_indirect_dma source(%arg7 : memref<128xf32, #tpu.memory_space<vmem>>) target(%dma_start3A_652 : memref<640256xf32, #tpu.memory_space<vmem_shared>>) offsets(%dma_start3A_650 : memref<128xi32, #tpu.memory_space<vmem>>) semaphore(%arg11 : memref<!tpu.dma_semaphore, #tpu.memory_space<semaphore_mem>>) {add = true}
    %dma_start3A_653 = arith.constant 42 : i32
    %dma_start3A_654 = arith.constant 0 : i32
    %dma_start3A_655 = tpu.memref_slice %arg6[%dma_start3A_653, %dma_start3A_654] : memref<79x128xi32, #tpu.memory_space<vmem>> -> memref<1x128xi32, #tpu.memory_space<vmem>>
    %dma_start3A_656 = tpu.memref_squeeze %dma_start3A_655 : memref<1x128xi32, #tpu.memory_space<vmem>> -> memref<128xi32, #tpu.memory_space<vmem>>
    %dma_start3A_657 = arith.constant 0 : i32
    %dma_start3A_658 = tpu.memref_slice %arg9[%dma_start3A_657] : memref<640256xf32, #tpu.memory_space<vmem_shared>> -> memref<640256xf32, #tpu.memory_space<vmem_shared>>
    tpu.enqueue_indirect_dma source(%arg7 : memref<128xf32, #tpu.memory_space<vmem>>) target(%dma_start3A_658 : memref<640256xf32, #tpu.memory_space<vmem_shared>>) offsets(%dma_start3A_656 : memref<128xi32, #tpu.memory_space<vmem>>) semaphore(%arg11 : memref<!tpu.dma_semaphore, #tpu.memory_space<semaphore_mem>>) {add = true}
    %dma_start3A_659 = arith.constant 43 : i32
    %dma_start3A_660 = arith.constant 0 : i32
    %dma_start3A_661 = tpu.memref_slice %arg6[%dma_start3A_659, %dma_start3A_660] : memref<79x128xi32, #tpu.memory_space<vmem>> -> memref<1x128xi32, #tpu.memory_space<vmem>>
    %dma_start3A_662 = tpu.memref_squeeze %dma_start3A_661 : memref<1x128xi32, #tpu.memory_space<vmem>> -> memref<128xi32, #tpu.memory_space<vmem>>
    %dma_start3A_663 = arith.constant 0 : i32
    %dma_start3A_664 = tpu.memref_slice %arg9[%dma_start3A_663] : memref<640256xf32, #tpu.memory_space<vmem_shared>> -> memref<640256xf32, #tpu.memory_space<vmem_shared>>
    tpu.enqueue_indirect_dma source(%arg7 : memref<128xf32, #tpu.memory_space<vmem>>) target(%dma_start3A_664 : memref<640256xf32, #tpu.memory_space<vmem_shared>>) offsets(%dma_start3A_662 : memref<128xi32, #tpu.memory_space<vmem>>) semaphore(%arg11 : memref<!tpu.dma_semaphore, #tpu.memory_space<semaphore_mem>>) {add = true}
    %dma_start3A_665 = arith.constant 44 : i32
    %dma_start3A_666 = arith.constant 0 : i32
    %dma_start3A_667 = tpu.memref_slice %arg6[%dma_start3A_665, %dma_start3A_666] : memref<79x128xi32, #tpu.memory_space<vmem>> -> memref<1x128xi32, #tpu.memory_space<vmem>>
    %dma_start3A_668 = tpu.memref_squeeze %dma_start3A_667 : memref<1x128xi32, #tpu.memory_space<vmem>> -> memref<128xi32, #tpu.memory_space<vmem>>
    %dma_start3A_669 = arith.constant 0 : i32
    %dma_start3A_670 = tpu.memref_slice %arg9[%dma_start3A_669] : memref<640256xf32, #tpu.memory_space<vmem_shared>> -> memref<640256xf32, #tpu.memory_space<vmem_shared>>
    tpu.enqueue_indirect_dma source(%arg7 : memref<128xf32, #tpu.memory_space<vmem>>) target(%dma_start3A_670 : memref<640256xf32, #tpu.memory_space<vmem_shared>>) offsets(%dma_start3A_668 : memref<128xi32, #tpu.memory_space<vmem>>) semaphore(%arg11 : memref<!tpu.dma_semaphore, #tpu.memory_space<semaphore_mem>>) {add = true}
    %dma_start3A_671 = arith.constant 45 : i32
    %dma_start3A_672 = arith.constant 0 : i32
    %dma_start3A_673 = tpu.memref_slice %arg6[%dma_start3A_671, %dma_start3A_672] : memref<79x128xi32, #tpu.memory_space<vmem>> -> memref<1x128xi32, #tpu.memory_space<vmem>>
    %dma_start3A_674 = tpu.memref_squeeze %dma_start3A_673 : memref<1x128xi32, #tpu.memory_space<vmem>> -> memref<128xi32, #tpu.memory_space<vmem>>
    %dma_start3A_675 = arith.constant 0 : i32
    %dma_start3A_676 = tpu.memref_slice %arg9[%dma_start3A_675] : memref<640256xf32, #tpu.memory_space<vmem_shared>> -> memref<640256xf32, #tpu.memory_space<vmem_shared>>
    tpu.enqueue_indirect_dma source(%arg7 : memref<128xf32, #tpu.memory_space<vmem>>) target(%dma_start3A_676 : memref<640256xf32, #tpu.memory_space<vmem_shared>>) offsets(%dma_start3A_674 : memref<128xi32, #tpu.memory_space<vmem>>) semaphore(%arg11 : memref<!tpu.dma_semaphore, #tpu.memory_space<semaphore_mem>>) {add = true}
    %dma_start3A_677 = arith.constant 46 : i32
    %dma_start3A_678 = arith.constant 0 : i32
    %dma_start3A_679 = tpu.memref_slice %arg6[%dma_start3A_677, %dma_start3A_678] : memref<79x128xi32, #tpu.memory_space<vmem>> -> memref<1x128xi32, #tpu.memory_space<vmem>>
    %dma_start3A_680 = tpu.memref_squeeze %dma_start3A_679 : memref<1x128xi32, #tpu.memory_space<vmem>> -> memref<128xi32, #tpu.memory_space<vmem>>
    %dma_start3A_681 = arith.constant 0 : i32
    %dma_start3A_682 = tpu.memref_slice %arg9[%dma_start3A_681] : memref<640256xf32, #tpu.memory_space<vmem_shared>> -> memref<640256xf32, #tpu.memory_space<vmem_shared>>
    tpu.enqueue_indirect_dma source(%arg7 : memref<128xf32, #tpu.memory_space<vmem>>) target(%dma_start3A_682 : memref<640256xf32, #tpu.memory_space<vmem_shared>>) offsets(%dma_start3A_680 : memref<128xi32, #tpu.memory_space<vmem>>) semaphore(%arg11 : memref<!tpu.dma_semaphore, #tpu.memory_space<semaphore_mem>>) {add = true}
    %dma_start3A_683 = arith.constant 47 : i32
    %dma_start3A_684 = arith.constant 0 : i32
    %dma_start3A_685 = tpu.memref_slice %arg6[%dma_start3A_683, %dma_start3A_684] : memref<79x128xi32, #tpu.memory_space<vmem>> -> memref<1x128xi32, #tpu.memory_space<vmem>>
    %dma_start3A_686 = tpu.memref_squeeze %dma_start3A_685 : memref<1x128xi32, #tpu.memory_space<vmem>> -> memref<128xi32, #tpu.memory_space<vmem>>
    %dma_start3A_687 = arith.constant 0 : i32
    %dma_start3A_688 = tpu.memref_slice %arg9[%dma_start3A_687] : memref<640256xf32, #tpu.memory_space<vmem_shared>> -> memref<640256xf32, #tpu.memory_space<vmem_shared>>
    tpu.enqueue_indirect_dma source(%arg7 : memref<128xf32, #tpu.memory_space<vmem>>) target(%dma_start3A_688 : memref<640256xf32, #tpu.memory_space<vmem_shared>>) offsets(%dma_start3A_686 : memref<128xi32, #tpu.memory_space<vmem>>) semaphore(%arg11 : memref<!tpu.dma_semaphore, #tpu.memory_space<semaphore_mem>>) {add = true}
    %dma_start3A_689 = arith.constant 48 : i32
    %dma_start3A_690 = arith.constant 0 : i32
    %dma_start3A_691 = tpu.memref_slice %arg6[%dma_start3A_689, %dma_start3A_690] : memref<79x128xi32, #tpu.memory_space<vmem>> -> memref<1x128xi32, #tpu.memory_space<vmem>>
    %dma_start3A_692 = tpu.memref_squeeze %dma_start3A_691 : memref<1x128xi32, #tpu.memory_space<vmem>> -> memref<128xi32, #tpu.memory_space<vmem>>
    %dma_start3A_693 = arith.constant 0 : i32
    %dma_start3A_694 = tpu.memref_slice %arg9[%dma_start3A_693] : memref<640256xf32, #tpu.memory_space<vmem_shared>> -> memref<640256xf32, #tpu.memory_space<vmem_shared>>
    tpu.enqueue_indirect_dma source(%arg7 : memref<128xf32, #tpu.memory_space<vmem>>) target(%dma_start3A_694 : memref<640256xf32, #tpu.memory_space<vmem_shared>>) offsets(%dma_start3A_692 : memref<128xi32, #tpu.memory_space<vmem>>) semaphore(%arg11 : memref<!tpu.dma_semaphore, #tpu.memory_space<semaphore_mem>>) {add = true}
    %dma_start3A_695 = arith.constant 49 : i32
    %dma_start3A_696 = arith.constant 0 : i32
    %dma_start3A_697 = tpu.memref_slice %arg6[%dma_start3A_695, %dma_start3A_696] : memref<79x128xi32, #tpu.memory_space<vmem>> -> memref<1x128xi32, #tpu.memory_space<vmem>>
    %dma_start3A_698 = tpu.memref_squeeze %dma_start3A_697 : memref<1x128xi32, #tpu.memory_space<vmem>> -> memref<128xi32, #tpu.memory_space<vmem>>
    %dma_start3A_699 = arith.constant 0 : i32
    %dma_start3A_700 = tpu.memref_slice %arg9[%dma_start3A_699] : memref<640256xf32, #tpu.memory_space<vmem_shared>> -> memref<640256xf32, #tpu.memory_space<vmem_shared>>
    tpu.enqueue_indirect_dma source(%arg7 : memref<128xf32, #tpu.memory_space<vmem>>) target(%dma_start3A_700 : memref<640256xf32, #tpu.memory_space<vmem_shared>>) offsets(%dma_start3A_698 : memref<128xi32, #tpu.memory_space<vmem>>) semaphore(%arg11 : memref<!tpu.dma_semaphore, #tpu.memory_space<semaphore_mem>>) {add = true}
    %dma_start3A_701 = arith.constant 50 : i32
    %dma_start3A_702 = arith.constant 0 : i32
    %dma_start3A_703 = tpu.memref_slice %arg6[%dma_start3A_701, %dma_start3A_702] : memref<79x128xi32, #tpu.memory_space<vmem>> -> memref<1x128xi32, #tpu.memory_space<vmem>>
    %dma_start3A_704 = tpu.memref_squeeze %dma_start3A_703 : memref<1x128xi32, #tpu.memory_space<vmem>> -> memref<128xi32, #tpu.memory_space<vmem>>
    %dma_start3A_705 = arith.constant 0 : i32
    %dma_start3A_706 = tpu.memref_slice %arg9[%dma_start3A_705] : memref<640256xf32, #tpu.memory_space<vmem_shared>> -> memref<640256xf32, #tpu.memory_space<vmem_shared>>
    tpu.enqueue_indirect_dma source(%arg7 : memref<128xf32, #tpu.memory_space<vmem>>) target(%dma_start3A_706 : memref<640256xf32, #tpu.memory_space<vmem_shared>>) offsets(%dma_start3A_704 : memref<128xi32, #tpu.memory_space<vmem>>) semaphore(%arg11 : memref<!tpu.dma_semaphore, #tpu.memory_space<semaphore_mem>>) {add = true}
    %dma_start3A_707 = arith.constant 51 : i32
    %dma_start3A_708 = arith.constant 0 : i32
    %dma_start3A_709 = tpu.memref_slice %arg6[%dma_start3A_707, %dma_start3A_708] : memref<79x128xi32, #tpu.memory_space<vmem>> -> memref<1x128xi32, #tpu.memory_space<vmem>>
    %dma_start3A_710 = tpu.memref_squeeze %dma_start3A_709 : memref<1x128xi32, #tpu.memory_space<vmem>> -> memref<128xi32, #tpu.memory_space<vmem>>
    %dma_start3A_711 = arith.constant 0 : i32
    %dma_start3A_712 = tpu.memref_slice %arg9[%dma_start3A_711] : memref<640256xf32, #tpu.memory_space<vmem_shared>> -> memref<640256xf32, #tpu.memory_space<vmem_shared>>
    tpu.enqueue_indirect_dma source(%arg7 : memref<128xf32, #tpu.memory_space<vmem>>) target(%dma_start3A_712 : memref<640256xf32, #tpu.memory_space<vmem_shared>>) offsets(%dma_start3A_710 : memref<128xi32, #tpu.memory_space<vmem>>) semaphore(%arg11 : memref<!tpu.dma_semaphore, #tpu.memory_space<semaphore_mem>>) {add = true}
    %dma_start3A_713 = arith.constant 52 : i32
    %dma_start3A_714 = arith.constant 0 : i32
    %dma_start3A_715 = tpu.memref_slice %arg6[%dma_start3A_713, %dma_start3A_714] : memref<79x128xi32, #tpu.memory_space<vmem>> -> memref<1x128xi32, #tpu.memory_space<vmem>>
    %dma_start3A_716 = tpu.memref_squeeze %dma_start3A_715 : memref<1x128xi32, #tpu.memory_space<vmem>> -> memref<128xi32, #tpu.memory_space<vmem>>
    %dma_start3A_717 = arith.constant 0 : i32
    %dma_start3A_718 = tpu.memref_slice %arg9[%dma_start3A_717] : memref<640256xf32, #tpu.memory_space<vmem_shared>> -> memref<640256xf32, #tpu.memory_space<vmem_shared>>
    tpu.enqueue_indirect_dma source(%arg7 : memref<128xf32, #tpu.memory_space<vmem>>) target(%dma_start3A_718 : memref<640256xf32, #tpu.memory_space<vmem_shared>>) offsets(%dma_start3A_716 : memref<128xi32, #tpu.memory_space<vmem>>) semaphore(%arg11 : memref<!tpu.dma_semaphore, #tpu.memory_space<semaphore_mem>>) {add = true}
    %dma_start3A_719 = arith.constant 53 : i32
    %dma_start3A_720 = arith.constant 0 : i32
    %dma_start3A_721 = tpu.memref_slice %arg6[%dma_start3A_719, %dma_start3A_720] : memref<79x128xi32, #tpu.memory_space<vmem>> -> memref<1x128xi32, #tpu.memory_space<vmem>>
    %dma_start3A_722 = tpu.memref_squeeze %dma_start3A_721 : memref<1x128xi32, #tpu.memory_space<vmem>> -> memref<128xi32, #tpu.memory_space<vmem>>
    %dma_start3A_723 = arith.constant 0 : i32
    %dma_start3A_724 = tpu.memref_slice %arg9[%dma_start3A_723] : memref<640256xf32, #tpu.memory_space<vmem_shared>> -> memref<640256xf32, #tpu.memory_space<vmem_shared>>
    tpu.enqueue_indirect_dma source(%arg7 : memref<128xf32, #tpu.memory_space<vmem>>) target(%dma_start3A_724 : memref<640256xf32, #tpu.memory_space<vmem_shared>>) offsets(%dma_start3A_722 : memref<128xi32, #tpu.memory_space<vmem>>) semaphore(%arg11 : memref<!tpu.dma_semaphore, #tpu.memory_space<semaphore_mem>>) {add = true}
    %dma_start3A_725 = arith.constant 54 : i32
    %dma_start3A_726 = arith.constant 0 : i32
    %dma_start3A_727 = tpu.memref_slice %arg6[%dma_start3A_725, %dma_start3A_726] : memref<79x128xi32, #tpu.memory_space<vmem>> -> memref<1x128xi32, #tpu.memory_space<vmem>>
    %dma_start3A_728 = tpu.memref_squeeze %dma_start3A_727 : memref<1x128xi32, #tpu.memory_space<vmem>> -> memref<128xi32, #tpu.memory_space<vmem>>
    %dma_start3A_729 = arith.constant 0 : i32
    %dma_start3A_730 = tpu.memref_slice %arg9[%dma_start3A_729] : memref<640256xf32, #tpu.memory_space<vmem_shared>> -> memref<640256xf32, #tpu.memory_space<vmem_shared>>
    tpu.enqueue_indirect_dma source(%arg7 : memref<128xf32, #tpu.memory_space<vmem>>) target(%dma_start3A_730 : memref<640256xf32, #tpu.memory_space<vmem_shared>>) offsets(%dma_start3A_728 : memref<128xi32, #tpu.memory_space<vmem>>) semaphore(%arg11 : memref<!tpu.dma_semaphore, #tpu.memory_space<semaphore_mem>>) {add = true}
    %dma_start3A_731 = arith.constant 55 : i32
    %dma_start3A_732 = arith.constant 0 : i32
    %dma_start3A_733 = tpu.memref_slice %arg6[%dma_start3A_731, %dma_start3A_732] : memref<79x128xi32, #tpu.memory_space<vmem>> -> memref<1x128xi32, #tpu.memory_space<vmem>>
    %dma_start3A_734 = tpu.memref_squeeze %dma_start3A_733 : memref<1x128xi32, #tpu.memory_space<vmem>> -> memref<128xi32, #tpu.memory_space<vmem>>
    %dma_start3A_735 = arith.constant 0 : i32
    %dma_start3A_736 = tpu.memref_slice %arg9[%dma_start3A_735] : memref<640256xf32, #tpu.memory_space<vmem_shared>> -> memref<640256xf32, #tpu.memory_space<vmem_shared>>
    tpu.enqueue_indirect_dma source(%arg7 : memref<128xf32, #tpu.memory_space<vmem>>) target(%dma_start3A_736 : memref<640256xf32, #tpu.memory_space<vmem_shared>>) offsets(%dma_start3A_734 : memref<128xi32, #tpu.memory_space<vmem>>) semaphore(%arg11 : memref<!tpu.dma_semaphore, #tpu.memory_space<semaphore_mem>>) {add = true}
    %dma_start3A_737 = arith.constant 56 : i32
    %dma_start3A_738 = arith.constant 0 : i32
    %dma_start3A_739 = tpu.memref_slice %arg6[%dma_start3A_737, %dma_start3A_738] : memref<79x128xi32, #tpu.memory_space<vmem>> -> memref<1x128xi32, #tpu.memory_space<vmem>>
    %dma_start3A_740 = tpu.memref_squeeze %dma_start3A_739 : memref<1x128xi32, #tpu.memory_space<vmem>> -> memref<128xi32, #tpu.memory_space<vmem>>
    %dma_start3A_741 = arith.constant 0 : i32
    %dma_start3A_742 = tpu.memref_slice %arg9[%dma_start3A_741] : memref<640256xf32, #tpu.memory_space<vmem_shared>> -> memref<640256xf32, #tpu.memory_space<vmem_shared>>
    tpu.enqueue_indirect_dma source(%arg7 : memref<128xf32, #tpu.memory_space<vmem>>) target(%dma_start3A_742 : memref<640256xf32, #tpu.memory_space<vmem_shared>>) offsets(%dma_start3A_740 : memref<128xi32, #tpu.memory_space<vmem>>) semaphore(%arg11 : memref<!tpu.dma_semaphore, #tpu.memory_space<semaphore_mem>>) {add = true}
    %dma_start3A_743 = arith.constant 57 : i32
    %dma_start3A_744 = arith.constant 0 : i32
    %dma_start3A_745 = tpu.memref_slice %arg6[%dma_start3A_743, %dma_start3A_744] : memref<79x128xi32, #tpu.memory_space<vmem>> -> memref<1x128xi32, #tpu.memory_space<vmem>>
    %dma_start3A_746 = tpu.memref_squeeze %dma_start3A_745 : memref<1x128xi32, #tpu.memory_space<vmem>> -> memref<128xi32, #tpu.memory_space<vmem>>
    %dma_start3A_747 = arith.constant 0 : i32
    %dma_start3A_748 = tpu.memref_slice %arg9[%dma_start3A_747] : memref<640256xf32, #tpu.memory_space<vmem_shared>> -> memref<640256xf32, #tpu.memory_space<vmem_shared>>
    tpu.enqueue_indirect_dma source(%arg7 : memref<128xf32, #tpu.memory_space<vmem>>) target(%dma_start3A_748 : memref<640256xf32, #tpu.memory_space<vmem_shared>>) offsets(%dma_start3A_746 : memref<128xi32, #tpu.memory_space<vmem>>) semaphore(%arg11 : memref<!tpu.dma_semaphore, #tpu.memory_space<semaphore_mem>>) {add = true}
    %dma_start3A_749 = arith.constant 58 : i32
    %dma_start3A_750 = arith.constant 0 : i32
    %dma_start3A_751 = tpu.memref_slice %arg6[%dma_start3A_749, %dma_start3A_750] : memref<79x128xi32, #tpu.memory_space<vmem>> -> memref<1x128xi32, #tpu.memory_space<vmem>>
    %dma_start3A_752 = tpu.memref_squeeze %dma_start3A_751 : memref<1x128xi32, #tpu.memory_space<vmem>> -> memref<128xi32, #tpu.memory_space<vmem>>
    %dma_start3A_753 = arith.constant 0 : i32
    %dma_start3A_754 = tpu.memref_slice %arg9[%dma_start3A_753] : memref<640256xf32, #tpu.memory_space<vmem_shared>> -> memref<640256xf32, #tpu.memory_space<vmem_shared>>
    tpu.enqueue_indirect_dma source(%arg7 : memref<128xf32, #tpu.memory_space<vmem>>) target(%dma_start3A_754 : memref<640256xf32, #tpu.memory_space<vmem_shared>>) offsets(%dma_start3A_752 : memref<128xi32, #tpu.memory_space<vmem>>) semaphore(%arg11 : memref<!tpu.dma_semaphore, #tpu.memory_space<semaphore_mem>>) {add = true}
    %dma_start3A_755 = arith.constant 59 : i32
    %dma_start3A_756 = arith.constant 0 : i32
    %dma_start3A_757 = tpu.memref_slice %arg6[%dma_start3A_755, %dma_start3A_756] : memref<79x128xi32, #tpu.memory_space<vmem>> -> memref<1x128xi32, #tpu.memory_space<vmem>>
    %dma_start3A_758 = tpu.memref_squeeze %dma_start3A_757 : memref<1x128xi32, #tpu.memory_space<vmem>> -> memref<128xi32, #tpu.memory_space<vmem>>
    %dma_start3A_759 = arith.constant 0 : i32
    %dma_start3A_760 = tpu.memref_slice %arg9[%dma_start3A_759] : memref<640256xf32, #tpu.memory_space<vmem_shared>> -> memref<640256xf32, #tpu.memory_space<vmem_shared>>
    tpu.enqueue_indirect_dma source(%arg7 : memref<128xf32, #tpu.memory_space<vmem>>) target(%dma_start3A_760 : memref<640256xf32, #tpu.memory_space<vmem_shared>>) offsets(%dma_start3A_758 : memref<128xi32, #tpu.memory_space<vmem>>) semaphore(%arg11 : memref<!tpu.dma_semaphore, #tpu.memory_space<semaphore_mem>>) {add = true}
    %dma_start3A_761 = arith.constant 60 : i32
    %dma_start3A_762 = arith.constant 0 : i32
    %dma_start3A_763 = tpu.memref_slice %arg6[%dma_start3A_761, %dma_start3A_762] : memref<79x128xi32, #tpu.memory_space<vmem>> -> memref<1x128xi32, #tpu.memory_space<vmem>>
    %dma_start3A_764 = tpu.memref_squeeze %dma_start3A_763 : memref<1x128xi32, #tpu.memory_space<vmem>> -> memref<128xi32, #tpu.memory_space<vmem>>
    %dma_start3A_765 = arith.constant 0 : i32
    %dma_start3A_766 = tpu.memref_slice %arg9[%dma_start3A_765] : memref<640256xf32, #tpu.memory_space<vmem_shared>> -> memref<640256xf32, #tpu.memory_space<vmem_shared>>
    tpu.enqueue_indirect_dma source(%arg7 : memref<128xf32, #tpu.memory_space<vmem>>) target(%dma_start3A_766 : memref<640256xf32, #tpu.memory_space<vmem_shared>>) offsets(%dma_start3A_764 : memref<128xi32, #tpu.memory_space<vmem>>) semaphore(%arg11 : memref<!tpu.dma_semaphore, #tpu.memory_space<semaphore_mem>>) {add = true}
    %dma_start3A_767 = arith.constant 61 : i32
    %dma_start3A_768 = arith.constant 0 : i32
    %dma_start3A_769 = tpu.memref_slice %arg6[%dma_start3A_767, %dma_start3A_768] : memref<79x128xi32, #tpu.memory_space<vmem>> -> memref<1x128xi32, #tpu.memory_space<vmem>>
    %dma_start3A_770 = tpu.memref_squeeze %dma_start3A_769 : memref<1x128xi32, #tpu.memory_space<vmem>> -> memref<128xi32, #tpu.memory_space<vmem>>
    %dma_start3A_771 = arith.constant 0 : i32
    %dma_start3A_772 = tpu.memref_slice %arg9[%dma_start3A_771] : memref<640256xf32, #tpu.memory_space<vmem_shared>> -> memref<640256xf32, #tpu.memory_space<vmem_shared>>
    tpu.enqueue_indirect_dma source(%arg7 : memref<128xf32, #tpu.memory_space<vmem>>) target(%dma_start3A_772 : memref<640256xf32, #tpu.memory_space<vmem_shared>>) offsets(%dma_start3A_770 : memref<128xi32, #tpu.memory_space<vmem>>) semaphore(%arg11 : memref<!tpu.dma_semaphore, #tpu.memory_space<semaphore_mem>>) {add = true}
    %dma_start3A_773 = arith.constant 62 : i32
    %dma_start3A_774 = arith.constant 0 : i32
    %dma_start3A_775 = tpu.memref_slice %arg6[%dma_start3A_773, %dma_start3A_774] : memref<79x128xi32, #tpu.memory_space<vmem>> -> memref<1x128xi32, #tpu.memory_space<vmem>>
    %dma_start3A_776 = tpu.memref_squeeze %dma_start3A_775 : memref<1x128xi32, #tpu.memory_space<vmem>> -> memref<128xi32, #tpu.memory_space<vmem>>
    %dma_start3A_777 = arith.constant 0 : i32
    %dma_start3A_778 = tpu.memref_slice %arg9[%dma_start3A_777] : memref<640256xf32, #tpu.memory_space<vmem_shared>> -> memref<640256xf32, #tpu.memory_space<vmem_shared>>
    tpu.enqueue_indirect_dma source(%arg7 : memref<128xf32, #tpu.memory_space<vmem>>) target(%dma_start3A_778 : memref<640256xf32, #tpu.memory_space<vmem_shared>>) offsets(%dma_start3A_776 : memref<128xi32, #tpu.memory_space<vmem>>) semaphore(%arg11 : memref<!tpu.dma_semaphore, #tpu.memory_space<semaphore_mem>>) {add = true}
    %dma_start3A_779 = arith.constant 63 : i32
    %dma_start3A_780 = arith.constant 0 : i32
    %dma_start3A_781 = tpu.memref_slice %arg6[%dma_start3A_779, %dma_start3A_780] : memref<79x128xi32, #tpu.memory_space<vmem>> -> memref<1x128xi32, #tpu.memory_space<vmem>>
    %dma_start3A_782 = tpu.memref_squeeze %dma_start3A_781 : memref<1x128xi32, #tpu.memory_space<vmem>> -> memref<128xi32, #tpu.memory_space<vmem>>
    %dma_start3A_783 = arith.constant 0 : i32
    %dma_start3A_784 = tpu.memref_slice %arg9[%dma_start3A_783] : memref<640256xf32, #tpu.memory_space<vmem_shared>> -> memref<640256xf32, #tpu.memory_space<vmem_shared>>
    tpu.enqueue_indirect_dma source(%arg7 : memref<128xf32, #tpu.memory_space<vmem>>) target(%dma_start3A_784 : memref<640256xf32, #tpu.memory_space<vmem_shared>>) offsets(%dma_start3A_782 : memref<128xi32, #tpu.memory_space<vmem>>) semaphore(%arg11 : memref<!tpu.dma_semaphore, #tpu.memory_space<semaphore_mem>>) {add = true}
    %dma_start3A_785 = arith.constant 64 : i32
    %dma_start3A_786 = arith.constant 0 : i32
    %dma_start3A_787 = tpu.memref_slice %arg6[%dma_start3A_785, %dma_start3A_786] : memref<79x128xi32, #tpu.memory_space<vmem>> -> memref<1x128xi32, #tpu.memory_space<vmem>>
    %dma_start3A_788 = tpu.memref_squeeze %dma_start3A_787 : memref<1x128xi32, #tpu.memory_space<vmem>> -> memref<128xi32, #tpu.memory_space<vmem>>
    %dma_start3A_789 = arith.constant 0 : i32
    %dma_start3A_790 = tpu.memref_slice %arg9[%dma_start3A_789] : memref<640256xf32, #tpu.memory_space<vmem_shared>> -> memref<640256xf32, #tpu.memory_space<vmem_shared>>
    tpu.enqueue_indirect_dma source(%arg7 : memref<128xf32, #tpu.memory_space<vmem>>) target(%dma_start3A_790 : memref<640256xf32, #tpu.memory_space<vmem_shared>>) offsets(%dma_start3A_788 : memref<128xi32, #tpu.memory_space<vmem>>) semaphore(%arg11 : memref<!tpu.dma_semaphore, #tpu.memory_space<semaphore_mem>>) {add = true}
    %dma_start3A_791 = arith.constant 65 : i32
    %dma_start3A_792 = arith.constant 0 : i32
    %dma_start3A_793 = tpu.memref_slice %arg6[%dma_start3A_791, %dma_start3A_792] : memref<79x128xi32, #tpu.memory_space<vmem>> -> memref<1x128xi32, #tpu.memory_space<vmem>>
    %dma_start3A_794 = tpu.memref_squeeze %dma_start3A_793 : memref<1x128xi32, #tpu.memory_space<vmem>> -> memref<128xi32, #tpu.memory_space<vmem>>
    %dma_start3A_795 = arith.constant 0 : i32
    %dma_start3A_796 = tpu.memref_slice %arg9[%dma_start3A_795] : memref<640256xf32, #tpu.memory_space<vmem_shared>> -> memref<640256xf32, #tpu.memory_space<vmem_shared>>
    tpu.enqueue_indirect_dma source(%arg7 : memref<128xf32, #tpu.memory_space<vmem>>) target(%dma_start3A_796 : memref<640256xf32, #tpu.memory_space<vmem_shared>>) offsets(%dma_start3A_794 : memref<128xi32, #tpu.memory_space<vmem>>) semaphore(%arg11 : memref<!tpu.dma_semaphore, #tpu.memory_space<semaphore_mem>>) {add = true}
    %dma_start3A_797 = arith.constant 66 : i32
    %dma_start3A_798 = arith.constant 0 : i32
    %dma_start3A_799 = tpu.memref_slice %arg6[%dma_start3A_797, %dma_start3A_798] : memref<79x128xi32, #tpu.memory_space<vmem>> -> memref<1x128xi32, #tpu.memory_space<vmem>>
    %dma_start3A_800 = tpu.memref_squeeze %dma_start3A_799 : memref<1x128xi32, #tpu.memory_space<vmem>> -> memref<128xi32, #tpu.memory_space<vmem>>
    %dma_start3A_801 = arith.constant 0 : i32
    %dma_start3A_802 = tpu.memref_slice %arg9[%dma_start3A_801] : memref<640256xf32, #tpu.memory_space<vmem_shared>> -> memref<640256xf32, #tpu.memory_space<vmem_shared>>
    tpu.enqueue_indirect_dma source(%arg7 : memref<128xf32, #tpu.memory_space<vmem>>) target(%dma_start3A_802 : memref<640256xf32, #tpu.memory_space<vmem_shared>>) offsets(%dma_start3A_800 : memref<128xi32, #tpu.memory_space<vmem>>) semaphore(%arg11 : memref<!tpu.dma_semaphore, #tpu.memory_space<semaphore_mem>>) {add = true}
    %dma_start3A_803 = arith.constant 67 : i32
    %dma_start3A_804 = arith.constant 0 : i32
    %dma_start3A_805 = tpu.memref_slice %arg6[%dma_start3A_803, %dma_start3A_804] : memref<79x128xi32, #tpu.memory_space<vmem>> -> memref<1x128xi32, #tpu.memory_space<vmem>>
    %dma_start3A_806 = tpu.memref_squeeze %dma_start3A_805 : memref<1x128xi32, #tpu.memory_space<vmem>> -> memref<128xi32, #tpu.memory_space<vmem>>
    %dma_start3A_807 = arith.constant 0 : i32
    %dma_start3A_808 = tpu.memref_slice %arg9[%dma_start3A_807] : memref<640256xf32, #tpu.memory_space<vmem_shared>> -> memref<640256xf32, #tpu.memory_space<vmem_shared>>
    tpu.enqueue_indirect_dma source(%arg7 : memref<128xf32, #tpu.memory_space<vmem>>) target(%dma_start3A_808 : memref<640256xf32, #tpu.memory_space<vmem_shared>>) offsets(%dma_start3A_806 : memref<128xi32, #tpu.memory_space<vmem>>) semaphore(%arg11 : memref<!tpu.dma_semaphore, #tpu.memory_space<semaphore_mem>>) {add = true}
    %dma_start3A_809 = arith.constant 68 : i32
    %dma_start3A_810 = arith.constant 0 : i32
    %dma_start3A_811 = tpu.memref_slice %arg6[%dma_start3A_809, %dma_start3A_810] : memref<79x128xi32, #tpu.memory_space<vmem>> -> memref<1x128xi32, #tpu.memory_space<vmem>>
    %dma_start3A_812 = tpu.memref_squeeze %dma_start3A_811 : memref<1x128xi32, #tpu.memory_space<vmem>> -> memref<128xi32, #tpu.memory_space<vmem>>
    %dma_start3A_813 = arith.constant 0 : i32
    %dma_start3A_814 = tpu.memref_slice %arg9[%dma_start3A_813] : memref<640256xf32, #tpu.memory_space<vmem_shared>> -> memref<640256xf32, #tpu.memory_space<vmem_shared>>
    tpu.enqueue_indirect_dma source(%arg7 : memref<128xf32, #tpu.memory_space<vmem>>) target(%dma_start3A_814 : memref<640256xf32, #tpu.memory_space<vmem_shared>>) offsets(%dma_start3A_812 : memref<128xi32, #tpu.memory_space<vmem>>) semaphore(%arg11 : memref<!tpu.dma_semaphore, #tpu.memory_space<semaphore_mem>>) {add = true}
    %dma_start3A_815 = arith.constant 69 : i32
    %dma_start3A_816 = arith.constant 0 : i32
    %dma_start3A_817 = tpu.memref_slice %arg6[%dma_start3A_815, %dma_start3A_816] : memref<79x128xi32, #tpu.memory_space<vmem>> -> memref<1x128xi32, #tpu.memory_space<vmem>>
    %dma_start3A_818 = tpu.memref_squeeze %dma_start3A_817 : memref<1x128xi32, #tpu.memory_space<vmem>> -> memref<128xi32, #tpu.memory_space<vmem>>
    %dma_start3A_819 = arith.constant 0 : i32
    %dma_start3A_820 = tpu.memref_slice %arg9[%dma_start3A_819] : memref<640256xf32, #tpu.memory_space<vmem_shared>> -> memref<640256xf32, #tpu.memory_space<vmem_shared>>
    tpu.enqueue_indirect_dma source(%arg7 : memref<128xf32, #tpu.memory_space<vmem>>) target(%dma_start3A_820 : memref<640256xf32, #tpu.memory_space<vmem_shared>>) offsets(%dma_start3A_818 : memref<128xi32, #tpu.memory_space<vmem>>) semaphore(%arg11 : memref<!tpu.dma_semaphore, #tpu.memory_space<semaphore_mem>>) {add = true}
    %dma_start3A_821 = arith.constant 70 : i32
    %dma_start3A_822 = arith.constant 0 : i32
    %dma_start3A_823 = tpu.memref_slice %arg6[%dma_start3A_821, %dma_start3A_822] : memref<79x128xi32, #tpu.memory_space<vmem>> -> memref<1x128xi32, #tpu.memory_space<vmem>>
    %dma_start3A_824 = tpu.memref_squeeze %dma_start3A_823 : memref<1x128xi32, #tpu.memory_space<vmem>> -> memref<128xi32, #tpu.memory_space<vmem>>
    %dma_start3A_825 = arith.constant 0 : i32
    %dma_start3A_826 = tpu.memref_slice %arg9[%dma_start3A_825] : memref<640256xf32, #tpu.memory_space<vmem_shared>> -> memref<640256xf32, #tpu.memory_space<vmem_shared>>
    tpu.enqueue_indirect_dma source(%arg7 : memref<128xf32, #tpu.memory_space<vmem>>) target(%dma_start3A_826 : memref<640256xf32, #tpu.memory_space<vmem_shared>>) offsets(%dma_start3A_824 : memref<128xi32, #tpu.memory_space<vmem>>) semaphore(%arg11 : memref<!tpu.dma_semaphore, #tpu.memory_space<semaphore_mem>>) {add = true}
    %dma_start3A_827 = arith.constant 71 : i32
    %dma_start3A_828 = arith.constant 0 : i32
    %dma_start3A_829 = tpu.memref_slice %arg6[%dma_start3A_827, %dma_start3A_828] : memref<79x128xi32, #tpu.memory_space<vmem>> -> memref<1x128xi32, #tpu.memory_space<vmem>>
    %dma_start3A_830 = tpu.memref_squeeze %dma_start3A_829 : memref<1x128xi32, #tpu.memory_space<vmem>> -> memref<128xi32, #tpu.memory_space<vmem>>
    %dma_start3A_831 = arith.constant 0 : i32
    %dma_start3A_832 = tpu.memref_slice %arg9[%dma_start3A_831] : memref<640256xf32, #tpu.memory_space<vmem_shared>> -> memref<640256xf32, #tpu.memory_space<vmem_shared>>
    tpu.enqueue_indirect_dma source(%arg7 : memref<128xf32, #tpu.memory_space<vmem>>) target(%dma_start3A_832 : memref<640256xf32, #tpu.memory_space<vmem_shared>>) offsets(%dma_start3A_830 : memref<128xi32, #tpu.memory_space<vmem>>) semaphore(%arg11 : memref<!tpu.dma_semaphore, #tpu.memory_space<semaphore_mem>>) {add = true}
    %dma_start3A_833 = arith.constant 72 : i32
    %dma_start3A_834 = arith.constant 0 : i32
    %dma_start3A_835 = tpu.memref_slice %arg6[%dma_start3A_833, %dma_start3A_834] : memref<79x128xi32, #tpu.memory_space<vmem>> -> memref<1x128xi32, #tpu.memory_space<vmem>>
    %dma_start3A_836 = tpu.memref_squeeze %dma_start3A_835 : memref<1x128xi32, #tpu.memory_space<vmem>> -> memref<128xi32, #tpu.memory_space<vmem>>
    %dma_start3A_837 = arith.constant 0 : i32
    %dma_start3A_838 = tpu.memref_slice %arg9[%dma_start3A_837] : memref<640256xf32, #tpu.memory_space<vmem_shared>> -> memref<640256xf32, #tpu.memory_space<vmem_shared>>
    tpu.enqueue_indirect_dma source(%arg7 : memref<128xf32, #tpu.memory_space<vmem>>) target(%dma_start3A_838 : memref<640256xf32, #tpu.memory_space<vmem_shared>>) offsets(%dma_start3A_836 : memref<128xi32, #tpu.memory_space<vmem>>) semaphore(%arg11 : memref<!tpu.dma_semaphore, #tpu.memory_space<semaphore_mem>>) {add = true}
    %dma_start3A_839 = arith.constant 73 : i32
    %dma_start3A_840 = arith.constant 0 : i32
    %dma_start3A_841 = tpu.memref_slice %arg6[%dma_start3A_839, %dma_start3A_840] : memref<79x128xi32, #tpu.memory_space<vmem>> -> memref<1x128xi32, #tpu.memory_space<vmem>>
    %dma_start3A_842 = tpu.memref_squeeze %dma_start3A_841 : memref<1x128xi32, #tpu.memory_space<vmem>> -> memref<128xi32, #tpu.memory_space<vmem>>
    %dma_start3A_843 = arith.constant 0 : i32
    %dma_start3A_844 = tpu.memref_slice %arg9[%dma_start3A_843] : memref<640256xf32, #tpu.memory_space<vmem_shared>> -> memref<640256xf32, #tpu.memory_space<vmem_shared>>
    tpu.enqueue_indirect_dma source(%arg7 : memref<128xf32, #tpu.memory_space<vmem>>) target(%dma_start3A_844 : memref<640256xf32, #tpu.memory_space<vmem_shared>>) offsets(%dma_start3A_842 : memref<128xi32, #tpu.memory_space<vmem>>) semaphore(%arg11 : memref<!tpu.dma_semaphore, #tpu.memory_space<semaphore_mem>>) {add = true}
    %dma_start3A_845 = arith.constant 74 : i32
    %dma_start3A_846 = arith.constant 0 : i32
    %dma_start3A_847 = tpu.memref_slice %arg6[%dma_start3A_845, %dma_start3A_846] : memref<79x128xi32, #tpu.memory_space<vmem>> -> memref<1x128xi32, #tpu.memory_space<vmem>>
    %dma_start3A_848 = tpu.memref_squeeze %dma_start3A_847 : memref<1x128xi32, #tpu.memory_space<vmem>> -> memref<128xi32, #tpu.memory_space<vmem>>
    %dma_start3A_849 = arith.constant 0 : i32
    %dma_start3A_850 = tpu.memref_slice %arg9[%dma_start3A_849] : memref<640256xf32, #tpu.memory_space<vmem_shared>> -> memref<640256xf32, #tpu.memory_space<vmem_shared>>
    tpu.enqueue_indirect_dma source(%arg7 : memref<128xf32, #tpu.memory_space<vmem>>) target(%dma_start3A_850 : memref<640256xf32, #tpu.memory_space<vmem_shared>>) offsets(%dma_start3A_848 : memref<128xi32, #tpu.memory_space<vmem>>) semaphore(%arg11 : memref<!tpu.dma_semaphore, #tpu.memory_space<semaphore_mem>>) {add = true}
    %dma_start3A_851 = arith.constant 75 : i32
    %dma_start3A_852 = arith.constant 0 : i32
    %dma_start3A_853 = tpu.memref_slice %arg6[%dma_start3A_851, %dma_start3A_852] : memref<79x128xi32, #tpu.memory_space<vmem>> -> memref<1x128xi32, #tpu.memory_space<vmem>>
    %dma_start3A_854 = tpu.memref_squeeze %dma_start3A_853 : memref<1x128xi32, #tpu.memory_space<vmem>> -> memref<128xi32, #tpu.memory_space<vmem>>
    %dma_start3A_855 = arith.constant 0 : i32
    %dma_start3A_856 = tpu.memref_slice %arg9[%dma_start3A_855] : memref<640256xf32, #tpu.memory_space<vmem_shared>> -> memref<640256xf32, #tpu.memory_space<vmem_shared>>
    tpu.enqueue_indirect_dma source(%arg7 : memref<128xf32, #tpu.memory_space<vmem>>) target(%dma_start3A_856 : memref<640256xf32, #tpu.memory_space<vmem_shared>>) offsets(%dma_start3A_854 : memref<128xi32, #tpu.memory_space<vmem>>) semaphore(%arg11 : memref<!tpu.dma_semaphore, #tpu.memory_space<semaphore_mem>>) {add = true}
    %dma_start3A_857 = arith.constant 76 : i32
    %dma_start3A_858 = arith.constant 0 : i32
    %dma_start3A_859 = tpu.memref_slice %arg6[%dma_start3A_857, %dma_start3A_858] : memref<79x128xi32, #tpu.memory_space<vmem>> -> memref<1x128xi32, #tpu.memory_space<vmem>>
    %dma_start3A_860 = tpu.memref_squeeze %dma_start3A_859 : memref<1x128xi32, #tpu.memory_space<vmem>> -> memref<128xi32, #tpu.memory_space<vmem>>
    %dma_start3A_861 = arith.constant 0 : i32
    %dma_start3A_862 = tpu.memref_slice %arg9[%dma_start3A_861] : memref<640256xf32, #tpu.memory_space<vmem_shared>> -> memref<640256xf32, #tpu.memory_space<vmem_shared>>
    tpu.enqueue_indirect_dma source(%arg7 : memref<128xf32, #tpu.memory_space<vmem>>) target(%dma_start3A_862 : memref<640256xf32, #tpu.memory_space<vmem_shared>>) offsets(%dma_start3A_860 : memref<128xi32, #tpu.memory_space<vmem>>) semaphore(%arg11 : memref<!tpu.dma_semaphore, #tpu.memory_space<semaphore_mem>>) {add = true}
    %dma_start3A_863 = arith.constant 77 : i32
    %dma_start3A_864 = arith.constant 0 : i32
    %dma_start3A_865 = tpu.memref_slice %arg6[%dma_start3A_863, %dma_start3A_864] : memref<79x128xi32, #tpu.memory_space<vmem>> -> memref<1x128xi32, #tpu.memory_space<vmem>>
    %dma_start3A_866 = tpu.memref_squeeze %dma_start3A_865 : memref<1x128xi32, #tpu.memory_space<vmem>> -> memref<128xi32, #tpu.memory_space<vmem>>
    %dma_start3A_867 = arith.constant 0 : i32
    %dma_start3A_868 = tpu.memref_slice %arg9[%dma_start3A_867] : memref<640256xf32, #tpu.memory_space<vmem_shared>> -> memref<640256xf32, #tpu.memory_space<vmem_shared>>
    tpu.enqueue_indirect_dma source(%arg7 : memref<128xf32, #tpu.memory_space<vmem>>) target(%dma_start3A_868 : memref<640256xf32, #tpu.memory_space<vmem_shared>>) offsets(%dma_start3A_866 : memref<128xi32, #tpu.memory_space<vmem>>) semaphore(%arg11 : memref<!tpu.dma_semaphore, #tpu.memory_space<semaphore_mem>>) {add = true}
    %dma_start3A_869 = arith.constant 78 : i32
    %dma_start3A_870 = arith.constant 0 : i32
    %dma_start3A_871 = tpu.memref_slice %arg6[%dma_start3A_869, %dma_start3A_870] : memref<79x128xi32, #tpu.memory_space<vmem>> -> memref<1x128xi32, #tpu.memory_space<vmem>>
    %dma_start3A_872 = tpu.memref_squeeze %dma_start3A_871 : memref<1x128xi32, #tpu.memory_space<vmem>> -> memref<128xi32, #tpu.memory_space<vmem>>
    %dma_start3A_873 = arith.constant 0 : i32
    %dma_start3A_874 = tpu.memref_slice %arg9[%dma_start3A_873] : memref<640256xf32, #tpu.memory_space<vmem_shared>> -> memref<640256xf32, #tpu.memory_space<vmem_shared>>
    tpu.enqueue_indirect_dma source(%arg7 : memref<128xf32, #tpu.memory_space<vmem>>) target(%dma_start3A_874 : memref<640256xf32, #tpu.memory_space<vmem_shared>>) offsets(%dma_start3A_872 : memref<128xi32, #tpu.memory_space<vmem>>) semaphore(%arg11 : memref<!tpu.dma_semaphore, #tpu.memory_space<semaphore_mem>>) {add = true}
    %dma_wait3A_875 = arith.constant 40 : i32
    %dma_wait3A_876 = arith.constant 0 : i32
    %dma_wait3A_877 = tpu.memref_slice %arg6[%dma_wait3A_875, %dma_wait3A_876] : memref<79x128xi32, #tpu.memory_space<vmem>> -> memref<1x128xi32, #tpu.memory_space<vmem>>
    %dma_wait3A_878 = tpu.memref_squeeze %dma_wait3A_877 : memref<1x128xi32, #tpu.memory_space<vmem>> -> memref<128xi32, #tpu.memory_space<vmem>>
    %dma_wait3A_879 = arith.constant 0 : i32
    %dma_wait3A_880 = tpu.memref_slice %arg9[%dma_wait3A_879] : memref<640256xf32, #tpu.memory_space<vmem_shared>> -> memref<640256xf32, #tpu.memory_space<vmem_shared>>
    tpu.wait_indirect_dma semaphore(%arg11 : memref<!tpu.dma_semaphore, #tpu.memory_space<semaphore_mem>>) src(%arg7 : memref<128xf32, #tpu.memory_space<vmem>>) dst(%dma_wait3A_880 : memref<640256xf32, #tpu.memory_space<vmem_shared>>)
    %dma_wait3A_881 = arith.constant 41 : i32
    %dma_wait3A_882 = arith.constant 0 : i32
    %dma_wait3A_883 = tpu.memref_slice %arg6[%dma_wait3A_881, %dma_wait3A_882] : memref<79x128xi32, #tpu.memory_space<vmem>> -> memref<1x128xi32, #tpu.memory_space<vmem>>
    %dma_wait3A_884 = tpu.memref_squeeze %dma_wait3A_883 : memref<1x128xi32, #tpu.memory_space<vmem>> -> memref<128xi32, #tpu.memory_space<vmem>>
    %dma_wait3A_885 = arith.constant 0 : i32
    %dma_wait3A_886 = tpu.memref_slice %arg9[%dma_wait3A_885] : memref<640256xf32, #tpu.memory_space<vmem_shared>> -> memref<640256xf32, #tpu.memory_space<vmem_shared>>
    tpu.wait_indirect_dma semaphore(%arg11 : memref<!tpu.dma_semaphore, #tpu.memory_space<semaphore_mem>>) src(%arg7 : memref<128xf32, #tpu.memory_space<vmem>>) dst(%dma_wait3A_886 : memref<640256xf32, #tpu.memory_space<vmem_shared>>)
    %dma_wait3A_887 = arith.constant 42 : i32
    %dma_wait3A_888 = arith.constant 0 : i32
    %dma_wait3A_889 = tpu.memref_slice %arg6[%dma_wait3A_887, %dma_wait3A_888] : memref<79x128xi32, #tpu.memory_space<vmem>> -> memref<1x128xi32, #tpu.memory_space<vmem>>
    %dma_wait3A_890 = tpu.memref_squeeze %dma_wait3A_889 : memref<1x128xi32, #tpu.memory_space<vmem>> -> memref<128xi32, #tpu.memory_space<vmem>>
    %dma_wait3A_891 = arith.constant 0 : i32
    %dma_wait3A_892 = tpu.memref_slice %arg9[%dma_wait3A_891] : memref<640256xf32, #tpu.memory_space<vmem_shared>> -> memref<640256xf32, #tpu.memory_space<vmem_shared>>
    tpu.wait_indirect_dma semaphore(%arg11 : memref<!tpu.dma_semaphore, #tpu.memory_space<semaphore_mem>>) src(%arg7 : memref<128xf32, #tpu.memory_space<vmem>>) dst(%dma_wait3A_892 : memref<640256xf32, #tpu.memory_space<vmem_shared>>)
    %dma_wait3A_893 = arith.constant 43 : i32
    %dma_wait3A_894 = arith.constant 0 : i32
    %dma_wait3A_895 = tpu.memref_slice %arg6[%dma_wait3A_893, %dma_wait3A_894] : memref<79x128xi32, #tpu.memory_space<vmem>> -> memref<1x128xi32, #tpu.memory_space<vmem>>
    %dma_wait3A_896 = tpu.memref_squeeze %dma_wait3A_895 : memref<1x128xi32, #tpu.memory_space<vmem>> -> memref<128xi32, #tpu.memory_space<vmem>>
    %dma_wait3A_897 = arith.constant 0 : i32
    %dma_wait3A_898 = tpu.memref_slice %arg9[%dma_wait3A_897] : memref<640256xf32, #tpu.memory_space<vmem_shared>> -> memref<640256xf32, #tpu.memory_space<vmem_shared>>
    tpu.wait_indirect_dma semaphore(%arg11 : memref<!tpu.dma_semaphore, #tpu.memory_space<semaphore_mem>>) src(%arg7 : memref<128xf32, #tpu.memory_space<vmem>>) dst(%dma_wait3A_898 : memref<640256xf32, #tpu.memory_space<vmem_shared>>)
    %dma_wait3A_899 = arith.constant 44 : i32
    %dma_wait3A_900 = arith.constant 0 : i32
    %dma_wait3A_901 = tpu.memref_slice %arg6[%dma_wait3A_899, %dma_wait3A_900] : memref<79x128xi32, #tpu.memory_space<vmem>> -> memref<1x128xi32, #tpu.memory_space<vmem>>
    %dma_wait3A_902 = tpu.memref_squeeze %dma_wait3A_901 : memref<1x128xi32, #tpu.memory_space<vmem>> -> memref<128xi32, #tpu.memory_space<vmem>>
    %dma_wait3A_903 = arith.constant 0 : i32
    %dma_wait3A_904 = tpu.memref_slice %arg9[%dma_wait3A_903] : memref<640256xf32, #tpu.memory_space<vmem_shared>> -> memref<640256xf32, #tpu.memory_space<vmem_shared>>
    tpu.wait_indirect_dma semaphore(%arg11 : memref<!tpu.dma_semaphore, #tpu.memory_space<semaphore_mem>>) src(%arg7 : memref<128xf32, #tpu.memory_space<vmem>>) dst(%dma_wait3A_904 : memref<640256xf32, #tpu.memory_space<vmem_shared>>)
    %dma_wait3A_905 = arith.constant 45 : i32
    %dma_wait3A_906 = arith.constant 0 : i32
    %dma_wait3A_907 = tpu.memref_slice %arg6[%dma_wait3A_905, %dma_wait3A_906] : memref<79x128xi32, #tpu.memory_space<vmem>> -> memref<1x128xi32, #tpu.memory_space<vmem>>
    %dma_wait3A_908 = tpu.memref_squeeze %dma_wait3A_907 : memref<1x128xi32, #tpu.memory_space<vmem>> -> memref<128xi32, #tpu.memory_space<vmem>>
    %dma_wait3A_909 = arith.constant 0 : i32
    %dma_wait3A_910 = tpu.memref_slice %arg9[%dma_wait3A_909] : memref<640256xf32, #tpu.memory_space<vmem_shared>> -> memref<640256xf32, #tpu.memory_space<vmem_shared>>
    tpu.wait_indirect_dma semaphore(%arg11 : memref<!tpu.dma_semaphore, #tpu.memory_space<semaphore_mem>>) src(%arg7 : memref<128xf32, #tpu.memory_space<vmem>>) dst(%dma_wait3A_910 : memref<640256xf32, #tpu.memory_space<vmem_shared>>)
    %dma_wait3A_911 = arith.constant 46 : i32
    %dma_wait3A_912 = arith.constant 0 : i32
    %dma_wait3A_913 = tpu.memref_slice %arg6[%dma_wait3A_911, %dma_wait3A_912] : memref<79x128xi32, #tpu.memory_space<vmem>> -> memref<1x128xi32, #tpu.memory_space<vmem>>
    %dma_wait3A_914 = tpu.memref_squeeze %dma_wait3A_913 : memref<1x128xi32, #tpu.memory_space<vmem>> -> memref<128xi32, #tpu.memory_space<vmem>>
    %dma_wait3A_915 = arith.constant 0 : i32
    %dma_wait3A_916 = tpu.memref_slice %arg9[%dma_wait3A_915] : memref<640256xf32, #tpu.memory_space<vmem_shared>> -> memref<640256xf32, #tpu.memory_space<vmem_shared>>
    tpu.wait_indirect_dma semaphore(%arg11 : memref<!tpu.dma_semaphore, #tpu.memory_space<semaphore_mem>>) src(%arg7 : memref<128xf32, #tpu.memory_space<vmem>>) dst(%dma_wait3A_916 : memref<640256xf32, #tpu.memory_space<vmem_shared>>)
    %dma_wait3A_917 = arith.constant 47 : i32
    %dma_wait3A_918 = arith.constant 0 : i32
    %dma_wait3A_919 = tpu.memref_slice %arg6[%dma_wait3A_917, %dma_wait3A_918] : memref<79x128xi32, #tpu.memory_space<vmem>> -> memref<1x128xi32, #tpu.memory_space<vmem>>
    %dma_wait3A_920 = tpu.memref_squeeze %dma_wait3A_919 : memref<1x128xi32, #tpu.memory_space<vmem>> -> memref<128xi32, #tpu.memory_space<vmem>>
    %dma_wait3A_921 = arith.constant 0 : i32
    %dma_wait3A_922 = tpu.memref_slice %arg9[%dma_wait3A_921] : memref<640256xf32, #tpu.memory_space<vmem_shared>> -> memref<640256xf32, #tpu.memory_space<vmem_shared>>
    tpu.wait_indirect_dma semaphore(%arg11 : memref<!tpu.dma_semaphore, #tpu.memory_space<semaphore_mem>>) src(%arg7 : memref<128xf32, #tpu.memory_space<vmem>>) dst(%dma_wait3A_922 : memref<640256xf32, #tpu.memory_space<vmem_shared>>)
    %dma_wait3A_923 = arith.constant 48 : i32
    %dma_wait3A_924 = arith.constant 0 : i32
    %dma_wait3A_925 = tpu.memref_slice %arg6[%dma_wait3A_923, %dma_wait3A_924] : memref<79x128xi32, #tpu.memory_space<vmem>> -> memref<1x128xi32, #tpu.memory_space<vmem>>
    %dma_wait3A_926 = tpu.memref_squeeze %dma_wait3A_925 : memref<1x128xi32, #tpu.memory_space<vmem>> -> memref<128xi32, #tpu.memory_space<vmem>>
    %dma_wait3A_927 = arith.constant 0 : i32
    %dma_wait3A_928 = tpu.memref_slice %arg9[%dma_wait3A_927] : memref<640256xf32, #tpu.memory_space<vmem_shared>> -> memref<640256xf32, #tpu.memory_space<vmem_shared>>
    tpu.wait_indirect_dma semaphore(%arg11 : memref<!tpu.dma_semaphore, #tpu.memory_space<semaphore_mem>>) src(%arg7 : memref<128xf32, #tpu.memory_space<vmem>>) dst(%dma_wait3A_928 : memref<640256xf32, #tpu.memory_space<vmem_shared>>)
    %dma_wait3A_929 = arith.constant 49 : i32
    %dma_wait3A_930 = arith.constant 0 : i32
    %dma_wait3A_931 = tpu.memref_slice %arg6[%dma_wait3A_929, %dma_wait3A_930] : memref<79x128xi32, #tpu.memory_space<vmem>> -> memref<1x128xi32, #tpu.memory_space<vmem>>
    %dma_wait3A_932 = tpu.memref_squeeze %dma_wait3A_931 : memref<1x128xi32, #tpu.memory_space<vmem>> -> memref<128xi32, #tpu.memory_space<vmem>>
    %dma_wait3A_933 = arith.constant 0 : i32
    %dma_wait3A_934 = tpu.memref_slice %arg9[%dma_wait3A_933] : memref<640256xf32, #tpu.memory_space<vmem_shared>> -> memref<640256xf32, #tpu.memory_space<vmem_shared>>
    tpu.wait_indirect_dma semaphore(%arg11 : memref<!tpu.dma_semaphore, #tpu.memory_space<semaphore_mem>>) src(%arg7 : memref<128xf32, #tpu.memory_space<vmem>>) dst(%dma_wait3A_934 : memref<640256xf32, #tpu.memory_space<vmem_shared>>)
    %dma_wait3A_935 = arith.constant 50 : i32
    %dma_wait3A_936 = arith.constant 0 : i32
    %dma_wait3A_937 = tpu.memref_slice %arg6[%dma_wait3A_935, %dma_wait3A_936] : memref<79x128xi32, #tpu.memory_space<vmem>> -> memref<1x128xi32, #tpu.memory_space<vmem>>
    %dma_wait3A_938 = tpu.memref_squeeze %dma_wait3A_937 : memref<1x128xi32, #tpu.memory_space<vmem>> -> memref<128xi32, #tpu.memory_space<vmem>>
    %dma_wait3A_939 = arith.constant 0 : i32
    %dma_wait3A_940 = tpu.memref_slice %arg9[%dma_wait3A_939] : memref<640256xf32, #tpu.memory_space<vmem_shared>> -> memref<640256xf32, #tpu.memory_space<vmem_shared>>
    tpu.wait_indirect_dma semaphore(%arg11 : memref<!tpu.dma_semaphore, #tpu.memory_space<semaphore_mem>>) src(%arg7 : memref<128xf32, #tpu.memory_space<vmem>>) dst(%dma_wait3A_940 : memref<640256xf32, #tpu.memory_space<vmem_shared>>)
    %dma_wait3A_941 = arith.constant 51 : i32
    %dma_wait3A_942 = arith.constant 0 : i32
    %dma_wait3A_943 = tpu.memref_slice %arg6[%dma_wait3A_941, %dma_wait3A_942] : memref<79x128xi32, #tpu.memory_space<vmem>> -> memref<1x128xi32, #tpu.memory_space<vmem>>
    %dma_wait3A_944 = tpu.memref_squeeze %dma_wait3A_943 : memref<1x128xi32, #tpu.memory_space<vmem>> -> memref<128xi32, #tpu.memory_space<vmem>>
    %dma_wait3A_945 = arith.constant 0 : i32
    %dma_wait3A_946 = tpu.memref_slice %arg9[%dma_wait3A_945] : memref<640256xf32, #tpu.memory_space<vmem_shared>> -> memref<640256xf32, #tpu.memory_space<vmem_shared>>
    tpu.wait_indirect_dma semaphore(%arg11 : memref<!tpu.dma_semaphore, #tpu.memory_space<semaphore_mem>>) src(%arg7 : memref<128xf32, #tpu.memory_space<vmem>>) dst(%dma_wait3A_946 : memref<640256xf32, #tpu.memory_space<vmem_shared>>)
    %dma_wait3A_947 = arith.constant 52 : i32
    %dma_wait3A_948 = arith.constant 0 : i32
    %dma_wait3A_949 = tpu.memref_slice %arg6[%dma_wait3A_947, %dma_wait3A_948] : memref<79x128xi32, #tpu.memory_space<vmem>> -> memref<1x128xi32, #tpu.memory_space<vmem>>
    %dma_wait3A_950 = tpu.memref_squeeze %dma_wait3A_949 : memref<1x128xi32, #tpu.memory_space<vmem>> -> memref<128xi32, #tpu.memory_space<vmem>>
    %dma_wait3A_951 = arith.constant 0 : i32
    %dma_wait3A_952 = tpu.memref_slice %arg9[%dma_wait3A_951] : memref<640256xf32, #tpu.memory_space<vmem_shared>> -> memref<640256xf32, #tpu.memory_space<vmem_shared>>
    tpu.wait_indirect_dma semaphore(%arg11 : memref<!tpu.dma_semaphore, #tpu.memory_space<semaphore_mem>>) src(%arg7 : memref<128xf32, #tpu.memory_space<vmem>>) dst(%dma_wait3A_952 : memref<640256xf32, #tpu.memory_space<vmem_shared>>)
    %dma_wait3A_953 = arith.constant 53 : i32
    %dma_wait3A_954 = arith.constant 0 : i32
    %dma_wait3A_955 = tpu.memref_slice %arg6[%dma_wait3A_953, %dma_wait3A_954] : memref<79x128xi32, #tpu.memory_space<vmem>> -> memref<1x128xi32, #tpu.memory_space<vmem>>
    %dma_wait3A_956 = tpu.memref_squeeze %dma_wait3A_955 : memref<1x128xi32, #tpu.memory_space<vmem>> -> memref<128xi32, #tpu.memory_space<vmem>>
    %dma_wait3A_957 = arith.constant 0 : i32
    %dma_wait3A_958 = tpu.memref_slice %arg9[%dma_wait3A_957] : memref<640256xf32, #tpu.memory_space<vmem_shared>> -> memref<640256xf32, #tpu.memory_space<vmem_shared>>
    tpu.wait_indirect_dma semaphore(%arg11 : memref<!tpu.dma_semaphore, #tpu.memory_space<semaphore_mem>>) src(%arg7 : memref<128xf32, #tpu.memory_space<vmem>>) dst(%dma_wait3A_958 : memref<640256xf32, #tpu.memory_space<vmem_shared>>)
    %dma_wait3A_959 = arith.constant 54 : i32
    %dma_wait3A_960 = arith.constant 0 : i32
    %dma_wait3A_961 = tpu.memref_slice %arg6[%dma_wait3A_959, %dma_wait3A_960] : memref<79x128xi32, #tpu.memory_space<vmem>> -> memref<1x128xi32, #tpu.memory_space<vmem>>
    %dma_wait3A_962 = tpu.memref_squeeze %dma_wait3A_961 : memref<1x128xi32, #tpu.memory_space<vmem>> -> memref<128xi32, #tpu.memory_space<vmem>>
    %dma_wait3A_963 = arith.constant 0 : i32
    %dma_wait3A_964 = tpu.memref_slice %arg9[%dma_wait3A_963] : memref<640256xf32, #tpu.memory_space<vmem_shared>> -> memref<640256xf32, #tpu.memory_space<vmem_shared>>
    tpu.wait_indirect_dma semaphore(%arg11 : memref<!tpu.dma_semaphore, #tpu.memory_space<semaphore_mem>>) src(%arg7 : memref<128xf32, #tpu.memory_space<vmem>>) dst(%dma_wait3A_964 : memref<640256xf32, #tpu.memory_space<vmem_shared>>)
    %dma_wait3A_965 = arith.constant 55 : i32
    %dma_wait3A_966 = arith.constant 0 : i32
    %dma_wait3A_967 = tpu.memref_slice %arg6[%dma_wait3A_965, %dma_wait3A_966] : memref<79x128xi32, #tpu.memory_space<vmem>> -> memref<1x128xi32, #tpu.memory_space<vmem>>
    %dma_wait3A_968 = tpu.memref_squeeze %dma_wait3A_967 : memref<1x128xi32, #tpu.memory_space<vmem>> -> memref<128xi32, #tpu.memory_space<vmem>>
    %dma_wait3A_969 = arith.constant 0 : i32
    %dma_wait3A_970 = tpu.memref_slice %arg9[%dma_wait3A_969] : memref<640256xf32, #tpu.memory_space<vmem_shared>> -> memref<640256xf32, #tpu.memory_space<vmem_shared>>
    tpu.wait_indirect_dma semaphore(%arg11 : memref<!tpu.dma_semaphore, #tpu.memory_space<semaphore_mem>>) src(%arg7 : memref<128xf32, #tpu.memory_space<vmem>>) dst(%dma_wait3A_970 : memref<640256xf32, #tpu.memory_space<vmem_shared>>)
    %dma_wait3A_971 = arith.constant 56 : i32
    %dma_wait3A_972 = arith.constant 0 : i32
    %dma_wait3A_973 = tpu.memref_slice %arg6[%dma_wait3A_971, %dma_wait3A_972] : memref<79x128xi32, #tpu.memory_space<vmem>> -> memref<1x128xi32, #tpu.memory_space<vmem>>
    %dma_wait3A_974 = tpu.memref_squeeze %dma_wait3A_973 : memref<1x128xi32, #tpu.memory_space<vmem>> -> memref<128xi32, #tpu.memory_space<vmem>>
    %dma_wait3A_975 = arith.constant 0 : i32
    %dma_wait3A_976 = tpu.memref_slice %arg9[%dma_wait3A_975] : memref<640256xf32, #tpu.memory_space<vmem_shared>> -> memref<640256xf32, #tpu.memory_space<vmem_shared>>
    tpu.wait_indirect_dma semaphore(%arg11 : memref<!tpu.dma_semaphore, #tpu.memory_space<semaphore_mem>>) src(%arg7 : memref<128xf32, #tpu.memory_space<vmem>>) dst(%dma_wait3A_976 : memref<640256xf32, #tpu.memory_space<vmem_shared>>)
    %dma_wait3A_977 = arith.constant 57 : i32
    %dma_wait3A_978 = arith.constant 0 : i32
    %dma_wait3A_979 = tpu.memref_slice %arg6[%dma_wait3A_977, %dma_wait3A_978] : memref<79x128xi32, #tpu.memory_space<vmem>> -> memref<1x128xi32, #tpu.memory_space<vmem>>
    %dma_wait3A_980 = tpu.memref_squeeze %dma_wait3A_979 : memref<1x128xi32, #tpu.memory_space<vmem>> -> memref<128xi32, #tpu.memory_space<vmem>>
    %dma_wait3A_981 = arith.constant 0 : i32
    %dma_wait3A_982 = tpu.memref_slice %arg9[%dma_wait3A_981] : memref<640256xf32, #tpu.memory_space<vmem_shared>> -> memref<640256xf32, #tpu.memory_space<vmem_shared>>
    tpu.wait_indirect_dma semaphore(%arg11 : memref<!tpu.dma_semaphore, #tpu.memory_space<semaphore_mem>>) src(%arg7 : memref<128xf32, #tpu.memory_space<vmem>>) dst(%dma_wait3A_982 : memref<640256xf32, #tpu.memory_space<vmem_shared>>)
    %dma_wait3A_983 = arith.constant 58 : i32
    %dma_wait3A_984 = arith.constant 0 : i32
    %dma_wait3A_985 = tpu.memref_slice %arg6[%dma_wait3A_983, %dma_wait3A_984] : memref<79x128xi32, #tpu.memory_space<vmem>> -> memref<1x128xi32, #tpu.memory_space<vmem>>
    %dma_wait3A_986 = tpu.memref_squeeze %dma_wait3A_985 : memref<1x128xi32, #tpu.memory_space<vmem>> -> memref<128xi32, #tpu.memory_space<vmem>>
    %dma_wait3A_987 = arith.constant 0 : i32
    %dma_wait3A_988 = tpu.memref_slice %arg9[%dma_wait3A_987] : memref<640256xf32, #tpu.memory_space<vmem_shared>> -> memref<640256xf32, #tpu.memory_space<vmem_shared>>
    tpu.wait_indirect_dma semaphore(%arg11 : memref<!tpu.dma_semaphore, #tpu.memory_space<semaphore_mem>>) src(%arg7 : memref<128xf32, #tpu.memory_space<vmem>>) dst(%dma_wait3A_988 : memref<640256xf32, #tpu.memory_space<vmem_shared>>)
    %dma_wait3A_989 = arith.constant 59 : i32
    %dma_wait3A_990 = arith.constant 0 : i32
    %dma_wait3A_991 = tpu.memref_slice %arg6[%dma_wait3A_989, %dma_wait3A_990] : memref<79x128xi32, #tpu.memory_space<vmem>> -> memref<1x128xi32, #tpu.memory_space<vmem>>
    %dma_wait3A_992 = tpu.memref_squeeze %dma_wait3A_991 : memref<1x128xi32, #tpu.memory_space<vmem>> -> memref<128xi32, #tpu.memory_space<vmem>>
    %dma_wait3A_993 = arith.constant 0 : i32
    %dma_wait3A_994 = tpu.memref_slice %arg9[%dma_wait3A_993] : memref<640256xf32, #tpu.memory_space<vmem_shared>> -> memref<640256xf32, #tpu.memory_space<vmem_shared>>
    tpu.wait_indirect_dma semaphore(%arg11 : memref<!tpu.dma_semaphore, #tpu.memory_space<semaphore_mem>>) src(%arg7 : memref<128xf32, #tpu.memory_space<vmem>>) dst(%dma_wait3A_994 : memref<640256xf32, #tpu.memory_space<vmem_shared>>)
    %dma_wait3A_995 = arith.constant 60 : i32
    %dma_wait3A_996 = arith.constant 0 : i32
    %dma_wait3A_997 = tpu.memref_slice %arg6[%dma_wait3A_995, %dma_wait3A_996] : memref<79x128xi32, #tpu.memory_space<vmem>> -> memref<1x128xi32, #tpu.memory_space<vmem>>
    %dma_wait3A_998 = tpu.memref_squeeze %dma_wait3A_997 : memref<1x128xi32, #tpu.memory_space<vmem>> -> memref<128xi32, #tpu.memory_space<vmem>>
    %dma_wait3A_999 = arith.constant 0 : i32
    %dma_wait3A_1000 = tpu.memref_slice %arg9[%dma_wait3A_999] : memref<640256xf32, #tpu.memory_space<vmem_shared>> -> memref<640256xf32, #tpu.memory_space<vmem_shared>>
    tpu.wait_indirect_dma semaphore(%arg11 : memref<!tpu.dma_semaphore, #tpu.memory_space<semaphore_mem>>) src(%arg7 : memref<128xf32, #tpu.memory_space<vmem>>) dst(%dma_wait3A_1000 : memref<640256xf32, #tpu.memory_space<vmem_shared>>)
    %dma_wait3A_1001 = arith.constant 61 : i32
    %dma_wait3A_1002 = arith.constant 0 : i32
    %dma_wait3A_1003 = tpu.memref_slice %arg6[%dma_wait3A_1001, %dma_wait3A_1002] : memref<79x128xi32, #tpu.memory_space<vmem>> -> memref<1x128xi32, #tpu.memory_space<vmem>>
    %dma_wait3A_1004 = tpu.memref_squeeze %dma_wait3A_1003 : memref<1x128xi32, #tpu.memory_space<vmem>> -> memref<128xi32, #tpu.memory_space<vmem>>
    %dma_wait3A_1005 = arith.constant 0 : i32
    %dma_wait3A_1006 = tpu.memref_slice %arg9[%dma_wait3A_1005] : memref<640256xf32, #tpu.memory_space<vmem_shared>> -> memref<640256xf32, #tpu.memory_space<vmem_shared>>
    tpu.wait_indirect_dma semaphore(%arg11 : memref<!tpu.dma_semaphore, #tpu.memory_space<semaphore_mem>>) src(%arg7 : memref<128xf32, #tpu.memory_space<vmem>>) dst(%dma_wait3A_1006 : memref<640256xf32, #tpu.memory_space<vmem_shared>>)
    %dma_wait3A_1007 = arith.constant 62 : i32
    %dma_wait3A_1008 = arith.constant 0 : i32
    %dma_wait3A_1009 = tpu.memref_slice %arg6[%dma_wait3A_1007, %dma_wait3A_1008] : memref<79x128xi32, #tpu.memory_space<vmem>> -> memref<1x128xi32, #tpu.memory_space<vmem>>
    %dma_wait3A_1010 = tpu.memref_squeeze %dma_wait3A_1009 : memref<1x128xi32, #tpu.memory_space<vmem>> -> memref<128xi32, #tpu.memory_space<vmem>>
    %dma_wait3A_1011 = arith.constant 0 : i32
    %dma_wait3A_1012 = tpu.memref_slice %arg9[%dma_wait3A_1011] : memref<640256xf32, #tpu.memory_space<vmem_shared>> -> memref<640256xf32, #tpu.memory_space<vmem_shared>>
    tpu.wait_indirect_dma semaphore(%arg11 : memref<!tpu.dma_semaphore, #tpu.memory_space<semaphore_mem>>) src(%arg7 : memref<128xf32, #tpu.memory_space<vmem>>) dst(%dma_wait3A_1012 : memref<640256xf32, #tpu.memory_space<vmem_shared>>)
    %dma_wait3A_1013 = arith.constant 63 : i32
    %dma_wait3A_1014 = arith.constant 0 : i32
    %dma_wait3A_1015 = tpu.memref_slice %arg6[%dma_wait3A_1013, %dma_wait3A_1014] : memref<79x128xi32, #tpu.memory_space<vmem>> -> memref<1x128xi32, #tpu.memory_space<vmem>>
    %dma_wait3A_1016 = tpu.memref_squeeze %dma_wait3A_1015 : memref<1x128xi32, #tpu.memory_space<vmem>> -> memref<128xi32, #tpu.memory_space<vmem>>
    %dma_wait3A_1017 = arith.constant 0 : i32
    %dma_wait3A_1018 = tpu.memref_slice %arg9[%dma_wait3A_1017] : memref<640256xf32, #tpu.memory_space<vmem_shared>> -> memref<640256xf32, #tpu.memory_space<vmem_shared>>
    tpu.wait_indirect_dma semaphore(%arg11 : memref<!tpu.dma_semaphore, #tpu.memory_space<semaphore_mem>>) src(%arg7 : memref<128xf32, #tpu.memory_space<vmem>>) dst(%dma_wait3A_1018 : memref<640256xf32, #tpu.memory_space<vmem_shared>>)
    %dma_wait3A_1019 = arith.constant 64 : i32
    %dma_wait3A_1020 = arith.constant 0 : i32
    %dma_wait3A_1021 = tpu.memref_slice %arg6[%dma_wait3A_1019, %dma_wait3A_1020] : memref<79x128xi32, #tpu.memory_space<vmem>> -> memref<1x128xi32, #tpu.memory_space<vmem>>
    %dma_wait3A_1022 = tpu.memref_squeeze %dma_wait3A_1021 : memref<1x128xi32, #tpu.memory_space<vmem>> -> memref<128xi32, #tpu.memory_space<vmem>>
    %dma_wait3A_1023 = arith.constant 0 : i32
    %dma_wait3A_1024 = tpu.memref_slice %arg9[%dma_wait3A_1023] : memref<640256xf32, #tpu.memory_space<vmem_shared>> -> memref<640256xf32, #tpu.memory_space<vmem_shared>>
    tpu.wait_indirect_dma semaphore(%arg11 : memref<!tpu.dma_semaphore, #tpu.memory_space<semaphore_mem>>) src(%arg7 : memref<128xf32, #tpu.memory_space<vmem>>) dst(%dma_wait3A_1024 : memref<640256xf32, #tpu.memory_space<vmem_shared>>)
    %dma_wait3A_1025 = arith.constant 65 : i32
    %dma_wait3A_1026 = arith.constant 0 : i32
    %dma_wait3A_1027 = tpu.memref_slice %arg6[%dma_wait3A_1025, %dma_wait3A_1026] : memref<79x128xi32, #tpu.memory_space<vmem>> -> memref<1x128xi32, #tpu.memory_space<vmem>>
    %dma_wait3A_1028 = tpu.memref_squeeze %dma_wait3A_1027 : memref<1x128xi32, #tpu.memory_space<vmem>> -> memref<128xi32, #tpu.memory_space<vmem>>
    %dma_wait3A_1029 = arith.constant 0 : i32
    %dma_wait3A_1030 = tpu.memref_slice %arg9[%dma_wait3A_1029] : memref<640256xf32, #tpu.memory_space<vmem_shared>> -> memref<640256xf32, #tpu.memory_space<vmem_shared>>
    tpu.wait_indirect_dma semaphore(%arg11 : memref<!tpu.dma_semaphore, #tpu.memory_space<semaphore_mem>>) src(%arg7 : memref<128xf32, #tpu.memory_space<vmem>>) dst(%dma_wait3A_1030 : memref<640256xf32, #tpu.memory_space<vmem_shared>>)
    %dma_wait3A_1031 = arith.constant 66 : i32
    %dma_wait3A_1032 = arith.constant 0 : i32
    %dma_wait3A_1033 = tpu.memref_slice %arg6[%dma_wait3A_1031, %dma_wait3A_1032] : memref<79x128xi32, #tpu.memory_space<vmem>> -> memref<1x128xi32, #tpu.memory_space<vmem>>
    %dma_wait3A_1034 = tpu.memref_squeeze %dma_wait3A_1033 : memref<1x128xi32, #tpu.memory_space<vmem>> -> memref<128xi32, #tpu.memory_space<vmem>>
    %dma_wait3A_1035 = arith.constant 0 : i32
    %dma_wait3A_1036 = tpu.memref_slice %arg9[%dma_wait3A_1035] : memref<640256xf32, #tpu.memory_space<vmem_shared>> -> memref<640256xf32, #tpu.memory_space<vmem_shared>>
    tpu.wait_indirect_dma semaphore(%arg11 : memref<!tpu.dma_semaphore, #tpu.memory_space<semaphore_mem>>) src(%arg7 : memref<128xf32, #tpu.memory_space<vmem>>) dst(%dma_wait3A_1036 : memref<640256xf32, #tpu.memory_space<vmem_shared>>)
    %dma_wait3A_1037 = arith.constant 67 : i32
    %dma_wait3A_1038 = arith.constant 0 : i32
    %dma_wait3A_1039 = tpu.memref_slice %arg6[%dma_wait3A_1037, %dma_wait3A_1038] : memref<79x128xi32, #tpu.memory_space<vmem>> -> memref<1x128xi32, #tpu.memory_space<vmem>>
    %dma_wait3A_1040 = tpu.memref_squeeze %dma_wait3A_1039 : memref<1x128xi32, #tpu.memory_space<vmem>> -> memref<128xi32, #tpu.memory_space<vmem>>
    %dma_wait3A_1041 = arith.constant 0 : i32
    %dma_wait3A_1042 = tpu.memref_slice %arg9[%dma_wait3A_1041] : memref<640256xf32, #tpu.memory_space<vmem_shared>> -> memref<640256xf32, #tpu.memory_space<vmem_shared>>
    tpu.wait_indirect_dma semaphore(%arg11 : memref<!tpu.dma_semaphore, #tpu.memory_space<semaphore_mem>>) src(%arg7 : memref<128xf32, #tpu.memory_space<vmem>>) dst(%dma_wait3A_1042 : memref<640256xf32, #tpu.memory_space<vmem_shared>>)
    %dma_wait3A_1043 = arith.constant 68 : i32
    %dma_wait3A_1044 = arith.constant 0 : i32
    %dma_wait3A_1045 = tpu.memref_slice %arg6[%dma_wait3A_1043, %dma_wait3A_1044] : memref<79x128xi32, #tpu.memory_space<vmem>> -> memref<1x128xi32, #tpu.memory_space<vmem>>
    %dma_wait3A_1046 = tpu.memref_squeeze %dma_wait3A_1045 : memref<1x128xi32, #tpu.memory_space<vmem>> -> memref<128xi32, #tpu.memory_space<vmem>>
    %dma_wait3A_1047 = arith.constant 0 : i32
    %dma_wait3A_1048 = tpu.memref_slice %arg9[%dma_wait3A_1047] : memref<640256xf32, #tpu.memory_space<vmem_shared>> -> memref<640256xf32, #tpu.memory_space<vmem_shared>>
    tpu.wait_indirect_dma semaphore(%arg11 : memref<!tpu.dma_semaphore, #tpu.memory_space<semaphore_mem>>) src(%arg7 : memref<128xf32, #tpu.memory_space<vmem>>) dst(%dma_wait3A_1048 : memref<640256xf32, #tpu.memory_space<vmem_shared>>)
    %dma_wait3A_1049 = arith.constant 69 : i32
    %dma_wait3A_1050 = arith.constant 0 : i32
    %dma_wait3A_1051 = tpu.memref_slice %arg6[%dma_wait3A_1049, %dma_wait3A_1050] : memref<79x128xi32, #tpu.memory_space<vmem>> -> memref<1x128xi32, #tpu.memory_space<vmem>>
    %dma_wait3A_1052 = tpu.memref_squeeze %dma_wait3A_1051 : memref<1x128xi32, #tpu.memory_space<vmem>> -> memref<128xi32, #tpu.memory_space<vmem>>
    %dma_wait3A_1053 = arith.constant 0 : i32
    %dma_wait3A_1054 = tpu.memref_slice %arg9[%dma_wait3A_1053] : memref<640256xf32, #tpu.memory_space<vmem_shared>> -> memref<640256xf32, #tpu.memory_space<vmem_shared>>
    tpu.wait_indirect_dma semaphore(%arg11 : memref<!tpu.dma_semaphore, #tpu.memory_space<semaphore_mem>>) src(%arg7 : memref<128xf32, #tpu.memory_space<vmem>>) dst(%dma_wait3A_1054 : memref<640256xf32, #tpu.memory_space<vmem_shared>>)
    %dma_wait3A_1055 = arith.constant 70 : i32
    %dma_wait3A_1056 = arith.constant 0 : i32
    %dma_wait3A_1057 = tpu.memref_slice %arg6[%dma_wait3A_1055, %dma_wait3A_1056] : memref<79x128xi32, #tpu.memory_space<vmem>> -> memref<1x128xi32, #tpu.memory_space<vmem>>
    %dma_wait3A_1058 = tpu.memref_squeeze %dma_wait3A_1057 : memref<1x128xi32, #tpu.memory_space<vmem>> -> memref<128xi32, #tpu.memory_space<vmem>>
    %dma_wait3A_1059 = arith.constant 0 : i32
    %dma_wait3A_1060 = tpu.memref_slice %arg9[%dma_wait3A_1059] : memref<640256xf32, #tpu.memory_space<vmem_shared>> -> memref<640256xf32, #tpu.memory_space<vmem_shared>>
    tpu.wait_indirect_dma semaphore(%arg11 : memref<!tpu.dma_semaphore, #tpu.memory_space<semaphore_mem>>) src(%arg7 : memref<128xf32, #tpu.memory_space<vmem>>) dst(%dma_wait3A_1060 : memref<640256xf32, #tpu.memory_space<vmem_shared>>)
    %dma_wait3A_1061 = arith.constant 71 : i32
    %dma_wait3A_1062 = arith.constant 0 : i32
    %dma_wait3A_1063 = tpu.memref_slice %arg6[%dma_wait3A_1061, %dma_wait3A_1062] : memref<79x128xi32, #tpu.memory_space<vmem>> -> memref<1x128xi32, #tpu.memory_space<vmem>>
    %dma_wait3A_1064 = tpu.memref_squeeze %dma_wait3A_1063 : memref<1x128xi32, #tpu.memory_space<vmem>> -> memref<128xi32, #tpu.memory_space<vmem>>
    %dma_wait3A_1065 = arith.constant 0 : i32
    %dma_wait3A_1066 = tpu.memref_slice %arg9[%dma_wait3A_1065] : memref<640256xf32, #tpu.memory_space<vmem_shared>> -> memref<640256xf32, #tpu.memory_space<vmem_shared>>
    tpu.wait_indirect_dma semaphore(%arg11 : memref<!tpu.dma_semaphore, #tpu.memory_space<semaphore_mem>>) src(%arg7 : memref<128xf32, #tpu.memory_space<vmem>>) dst(%dma_wait3A_1066 : memref<640256xf32, #tpu.memory_space<vmem_shared>>)
    %dma_wait3A_1067 = arith.constant 72 : i32
    %dma_wait3A_1068 = arith.constant 0 : i32
    %dma_wait3A_1069 = tpu.memref_slice %arg6[%dma_wait3A_1067, %dma_wait3A_1068] : memref<79x128xi32, #tpu.memory_space<vmem>> -> memref<1x128xi32, #tpu.memory_space<vmem>>
    %dma_wait3A_1070 = tpu.memref_squeeze %dma_wait3A_1069 : memref<1x128xi32, #tpu.memory_space<vmem>> -> memref<128xi32, #tpu.memory_space<vmem>>
    %dma_wait3A_1071 = arith.constant 0 : i32
    %dma_wait3A_1072 = tpu.memref_slice %arg9[%dma_wait3A_1071] : memref<640256xf32, #tpu.memory_space<vmem_shared>> -> memref<640256xf32, #tpu.memory_space<vmem_shared>>
    tpu.wait_indirect_dma semaphore(%arg11 : memref<!tpu.dma_semaphore, #tpu.memory_space<semaphore_mem>>) src(%arg7 : memref<128xf32, #tpu.memory_space<vmem>>) dst(%dma_wait3A_1072 : memref<640256xf32, #tpu.memory_space<vmem_shared>>)
    %dma_wait3A_1073 = arith.constant 73 : i32
    %dma_wait3A_1074 = arith.constant 0 : i32
    %dma_wait3A_1075 = tpu.memref_slice %arg6[%dma_wait3A_1073, %dma_wait3A_1074] : memref<79x128xi32, #tpu.memory_space<vmem>> -> memref<1x128xi32, #tpu.memory_space<vmem>>
    %dma_wait3A_1076 = tpu.memref_squeeze %dma_wait3A_1075 : memref<1x128xi32, #tpu.memory_space<vmem>> -> memref<128xi32, #tpu.memory_space<vmem>>
    %dma_wait3A_1077 = arith.constant 0 : i32
    %dma_wait3A_1078 = tpu.memref_slice %arg9[%dma_wait3A_1077] : memref<640256xf32, #tpu.memory_space<vmem_shared>> -> memref<640256xf32, #tpu.memory_space<vmem_shared>>
    tpu.wait_indirect_dma semaphore(%arg11 : memref<!tpu.dma_semaphore, #tpu.memory_space<semaphore_mem>>) src(%arg7 : memref<128xf32, #tpu.memory_space<vmem>>) dst(%dma_wait3A_1078 : memref<640256xf32, #tpu.memory_space<vmem_shared>>)
    %dma_wait3A_1079 = arith.constant 74 : i32
    %dma_wait3A_1080 = arith.constant 0 : i32
    %dma_wait3A_1081 = tpu.memref_slice %arg6[%dma_wait3A_1079, %dma_wait3A_1080] : memref<79x128xi32, #tpu.memory_space<vmem>> -> memref<1x128xi32, #tpu.memory_space<vmem>>
    %dma_wait3A_1082 = tpu.memref_squeeze %dma_wait3A_1081 : memref<1x128xi32, #tpu.memory_space<vmem>> -> memref<128xi32, #tpu.memory_space<vmem>>
    %dma_wait3A_1083 = arith.constant 0 : i32
    %dma_wait3A_1084 = tpu.memref_slice %arg9[%dma_wait3A_1083] : memref<640256xf32, #tpu.memory_space<vmem_shared>> -> memref<640256xf32, #tpu.memory_space<vmem_shared>>
    tpu.wait_indirect_dma semaphore(%arg11 : memref<!tpu.dma_semaphore, #tpu.memory_space<semaphore_mem>>) src(%arg7 : memref<128xf32, #tpu.memory_space<vmem>>) dst(%dma_wait3A_1084 : memref<640256xf32, #tpu.memory_space<vmem_shared>>)
    %dma_wait3A_1085 = arith.constant 75 : i32
    %dma_wait3A_1086 = arith.constant 0 : i32
    %dma_wait3A_1087 = tpu.memref_slice %arg6[%dma_wait3A_1085, %dma_wait3A_1086] : memref<79x128xi32, #tpu.memory_space<vmem>> -> memref<1x128xi32, #tpu.memory_space<vmem>>
    %dma_wait3A_1088 = tpu.memref_squeeze %dma_wait3A_1087 : memref<1x128xi32, #tpu.memory_space<vmem>> -> memref<128xi32, #tpu.memory_space<vmem>>
    %dma_wait3A_1089 = arith.constant 0 : i32
    %dma_wait3A_1090 = tpu.memref_slice %arg9[%dma_wait3A_1089] : memref<640256xf32, #tpu.memory_space<vmem_shared>> -> memref<640256xf32, #tpu.memory_space<vmem_shared>>
    tpu.wait_indirect_dma semaphore(%arg11 : memref<!tpu.dma_semaphore, #tpu.memory_space<semaphore_mem>>) src(%arg7 : memref<128xf32, #tpu.memory_space<vmem>>) dst(%dma_wait3A_1090 : memref<640256xf32, #tpu.memory_space<vmem_shared>>)
    %dma_wait3A_1091 = arith.constant 76 : i32
    %dma_wait3A_1092 = arith.constant 0 : i32
    %dma_wait3A_1093 = tpu.memref_slice %arg6[%dma_wait3A_1091, %dma_wait3A_1092] : memref<79x128xi32, #tpu.memory_space<vmem>> -> memref<1x128xi32, #tpu.memory_space<vmem>>
    %dma_wait3A_1094 = tpu.memref_squeeze %dma_wait3A_1093 : memref<1x128xi32, #tpu.memory_space<vmem>> -> memref<128xi32, #tpu.memory_space<vmem>>
    %dma_wait3A_1095 = arith.constant 0 : i32
    %dma_wait3A_1096 = tpu.memref_slice %arg9[%dma_wait3A_1095] : memref<640256xf32, #tpu.memory_space<vmem_shared>> -> memref<640256xf32, #tpu.memory_space<vmem_shared>>
    tpu.wait_indirect_dma semaphore(%arg11 : memref<!tpu.dma_semaphore, #tpu.memory_space<semaphore_mem>>) src(%arg7 : memref<128xf32, #tpu.memory_space<vmem>>) dst(%dma_wait3A_1096 : memref<640256xf32, #tpu.memory_space<vmem_shared>>)
    %dma_wait3A_1097 = arith.constant 77 : i32
    %dma_wait3A_1098 = arith.constant 0 : i32
    %dma_wait3A_1099 = tpu.memref_slice %arg6[%dma_wait3A_1097, %dma_wait3A_1098] : memref<79x128xi32, #tpu.memory_space<vmem>> -> memref<1x128xi32, #tpu.memory_space<vmem>>
    %dma_wait3A_1100 = tpu.memref_squeeze %dma_wait3A_1099 : memref<1x128xi32, #tpu.memory_space<vmem>> -> memref<128xi32, #tpu.memory_space<vmem>>
    %dma_wait3A_1101 = arith.constant 0 : i32
    %dma_wait3A_1102 = tpu.memref_slice %arg9[%dma_wait3A_1101] : memref<640256xf32, #tpu.memory_space<vmem_shared>> -> memref<640256xf32, #tpu.memory_space<vmem_shared>>
    tpu.wait_indirect_dma semaphore(%arg11 : memref<!tpu.dma_semaphore, #tpu.memory_space<semaphore_mem>>) src(%arg7 : memref<128xf32, #tpu.memory_space<vmem>>) dst(%dma_wait3A_1102 : memref<640256xf32, #tpu.memory_space<vmem_shared>>)
    %dma_wait3A_1103 = arith.constant 78 : i32
    %dma_wait3A_1104 = arith.constant 0 : i32
    %dma_wait3A_1105 = tpu.memref_slice %arg6[%dma_wait3A_1103, %dma_wait3A_1104] : memref<79x128xi32, #tpu.memory_space<vmem>> -> memref<1x128xi32, #tpu.memory_space<vmem>>
    %dma_wait3A_1106 = tpu.memref_squeeze %dma_wait3A_1105 : memref<1x128xi32, #tpu.memory_space<vmem>> -> memref<128xi32, #tpu.memory_space<vmem>>
    %dma_wait3A_1107 = arith.constant 0 : i32
    %dma_wait3A_1108 = tpu.memref_slice %arg9[%dma_wait3A_1107] : memref<640256xf32, #tpu.memory_space<vmem_shared>> -> memref<640256xf32, #tpu.memory_space<vmem_shared>>
    tpu.wait_indirect_dma semaphore(%arg11 : memref<!tpu.dma_semaphore, #tpu.memory_space<semaphore_mem>>) src(%arg7 : memref<128xf32, #tpu.memory_space<vmem>>) dst(%dma_wait3A_1108 : memref<640256xf32, #tpu.memory_space<vmem_shared>>)
    "tpu.trace_stop"() : () -> ()
    "tpu.trace_start"() <{level = 10 : i32, message = "p7_bar2"}> : () -> ()
    %barrier3A_1109 = arith.constant 0 : index
    tpu.barrier barrier_id(%barrier3A_1109)
    "tpu.trace_stop"() : () -> ()
    "tpu.trace_start"() <{level = 10 : i32, message = "p8_copyout"}> : () -> ()
    %add3A_1110 = arith.constant 0 : i32
    %add3A_1111 = arith.addi %arg1, %add3A_1110 : i32
    %lt3A_1112 = arith.constant 20 : i32
    %lt3A_1113 = arith.cmpi slt, %add3A_1111, %lt3A_1112 : i32
    %convert_element_type3A_1114 = arith.extui %lt3A_1113 : i1 to i32
    %cond3A_1115 = arith.constant 0 : i32
    %cond3A_1116 = arith.cmpi ne, %convert_element_type3A_1114, %cond3A_1115 : i32
    scf.if %cond3A_1116 {
      %mul3A_1124 = arith.constant 32000 : i32
      %mul3A_1125 = arith.muli %add3A_1111, %mul3A_1124 : i32
      "tpu.region"() ({
        %run_scoped3A = tpu.sem_alloc : memref<!tpu.dma_semaphore, #tpu.memory_space<semaphore_mem>>
        %dma_start3A_1131 = tpu.memref_slice %arg9[%mul3A_1125] : memref<640256xf32, #tpu.memory_space<vmem_shared>> -> memref<32000xf32, #tpu.memory_space<vmem_shared>>
        %dma_start3A_1132 = tpu.memref_slice %arg9[%mul3A_1125] : memref<640256xf32, #tpu.memory_space<vmem_shared>> -> memref<32000xf32, #tpu.memory_space<vmem_shared>>
        tpu.enqueue_dma source(%dma_start3A_1132 : memref<32000xf32, #tpu.memory_space<vmem_shared>>) target(%arg8 : memref<32000xf32, #tpu.memory_space<vmem>>) target_semaphore(%run_scoped3A : memref<!tpu.dma_semaphore, #tpu.memory_space<semaphore_mem>>)
        %dma_wait3A_1133 = tpu.memref_slice %arg9[%mul3A_1125] : memref<640256xf32, #tpu.memory_space<vmem_shared>> -> memref<32000xf32, #tpu.memory_space<vmem_shared>>
        %dma_wait3A_1134 = tpu.memref_slice %arg9[%mul3A_1125] : memref<640256xf32, #tpu.memory_space<vmem_shared>> -> memref<32000xf32, #tpu.memory_space<vmem_shared>>
        tpu.wait_dma2 semaphore(%run_scoped3A : memref<!tpu.dma_semaphore, #tpu.memory_space<semaphore_mem>>) src(%dma_wait3A_1134 : memref<32000xf32, #tpu.memory_space<vmem_shared>>) dst(%arg8 : memref<32000xf32, #tpu.memory_space<vmem>>)
        tpu.yield
      }) : () -> ()
      %mul3A_1126 = arith.constant 640000 : i32
      %mul3A_1127 = arith.muli %arg0, %mul3A_1126 : i32
      %mul3A_1128 = arith.constant 32000 : i32
      %mul3A_1129 = arith.muli %add3A_1111, %mul3A_1128 : i32
      %add3A_1130 = arith.addi %mul3A_1127, %mul3A_1129 : i32
      "tpu.region"() ({
        %run_scoped3A = tpu.sem_alloc : memref<!tpu.dma_semaphore, #tpu.memory_space<semaphore_mem>>
        %dma_start3A_1131 = tpu.memref_slice %arg3[%add3A_1130] : memref<1280000xf32, #tpu.memory_space<hbm>> -> memref<32000xf32, #tpu.memory_space<hbm>>
        %dma_start3A_1132 = tpu.memref_slice %arg3[%add3A_1130] : memref<1280000xf32, #tpu.memory_space<hbm>> -> memref<32000xf32, #tpu.memory_space<hbm>>
        tpu.enqueue_dma source(%arg8 : memref<32000xf32, #tpu.memory_space<vmem>>) target(%dma_start3A_1132 : memref<32000xf32, #tpu.memory_space<hbm>>) target_semaphore(%run_scoped3A : memref<!tpu.dma_semaphore, #tpu.memory_space<semaphore_mem>>)
        %dma_wait3A_1133 = tpu.memref_slice %arg3[%add3A_1130] : memref<1280000xf32, #tpu.memory_space<hbm>> -> memref<32000xf32, #tpu.memory_space<hbm>>
        %dma_wait3A_1134 = tpu.memref_slice %arg3[%add3A_1130] : memref<1280000xf32, #tpu.memory_space<hbm>> -> memref<32000xf32, #tpu.memory_space<hbm>>
        tpu.wait_dma2 semaphore(%run_scoped3A : memref<!tpu.dma_semaphore, #tpu.memory_space<semaphore_mem>>) src(%arg8 : memref<32000xf32, #tpu.memory_space<vmem>>) dst(%dma_wait3A_1134 : memref<32000xf32, #tpu.memory_space<hbm>>)
        tpu.yield
      }) : () -> ()
    } else {
    }
    %add3A_1117 = arith.constant 16 : i32
    %add3A_1118 = arith.addi %arg1, %add3A_1117 : i32
    %lt3A_1119 = arith.constant 20 : i32
    %lt3A_1120 = arith.cmpi slt, %add3A_1118, %lt3A_1119 : i32
    %convert_element_type3A_1121 = arith.extui %lt3A_1120 : i1 to i32
    %cond3A_1122 = arith.constant 0 : i32
    %cond3A_1123 = arith.cmpi ne, %convert_element_type3A_1121, %cond3A_1122 : i32
    scf.if %cond3A_1123 {
      %mul3A_1124 = arith.constant 32000 : i32
      %mul3A_1125 = arith.muli %add3A_1118, %mul3A_1124 : i32
      "tpu.region"() ({
        %run_scoped3A = tpu.sem_alloc : memref<!tpu.dma_semaphore, #tpu.memory_space<semaphore_mem>>
        %dma_start3A_1131 = tpu.memref_slice %arg9[%mul3A_1125] : memref<640256xf32, #tpu.memory_space<vmem_shared>> -> memref<32000xf32, #tpu.memory_space<vmem_shared>>
        %dma_start3A_1132 = tpu.memref_slice %arg9[%mul3A_1125] : memref<640256xf32, #tpu.memory_space<vmem_shared>> -> memref<32000xf32, #tpu.memory_space<vmem_shared>>
        tpu.enqueue_dma source(%dma_start3A_1132 : memref<32000xf32, #tpu.memory_space<vmem_shared>>) target(%arg8 : memref<32000xf32, #tpu.memory_space<vmem>>) target_semaphore(%run_scoped3A : memref<!tpu.dma_semaphore, #tpu.memory_space<semaphore_mem>>)
        %dma_wait3A_1133 = tpu.memref_slice %arg9[%mul3A_1125] : memref<640256xf32, #tpu.memory_space<vmem_shared>> -> memref<32000xf32, #tpu.memory_space<vmem_shared>>
        %dma_wait3A_1134 = tpu.memref_slice %arg9[%mul3A_1125] : memref<640256xf32, #tpu.memory_space<vmem_shared>> -> memref<32000xf32, #tpu.memory_space<vmem_shared>>
        tpu.wait_dma2 semaphore(%run_scoped3A : memref<!tpu.dma_semaphore, #tpu.memory_space<semaphore_mem>>) src(%dma_wait3A_1134 : memref<32000xf32, #tpu.memory_space<vmem_shared>>) dst(%arg8 : memref<32000xf32, #tpu.memory_space<vmem>>)
        tpu.yield
      }) : () -> ()
      %mul3A_1126 = arith.constant 640000 : i32
      %mul3A_1127 = arith.muli %arg0, %mul3A_1126 : i32
      %mul3A_1128 = arith.constant 32000 : i32
      %mul3A_1129 = arith.muli %add3A_1118, %mul3A_1128 : i32
      %add3A_1130 = arith.addi %mul3A_1127, %mul3A_1129 : i32
      "tpu.region"() ({
        %run_scoped3A = tpu.sem_alloc : memref<!tpu.dma_semaphore, #tpu.memory_space<semaphore_mem>>
        %dma_start3A_1131 = tpu.memref_slice %arg3[%add3A_1130] : memref<1280000xf32, #tpu.memory_space<hbm>> -> memref<32000xf32, #tpu.memory_space<hbm>>
        %dma_start3A_1132 = tpu.memref_slice %arg3[%add3A_1130] : memref<1280000xf32, #tpu.memory_space<hbm>> -> memref<32000xf32, #tpu.memory_space<hbm>>
        tpu.enqueue_dma source(%arg8 : memref<32000xf32, #tpu.memory_space<vmem>>) target(%dma_start3A_1132 : memref<32000xf32, #tpu.memory_space<hbm>>) target_semaphore(%run_scoped3A : memref<!tpu.dma_semaphore, #tpu.memory_space<semaphore_mem>>)
        %dma_wait3A_1133 = tpu.memref_slice %arg3[%add3A_1130] : memref<1280000xf32, #tpu.memory_space<hbm>> -> memref<32000xf32, #tpu.memory_space<hbm>>
        %dma_wait3A_1134 = tpu.memref_slice %arg3[%add3A_1130] : memref<1280000xf32, #tpu.memory_space<hbm>> -> memref<32000xf32, #tpu.memory_space<hbm>>
        tpu.wait_dma2 semaphore(%run_scoped3A : memref<!tpu.dma_semaphore, #tpu.memory_space<semaphore_mem>>) src(%arg8 : memref<32000xf32, #tpu.memory_space<vmem>>) dst(%dma_wait3A_1134 : memref<32000xf32, #tpu.memory_space<hbm>>)
        tpu.yield
      }) : () -> ()
    } else {
    }
    "tpu.trace_stop"() : () -> ()
    return
  }
}

</mosaic_0001>

<sc_bundles>
// kernel: _sc_counts.3.cloned.1.call-start
scs
__scs_entry_jumppad:
0x0: {  	(pc) =	sbr.rel $0x88, $3  }
0x1: {  	(tag) =	ssettag $0x0;
	lr =	simm.s32 $0x1  }
0x2: {  	[smem:$0x3FA0] =	sst lr;
	_ =	strace $0xD0000000  }
0x3: {  	_ = 	snop  }
0x4: {  	_ = 	snop  }
0x5: {  	_ = 	snop  }
0x6: {  	_ = 	snop  }
0x7: {  	_ = 	snop  }
__scs_overlays_trampoline_lowered:
0x8: {  	[smem:$0x3FAF] =	sst s0  }
0x9: {  	[smem:$0x3FB0] =	sst s1  }
0xa: {  	[smem:$0x3FB1] =	sst s2  }
0xb: {  	[smem:$0x3FB2] =	sst s3  }
0xc: {  	[smem:$0x3FB3] =	sst s4  }
0xd: {  	[smem:$0x3FB4] =	sst s5  }
0xe: {  	[smem:$0x3FB5] =	sst s6  }
0xf: {  	[smem:$0x3FB6] =	sst s7  }
0x10: {  	[smem:$0x3FB7] =	sst s8  }
0x11: {  	[smem:$0x3FB8] =	sst s9;
	s0 =	simm.s32 @!p0 $0x0  }
0x12: {  	s1 =	sld [smem:$0x3F9E];
	s0 =	simm.s32 @p0 $0x1  }
0x13: {  	[smem:$0x3FB9] =	sst s0;
	s0 =	simm.s32 @!p1 $0x0  }
0x14: {  	s2 =	sld [smem:$0x3F9D];
	s0 =	simm.s32 @p1 $0x1  }
0x15: {  	[smem:$0x3FBA] =	sst s0;
	s0 =	simm.s32 @!p2 $0x0  }
0x16: {  	s3 =	sld [smem:$0x3FDB];
	s0 =	simm.s32 @p2 $0x1  }
0x17: {  	s4 =	simm.s32 $0x1BF5;
	[smem:$0x3FBC] =	sst s0  }
0x18: {  	s0 =	sld [smem:$0x3F9F];
	_ =	swait.ge [sflag:s4], $0x0  }
0x19: {  	s7 =	sld [smem:$0x3FA0]  }
0x1a: {  	s8 =	sadd.s32 $0xFFFFE003, lr  }
0x1b: {  	s9 =	sadd.s32 $0xFFFFFEF7, lr;
	s5 =	simm.s32 $0xFFFFFFFF;
	p2 =	slt.u32 s8, $0xFFFFF086  }
0x1c: {  	p1 =	slt.u32 s9, $0xF7A;
	s5 =	simm.s32 @!p2 $0x0  }
0x1d: {  	s5 =	simm.s32 @p1 $0x1;
	p0 =	seq.s32 s7, s2  }
0x1e: {  	s7 =	smul.u32 @!p0 $0xF7A, s2;
	p2 =	seq.s32 @!p0 s5, $0x0  }
0x1f: {  	s9 =	smul.u32 $0xF7A, s1;
	s8 =	simm.s32 @!p0 $0x1BF5;
	p2 =	por !p2, p0  }
0x20: {  	[sflag:s8] =	ssyncset.s32 @!p0 $0xFFFFF086;
	s6 =	sadd.s32 @!p0 s3, s7;
	s7 =	simm.s32 @!p0 $0x108  }
0x21: {  	s3 =	sadd.s32 s3, s9;
	s6 =	sadd.s32 @!p0 $0x88, s6;
	s7 =	simm.s32 @p2 $0x1082  }
0x22: {  	[simem:s7], [sflag:s8] =	dma.local @!p0 [hbm:s6], $0xF7A  }
0x23: {  	s9 =	sor.u32 $0xD0000000, s2;
	s6 =	simm.s32 $0x108;
	_ =	swait.ge @!p0 [sflag:s8], $0x0  }
0x24: {  	s3 =	sadd.s32 $0x88, s3;
	s6 =	simm.s32 @!p1 $0x1082;
	[sflag:s4] =	ssyncset.s32 $0xFFFFF086  }
0x25: {  	[simem:s6], [sflag:s4] =	dma.local [hbm:s3], $0xF7A  }
0x26: {  	[smem:$0x3FA0] =	sst s1;
	(tag) =	ssettag s2;
	_ =	strace s9  }
0x27: {  	s1 =	sld [smem:$0x3FB0]  }
0x28: {  	s2 =	sld [smem:$0x3FB1]  }
0x29: {  	s4 =	sld [smem:$0x3FB3]  }
0x2a: {  	p0 =	seq.s32 s5, $0x0;
	s5 =	sld [smem:$0x3FB4]  }
0x2b: {  	s6 =	sld [smem:$0x3FB5]  }
0x2c: {  	s7 =	sld [smem:$0x3FB6]  }
0x2d: {  	s3 =	simm.s32 $0x108;
	s8 =	sld [smem:$0x3FB7]  }
0x2e: {  	s3 =	simm.s32 @!p0 $0x1082;
	s9 =	sld [smem:$0x3FB8]  }
0x2f: {  	lr =	sadd.s32 s0, s3;
	s0 =	sld [smem:$0x3FAF]  }
0x30: {  	s3 =	sld [smem:$0x3FB2]  }
0x31: {  	[smem:$0x3FBB] =	sst s10  }
0x32: {  	s10 =	sld [smem:$0x3FB9];
	_ =	sdelay $0x3  }
0x33: {  	p0 =	seq.s32 s10, $0x1;
	s10 =	sld [smem:$0x3FBB];
	_ =	sdelay $0x3  }
0x34: {  	[smem:$0x3FBB] =	sst s10  }
0x35: {  	s10 =	sld [smem:$0x3FBA];
	_ =	sdelay $0x3  }
0x36: {  	p1 =	seq.s32 s10, $0x1;
	s10 =	sld [smem:$0x3FBB];
	_ =	sdelay $0x3  }
0x37: {  	[smem:$0x3FBB] =	sst s10  }
0x38: {  	s10 =	sld [smem:$0x3FBC]  }
0x39: {  	_ = 	snop;
	(pc) =	sbr.ind lr, $3  }
0x3a: {  	_ = 	snop  }
0x3b: {  	_ = 	snop  }
0x3c: {  	p2 =	seq.s32 s10, $0x1;
	s10 =	sld [smem:$0x3FBB]  }
0x3d: {  	_ =	shalt  }
0x3e: {  	_ =	shalt  }
0x3f: {  	_ =	shalt  }
0x40: {  	_ =	shalt  }
0x41: {  	_ =	shalt  }
0x42: {  	_ =	shalt  }
0x43: {  	_ =	shalt  }
0x44: {  	_ =	shalt  }
0x45: {  	_ =	shalt  }
0x46: {  	_ =	shalt  }
0x47: {  	_ =	shalt  }
0x48: {  	_ =	shalt  }
0x49: {  	_ =	shalt  }
0x4a: {  	_ =	shalt  }
0x4b: {  	_ =	shalt  }
0x4c: {  	_ =	shalt  }
0x4d: {  	_ =	shalt  }
0x4e: {  	_ =	shalt  }
0x4f: {  	_ =	shalt  }
0x50: {  	_ =	shalt  }
0x51: {  	_ =	shalt  }
0x52: {  	_ =	shalt  }
0x53: {  	_ =	shalt  }
0x54: {  	_ =	shalt  }
0x55: {  	_ =	shalt  }
0x56: {  	_ =	shalt  }
0x57: {  	_ =	shalt  }
0x58: {  	_ =	shalt  }
0x59: {  	_ =	shalt  }
0x5a: {  	_ =	shalt  }
0x5b: {  	_ =	shalt  }
0x5c: {  	_ =	shalt  }
0x5d: {  	_ =	shalt  }
0x5e: {  	_ =	shalt  }
0x5f: {  	_ =	shalt  }
0x60: {  	_ =	shalt  }
0x61: {  	_ =	shalt  }
0x62: {  	_ =	shalt  }
0x63: {  	_ =	shalt  }
0x64: {  	_ =	shalt  }
0x65: {  	_ =	shalt  }
0x66: {  	_ =	shalt  }
0x67: {  	_ =	shalt  }
0x68: {  	_ =	shalt  }
0x69: {  	_ =	shalt  }
0x6a: {  	_ =	shalt  }
0x6b: {  	_ =	shalt  }
0x6c: {  	_ =	shalt  }
0x6d: {  	_ =	shalt  }
0x6e: {  	_ =	shalt  }
0x6f: {  	_ =	shalt  }
0x70: {  	_ =	shalt  }
0x71: {  	_ =	shalt  }
0x72: {  	_ =	shalt  }
0x73: {  	_ =	shalt  }
0x74: {  	_ =	shalt  }
0x75: {  	_ =	shalt  }
0x76: {  	_ =	shalt  }
0x77: {  	_ =	shalt  }
0x78: {  	_ =	shalt  }
0x79: {  	_ =	shalt  }
0x7a: {  	_ =	shalt  }
0x7b: {  	_ =	shalt  }
0x7c: {  	_ =	shalt  }
0x7d: {  	_ =	shalt  }
0x7e: {  	_ =	shalt  }
0x7f: {  	_ =	shalt  }
0x80: {  	_ =	shalt  }
0x81: {  	_ =	shalt  }
0x82: {  	_ =	shalt  }
0x83: {  	_ =	shalt  }
0x84: {  	_ =	shalt  }
0x85: {  	_ =	shalt  }
0x86: {  	_ =	shalt  }
0x87: {  	_ =	shalt  }
.Lfunc_end0:
.L_simem_size_0:
called_computation_lowered:
.L_overlay_start_0:
0x88: {  	s2 =	sld [smem:$0x3FD9]  }
0x89: {  	s3 =	sld [smem:$0x3FFE];
	_ =	sdelay $0x1  }
0x8a: {  	s1 =	srdreg.scid  }
0x8b: {  	s0 =	sand.u32 $0x1, s1  }
0x8c: {  	s18 =	sshll.u32 s0, $0xA;
	s2 =	sadd.s32 s3, s2  }
0x8d: {  	s2 =	sadd.s32 s2, s18  }
0x8e: {  	[smem:$0x3FC7] =	sst s2  }
0x8f: {  	_ = 	snop  }
0x90: {  	s2 =	sld [smem:$0x3FC9]  }
0x91: {  	s19 =	sld [smem:$0x3FD0];
	(tm) =	ssettm $0x1  }
0x92: {  	s4 =	sld [smem:$0x3FFB];
	_ =	sdelay $0x3  }
0x93: {  	_ =	strace s4  }
0x94: {  	s4 =	sld [smem:$0x3FFC];
	_ =	sdelay $0x3  }
0x95: {  	_ =	strace s4  }
0x96: {  	s4 =	sld [smem:$0x3FFD];
	_ =	sdelay $0x3  }
0x97: {  	_ =	strace s4  }
0x98: {  	_ =	strace $0x8FFFFFFF  }
0x99: {  	s20 =	sld [smem:$0x3FDB];
	_ =	sdelay $0x1  }
0x9a: {  	s5 =	simm.s32 $_scs_section_size  }
0x9b: {  	s6 =	simm.s32 $_size__tile_overlayer_lowered;
	s7 =	simm.s32 $_tile_overlayer_lowered  }
0x9c: {  	s23 =	simm.s32 $0x1BFF;
	s22 =	sshll.u32 s7, $0x1;
	s4 =	sadd.s32 s5, s20  }
0x9d: {  	s8 =	simm.s32 $0x0;
	s21 =	sshll.u32 s6, $0x1;
	s6 =	sadd.s32 s22, s4  }
0x9e: {  	[timem:s8], [sflag:s23] =	dma.local [hbm:s6], s21  }
0x9f: {  	_ =	swait.ge [sflag:s23], s21  }
0xa0: {  	s5 =	ssub.s32 $0x0, s21;
	[sflag:s23] =	ssyncset.done $0x0  }
0xa1: {  	[sflag:s23] =	ssyncadd.s32 s5;
	_ =	sdelay $0x1  }
0xa2: {  	s24 =	simm.s32 $0x1B8B  }
0xa3: {  	_ =	swait.ge [sflag:s24], $0x1  }
0xa4: {  	[sflag:s24] =	ssyncset.done $0x0  }
0xa5: {  	s25 =	simm.s32 $0x1B8E;
	[sflag:s24] =	ssyncadd.s32 $0xFFFFFFFF  }
0xa6: {  	s26 =	simm.s32 $execute0_lowered;
	[smem:$0x3FD2] =	sst s25  }
0xa7: {  	s5 =	sshll.u32 s26, $0x1;
	_ =	strace $0x80000046;
	[dreg:$0x1] =	wrdreg $0xFFFFFFFF  }
0xa8: {  	s28 =	simm.s32 $_size_execute0_lowered;
	s4 =	sadd.s32 s4, s5;
	[dreg:$0x0] =	wrdreg $0x0  }
0xa9: {  	s5 =	sshll.u32 s28, $0x1;
	[dreg:$0x2] =	wrdreg s4  }
0xaa: {  	[dreg:$0x3] =	wrdreg s5  }
0xab: {  	[dreg:$0x4] =	wrdreg $0xC0  }
0xac: {  	_ =	task [dreg:s8], $0x5FFFF  }
0xad: {  	[dreg:$0x1] =	wrdreg $0xFFFFFFFF  }
0xae: {  	[dreg:$0x0] =	wrdreg $0x60  }
0xaf: {  	[dreg:$0x2] =	wrdreg s2  }
0xb0: {  	[dreg:$0x3] =	wrdreg s19  }
0xb1: {  	[dreg:$0x4] =	wrdreg $0xF4800  }
0xb2: {  	[dreg:$0x5] =	wrdreg $0x9  }
0xb3: {  	_ =	task.clear_ibuf [dreg:s8], $0x6FFFF;
	_ =	strace $0x90000046  }
0xb4: {  	s29 =	simm.s32 $0x9;
	_ =	strace $0x80000050  }
0xb5: {  	_ =	swait.ge [sflag:s29], $0x1  }
0xb6: {  	[sflag:s29] =	ssyncadd.s32 $0xFFFFFFFF  }
0xb7: {  	_ =	strace $0x90000050  }
0xb8: {  	_ =	sfence  }
0xb9: {  	s30 =	sld [smem:$0x0];
	_ =	sdelay $0x2  }
0xba: {  	s31 =	sshll.u32 s1, $0xD;
	s1 =	sshrl.u32 s1, $0x2  }
0xbb: {  	s3 =	sand.u32 $0x4000, s31;
	s1 =	sadd.s32 s1, s30  }
0xbc: {  	s0 =	sor.u32 s3, s0;
	s1 =	sshll.u32 s1, $0x11  }
0xbd: {  	s0 =	sor.u32 s1, s0  }
0xbe: {  	s0 =	sadd.s32 $0x8F2B, s0  }
0xbf: {  	[sflag:s0] =	ssyncadd.remote.s32 $0x1  }
0xc0: {  	_ =	sfence.sel $0xFFFF  }
0xc1: {  	[dreg:$0x0] =	wrdreg $0xFFFFFFFF;
	(pc) =	sbr.abs _section_cstart, $3  }
0xc2: {  	[dreg:$0x1] =	wrdreg $0xFFFFFFFF  }
0xc3: {  	_ =	task.clear_ibuf [dreg:s8], $0x2FFFF;
	_ =	strace $0x9FFFFFFF  }
0xc4: {  	(tm) =	ssettm $0x7FFFFFFF  }
0xc5: {  	_ =	shalt  }
tec
execute0_lowered:
.L_overlay_start_1:
0x0: {  	(tag) =	ssettag $0x1  }
0x1: {  	s2 =	rddreg [dreg:$0x0]  }
0x2: {  	s12 =	rddreg [dreg:$0x1]  }
0x3: {  	s1 =	rddreg [dreg:$0x2]  }
0x4: {  	s0 =	srdreg.scid;
	s16 =	stileid.u32  }
0x5: {  	s3 =	simm.s32 $0x0;
	s17 =	simm.s32 $0x1;
	s4 =	smul.u32 $0x2710, s16  }
0x6: {  	s18 =	simm.s32 $0x80;
	s20 =	simm.s32 $0x7700;
	s7 =	smul.u32 $0x1F400, s16  }
0x7: {  	s28 =	simm.s32 $0x7400;
	s6 =	sand.u32 $0x1, s0;
	s21 =	smul.u32 $0x7D00, s16  }
0x8: {  	s29 =	simm.s32 $0x7480;
	s8 =	sor.u32 $0x10, s16;
	s0 =	smul.u32 $0x1388, s6  }
0x9: {  	s30 =	simm.s32 $0x7500;
	s31 =	simm.s32 $0x7580;
	s9 =	smul.u32 $0x1F400, s8  }
0xa: {  	[smem:$0x7FF] =	sst s3;
	p0 =	sgt.u32 s16, $0x3;
	s22 =	smul.u32 $0x9C400, s6  }
0xb: {  	_ =	strace $0x80000047;
	s5 =	ssub.s32 $0x2, s6;
	s11 =	smul.u32 $0x7D00, s8  }
0xc: {  	s8 =	sadd.s32 $0x9C400, s1;
	p1 =	sne.s32 @!p0 s16, $0x0;
	s16 =	simm.s32 $0x3  }
0xd: {  	s4 =	sshrl.u32 s4, $0x3;
	s10 =	sshrl.u32 s5, $0x1;
	s23 =	sshrl.u32 s7, $0x2  }
0xe: {  	p1 =	por p1, p0;
	s4 =	sadd.s32 s2, s4;
	s13 =	ssub.s32 s5, s10  }
0xf: {  	s24 =	sshrl.u32 s9, $0x2;
	s6 =	sadd.s32 s23, s1;
	s25 =	sadd.s32 s21, s22  }
0x10: {  	s15 =	sadd.s32 s22, s11;
	s9 =	sadd.s32 s21, s1;
	s11 =	sadd.s32 s11, s1  }
0x11: {  	s2 =	simm.s32 $0x2;
	s23 =	simm.s32 $0x7200;
	v0 =	vmov s0;
	s0 =	simm.s32 $0x7600  }
0x12: {  	s5 =	sadd.s32 $0x4E20, s4;
	s7 =	sadd.s32 s24, s1;
	s14 =	sshrl.u32 s25, $0x3  }
0x13: {  	s26 =	sshrl.u32 s15, $0x3;
	s13 =	smax.u32 s13, $0x1;
	s15 =	simm.s32 $0x7780  }
0x14: {  	s24 =	simm.s32 $0x7280;
	s25 =	simm.s32 $0x7300;
	s10 =	sadd.s32 s12, s14  }
0x15: {  	v1 =	vimm.f32 $0.0e+00;
	v2 =	vimm.f32 $1.000000000e+00;
	v3 =	vimm.s32 $0x9C400;
	s12 =	sadd.s32 s12, s26;
	s26 =	simm.s32 $0x7380;
	s14 =	simm.s32 $0x0  }
.LBB2_1:
0x16: {  	[tilespmem:s3], [sflag:$0x1] =	stream.linear.gather [hbm4b:s4+s3], $0x2710, $0x38;
	[tilespmem:$0x190D0] =	vst v63  }
0x17: {  	s19 =	simm.s32 $0x2780  }
0x18: {  	[tilespmem:s19], [sflag:$0x1] =	stream.linear.gather [hbm4b:s5+s3], $0x2710, $0x38;
	[tilespmem:$0x190D0] =	vst v63  }
0x19: {  	s21 =	simm.s32 $0x200;
	s19 =	simm.s32 $0x0;
	_ =	strace $0x80000048  }
.LBB2_2:
0x1a: {  	p2 =	sne.s32 s21, $0x1F200;
	[tilespmem:s19+$0x77F0] =	vst v1  }
0x1b: {  	[tilespmem:s19+$0x7780] =	vst v1  }
0x1c: {  	[tilespmem:s19+$0x7790] =	vst v1  }
.Ltmp0:
0x1d: {  	[tilespmem:s19+$0x77A0] =	vst v1;
	(pc) =	sbr.rel @p2 .LBB2_2-.Ltmp0, $4  }
0x1e: {  	[tilespmem:s19+$0x77B0] =	vst v1  }
0x1f: {  	[tilespmem:s19+$0x77C0] =	vst v1  }
0x20: {  	[tilespmem:s19+$0x77D0] =	vst v1  }
0x21: {  	[tilespmem:s19+$0x77E0] =	vst v1;
	s19 =	sshra.s32 s21, $0x2;
	s21 =	sadd.s32 $0x200, s21  }
0x22: {  	[tilespmem:s19+$0x77F0] =	vst v1  }
0x23: {  	[tilespmem:s19+$0x7780] =	vst v1  }
0x24: {  	[tilespmem:s19+$0x7790] =	vst v1  }
0x25: {  	[tilespmem:s19+$0x77A0] =	vst v1  }
0x26: {  	[tilespmem:s19+$0x77B0] =	vst v1  }
0x27: {  	[tilespmem:s19+$0x77C0] =	vst v1  }
0x28: {  	[tilespmem:s19+$0x77D0] =	vst v1  }
0x29: {  	[tilespmem:s19+$0x77E0] =	vst v1  }
0x2a: {  	_ =	strace $0x90000048  }
0x2b: {  	_ =	strace $0x80000049  }
0x2c: {  	[spmem:s6] =	stream.linear.scatter [tilespmem:s15], [sflag:$0x3], $0x7D00, $0x200038;
	[tilespmem:$0x190D0] =	vst v63  }
0x2d: {  	_ =	swait.ge [sflag:s16], $0x7D00  }
0x2e: {  	[sflag:s16] =	ssyncset.done $0x0  }
0x2f: {  	s19 =	simm.s32 @!p0 $0x7780;
	[sflag:s16] =	ssyncadd.s32 $0xFFFF8300  }
0x30: {  	[spmem:s7] =	stream.linear.scatter @!p0 [tilespmem:s19], [sflag:$0x3], $0x7D00, $0x200038;
	[tilespmem:$0x190D0] =	vst v63  }
0x31: {  	s19 =	simm.s32 @!p0 $0x3  }
0x32: {  	_ =	swait.ge @!p0 [sflag:s19], $0x7D00  }
0x33: {  	[sflag:s19] =	ssyncset.done @!p0 $0x0  }
0x34: {  	[sflag:s19] =	ssyncadd.s32 @!p0 $0xFFFF8300;
	s19 =	simm.s32 @!p1 $0x7780  }
0x35: {  	[spmem:s8] =	stream.linear.scatter @!p1 [tilespmem:s19], [sflag:$0x3], $0x100, $0x200038;
	[tilespmem:$0x190D0] =	vst v63  }
0x36: {  	s19 =	simm.s32 @!p1 $0x3  }
0x37: {  	_ =	swait.ge @!p1 [sflag:s19], $0x100  }
0x38: {  	[sflag:s19] =	ssyncset.done @!p1 $0x0  }
0x39: {  	[sflag:s19] =	ssyncadd.s32 @!p1 $0xFFFFFF00  }
0x3a: {  	_ =	strace $0x90000049;
	[tilespmem:$0x7700] =	vst v2  }
0x3b: {  	[tilespmem:$0x7710] =	vst v2  }
0x3c: {  	[tilespmem:$0x7720] =	vst v2  }
0x3d: {  	[tilespmem:$0x7730] =	vst v2  }
0x3e: {  	[tilespmem:$0x7740] =	vst v2  }
0x3f: {  	[tilespmem:$0x7750] =	vst v2  }
0x40: {  	[tilespmem:$0x7760] =	vst v2  }
0x41: {  	[tilespmem:$0x7770] =	vst v2  }
0x42: {  	_ =	strace $0x8000004A  }
0x43: {  	_ =	swait.ge [sflag:s17], $0x2710  }
0x44: {  	[sflag:s17] =	ssyncset.done $0x0  }
0x45: {  	[sflag:s17] =	ssyncadd.s32 $0xFFFFD8F0  }
0x46: {  	_ =	swait.ge [sflag:s17], $0x2710  }
0x47: {  	[sflag:s17] =	ssyncset.done $0x0  }
0x48: {  	[sflag:s17] =	ssyncadd.s32 $0xFFFFD8F0  }
0x49: {  	_ =	strace $0x9000004A  }
0x4a: {  	s19 =	simm.s32 $0x0;
	_ =	strace $0x8000004B  }
0x4b: {  	v4 =	vld [tilespmem:s19+$0x70]  }
0x4c: {  	v6 =	vld [tilespmem:s19+$0x0]  }
0x4d: {  	v7 =	vld [tilespmem:s19+$0x10]  }
0x4e: {  	v11 =	vld [tilespmem:s19+$0x20]  }
0x4f: {  	v5 =	vld [tilespmem:s19+$0x27F0]  }
0x50: {  	v12 =	vld [tilespmem:s19+$0x30]  }
0x51: {  	v15 =	vld [tilespmem:s19+$0x40]  }
0x52: {  	v18 =	vld [tilespmem:s19+$0x60];
	_ =	sdelay $0x1  }
0x53: {  	v8 =	vmul.u32 $0x147B, v4  }
0x54: {  	v9 =	vmul.u32 $0x147B, v6;
	v10 =	vmul.u32 $0x147B, v7;
	v13 =	vmul.u32 $0x147B, v11  }
0x55: {  	v17 =	vld [tilespmem:s19+$0x50];
	v5 =	vsub.s32 v5, v0;
	v19 =	vmul.u32 $0x147B, v12;
	v21 =	vmul.u32 $0x147B, v15  }
0x56: {  	v14 =	vld [tilespmem:s19+$0x2780];
	v23 =	vmul.u32 $0x147B, v18;
	v20 =	vshll.u32 v5, $0x7;
	vm0 =	vlt.u32 v5, $0x1388  }
0x57: {  	v25 =	vld [tilespmem:s19+$0x27E0];
	v8 =	vshrl.u32 v8, $0x13;
	v9 =	vshrl.u32 v9, $0x13;
	v13 =	vshrl.u32 v13, $0x13  }
0x58: {  	v5 =	vld [tilespmem:s19+$0x27B0];
	v19 =	vshrl.u32 v19, $0x13;
	v21 =	vshrl.u32 v21, $0x13;
	v8 =	vmul.u32 $0xFFFFFF9C, v8  }
0x59: {  	v23 =	vshrl.u32 v23, $0x13;
	v16 =	vmul.u32 $0xFFFFFF9C, v9;
	v9 =	vshrl.u32 v10, $0x13;
	v10 =	vld [tilespmem:s19+$0x2790]  }
0x5a: {  	v13 =	vmul.u32 $0xFFFFFF9C, v13;
	v19 =	vmul.u32 $0xFFFFFF9C, v19;
	v4 =	vadd.s32 v4, v8  }
0x5b: {  	v22 =	vld [tilespmem:s19+$0x27C0];
	v21 =	vmul.u32 $0xFFFFFF9C, v21;
	v26 =	vmul.u32 $0xFFFFFF9C, v23;
	v4 =	vadd.s32 v20, v4  }
0x5c: {  	v8 =	vld [tilespmem:s19+$0x27A0];
	v27 =	vadd.s32 v6, v16;
	v20 =	vmul.u32 $0x147B, v17;
	v4 =	vnsel vm0, $0x9C400, v4  }
0x5d: {  	v24 =	vld [tilespmem:s19+$0x27D0];
	v6 =	vsub.s32 v25, v0;
	v5 =	vsub.s32 v5, v0;
	[tilespmem:s19+$0x4F70] =	vst v4;
	v4 =	vmul.u32 $0xFFFFFF9C, v9  }
0x5e: {  	v20 =	vshrl.u32 v20, $0x13;
	v9 =	vsub.s32 v14, v0;
	v10 =	vsub.s32 v10, v0  }
0x5f: {  	v14 =	vadd.s32 v11, v13;
	v13 =	vadd.s32 v12, v19;
	v11 =	vadd.s32 v15, v21  }
0x60: {  	v15 =	vadd.s32 v18, v26;
	v18 =	vshll.u32 v5, $0x7;
	v20 =	vmul.u32 $0xFFFFFF9C, v20  }
0x61: {  	v19 =	vshll.u32 v9, $0x7;
	v23 =	vshll.u32 v10, $0x7;
	v8 =	vsub.s32 v8, v0  }
0x62: {  	v16 =	vadd.s32 v7, v4;
	v4 =	vsub.s32 v22, v0;
	v7 =	vsub.s32 v24, v0  }
0x63: {  	v21 =	vadd.s32 v19, v27;
	v19 =	vshll.u32 v6, $0x7;
	v12 =	vadd.s32 v17, v20  }
0x64: {  	s21 =	simm.s32 $0x80;
	s22 =	simm.s32 $0x400;
	v22 =	vshll.u32 v8, $0x7;
	v17 =	vshll.u32 v4, $0x7;
	v20 =	vshll.u32 v7, $0x7  }
.LBB2_4:
0x65: {  	p2 =	sne.s32 s22, $0x9A00;
	v24 =	vld [tilespmem:s21+$0x70];
	v16 =	vadd.s32 v23, v16;
	v14 =	vadd.s32 v22, v14;
	v13 =	vadd.s32 v18, v13  }
0x66: {  	v11 =	vadd.s32 v17, v11;
	v12 =	vadd.s32 v20, v12;
	v15 =	vadd.s32 v19, v15;
	v18 =	vld [tilespmem:s21+$0x0]  }
0x67: {  	vm0 =	vlt.u32 v9, $0x1388;
	vm1 =	vlt.u32 v10, $0x1388;
	vm2 =	vlt.u32 v8, $0x1388;
	v17 =	vld [tilespmem:s21+$0x10]  }
0x68: {  	vm3 =	vlt.u32 v5, $0x1388;
	vm4 =	vlt.u32 v4, $0x1388;
	vm5 =	vlt.u32 v7, $0x1388;
	v19 =	vld [tilespmem:s21+$0x20]  }
0x69: {  	v5 =	vnsel vm0, $0x9C400, v21;
	v7 =	vnsel vm1, $0x9C400, v16;
	vm0 =	vlt.u32 v6, $0x1388;
	v4 =	vld [tilespmem:s21+$0x27F0]  }
0x6a: {  	v9 =	vnsel vm3, $0x9C400, v13;
	v6 =	vld [tilespmem:s21+$0x30];
	v8 =	vmul.u32 $0x147B, v24;
	[tilespmem:s19+$0x4F00] =	vst v5;
	v5 =	vnsel vm2, $0x9C400, v14  }
0x6b: {  	v10 =	vmul.u32 $0x147B, v18;
	v20 =	vld [tilespmem:s21+$0x40];
	[tilespmem:s19+$0x4F10] =	vst v7;
	v7 =	vnsel vm4, $0x9C400, v11;
	v11 =	vnsel vm5, $0x9C400, v12  }
0x6c: {  	v12 =	vmul.u32 $0x147B, v17;
	v21 =	vld [tilespmem:s21+$0x50];
	v8 =	vshrl.u32 v8, $0x13;
	[tilespmem:s19+$0x4F20] =	vst v5;
	v5 =	vnsel vm0, $0x9C400, v15  }
0x6d: {  	v10 =	vshrl.u32 v10, $0x13;
	v13 =	vmul.u32 $0x147B, v19;
	v15 =	vld [tilespmem:s21+$0x60];
	v8 =	vmul.u32 $0xFFFFFF9C, v8;
	[tilespmem:s19+$0x4F30] =	vst v9  }
0x6e: {  	v9 =	vld [tilespmem:s21+$0x2780];
	v14 =	vmul.u32 $0xFFFFFF9C, v10;
	v10 =	vshrl.u32 v12, $0x13;
	v4 =	vsub.s32 v4, v0;
	[tilespmem:s19+$0x4F40] =	vst v7  }
0x6f: {  	v7 =	vld [tilespmem:s21+$0x2790];
	v12 =	vmul.u32 $0x147B, v6;
	v16 =	vshll.u32 v4, $0x7;
	v8 =	vadd.s32 v24, v8;
	[tilespmem:s19+$0x4F50] =	vst v11  }
0x70: {  	vm0 =	vlt.u32 v4, $0x1388;
	v11 =	vld [tilespmem:s21+$0x27A0];
	v22 =	vmul.u32 $0x147B, v20;
	v8 =	vadd.s32 v16, v8;
	[tilespmem:s19+$0x4F60] =	vst v5;
	s19 =	smov.u32 s21  }
0x71: {  	v4 =	vshrl.u32 v13, $0x13;
	v5 =	vld [tilespmem:s19+$0x27B0];
	v13 =	vmul.u32 $0x147B, v21;
	v8 =	vnsel vm0, $0x9C400, v8  }
0x72: {  	v12 =	vshrl.u32 v12, $0x13;
	v23 =	vld [tilespmem:s19+$0x27C0];
	v16 =	vshrl.u32 v22, $0x13;
	v22 =	vmul.u32 $0x147B, v15;
	[tilespmem:s19+$0x4F70] =	vst v8  }
0x73: {  	v24 =	vmul.u32 $0xFFFFFF9C, v10;
	v25 =	vmul.u32 $0xFFFFFF9C, v4;
	v26 =	vld [tilespmem:s19+$0x27D0];
	v4 =	vshrl.u32 v13, $0x13  }
0x74: {  	v12 =	vmul.u32 $0xFFFFFF9C, v12;
	v27 =	vmul.u32 $0xFFFFFF9C, v16;
	v28 =	vld [tilespmem:s19+$0x27E0];
	v8 =	vshrl.u32 v22, $0x13  }
0x75: {  	v9 =	vsub.s32 v9, v0;
	v22 =	vmul.u32 $0xFFFFFF9C, v4;
	v29 =	vmul.u32 $0xFFFFFF9C, v8  }
0x76: {  	v10 =	vsub.s32 v7, v0;
	v8 =	vsub.s32 v11, v0;
	v5 =	vsub.s32 v5, v0  }
0x77: {  	v30 =	vadd.s32 v18, v14;
	v16 =	vadd.s32 v17, v24;
	v4 =	vsub.s32 v23, v0  }
.Ltmp1:
0x78: {  	v14 =	vadd.s32 v19, v25;
	v13 =	vadd.s32 v6, v12;
	v7 =	vsub.s32 v26, v0;
	(pc) =	sbr.rel @p2 .LBB2_4-.Ltmp1, $4  }
0x79: {  	v11 =	vadd.s32 v20, v27;
	v12 =	vadd.s32 v21, v22;
	v6 =	vsub.s32 v28, v0  }
0x7a: {  	v19 =	vshll.u32 v9, $0x7;
	v23 =	vshll.u32 v10, $0x7;
	v15 =	vadd.s32 v15, v29  }
0x7b: {  	v22 =	vshll.u32 v8, $0x7;
	v18 =	vshll.u32 v5, $0x7;
	v17 =	vshll.u32 v4, $0x7  }
0x7c: {  	s21 =	sshra.s32 s22, $0x2;
	s22 =	sadd.s32 $0x200, s22;
	v21 =	vadd.s32 v19, v30;
	v20 =	vshll.u32 v7, $0x7;
	v19 =	vshll.u32 v6, $0x7  }
0x7d: {  	v24 =	vld [tilespmem:s21+$0x70]  }
0x7e: {  	v25 =	vld [tilespmem:s21+$0x0]  }
0x7f: {  	v26 =	vld [tilespmem:s21+$0x10];
	vm0 =	vlt.u32 v9, $0x1388  }
0x80: {  	v27 =	vld [tilespmem:s21+$0x20];
	v16 =	vadd.s32 v23, v16;
	vm14 =	vlt.u32 v10, $0x1388;
	v14 =	vadd.s32 v22, v14  }
0x81: {  	v63 =	vld [tilespmem:s21+$0x27F0];
	vm15 =	vlt.u32 v8, $0x1388;
	v13 =	vadd.s32 v18, v13;
	vm4 =	vlt.u32 v5, $0x1388  }
0x82: {  	v28 =	vld [tilespmem:s21+$0x30];
	v5 =	vadd.s32 v17, v11;
	v31 =	vadd.s32 v20, v12;
	v34 =	vadd.s32 v19, v15  }
0x83: {  	vm5 =	vlt.u32 v4, $0x1388;
	vm1 =	vlt.u32 v7, $0x1388;
	v21 =	vnsel vm0, $0x9C400, v21  }
0x84: {  	vm6 =	vlt.u32 v6, $0x1388;
	v10 =	vnsel vm14, $0x9C400, v16;
	v8 =	vnsel vm15, $0x9C400, v14;
	[tilespmem:s19+$0x4F00] =	vst v21  }
0x85: {  	v32 =	vnsel vm4, $0x9C400, v13;
	v5 =	vnsel vm5, $0x9C400, v5;
	v36 =	vnsel vm1, $0x9C400, v31;
	v30 =	vld [tilespmem:s21+$0x40];
	[tilespmem:s19+$0x4F10] =	vst v10  }
0x86: {  	v10 =	vld [tilespmem:s21+$0x50];
	[tilespmem:s19+$0x4F20] =	vst v8;
	v4 =	vmul.u32 $0x147B, v24;
	v35 =	vmul.u32 $0x147B, v25;
	v37 =	vmul.u32 $0x147B, v26  }
0x87: {  	v33 =	vld [tilespmem:s21+$0x60];
	[tilespmem:s19+$0x4F30] =	vst v32;
	v39 =	vmul.u32 $0x147B, v27;
	v41 =	vsub.s32 v63, v0;
	v42 =	vmul.u32 $0x147B, v28  }
0x88: {  	v11 =	vld [tilespmem:s21+$0x2780];
	[tilespmem:s19+$0x4F40] =	vst v5;
	v5 =	vnsel vm6, $0x9C400, v34;
	v44 =	vshll.u32 v41, $0x7;
	vm7 =	vlt.u32 v41, $0x1388  }
0x89: {  	v4 =	vshrl.u32 v4, $0x13;
	v7 =	vshrl.u32 v35, $0x13;
	v40 =	vshrl.u32 v37, $0x13  }
0x8a: {  	v38 =	vld [tilespmem:s21+$0x2790];
	[tilespmem:s19+$0x4F50] =	vst v36;
	v9 =	vshrl.u32 v42, $0x13;
	v4 =	vmul.u32 $0xFFFFFF9C, v4;
	v7 =	vmul.u32 $0xFFFFFF9C, v7  }
0x8b: {  	v43 =	vld [tilespmem:s21+$0x27A0];
	v45 =	vmul.u32 $0x147B, v30;
	[tilespmem:s19+$0x4F60] =	vst v5;
	v5 =	vshrl.u32 v39, $0x13;
	v9 =	vmul.u32 $0xFFFFFF9C, v9  }
0x8c: {  	v47 =	vmul.u32 $0x147B, v10;
	v5 =	vmul.u32 $0xFFFFFF9C, v5;
	v4 =	vadd.s32 v24, v4  }
0x8d: {  	v46 =	vld [tilespmem:s21+$0x27B0];
	v18 =	vshrl.u32 v45, $0x13;
	v49 =	vmul.u32 $0x147B, v33;
	v7 =	vadd.s32 v25, v7  }
0x8e: {  	v48 =	vld [tilespmem:s21+$0x27C0];
	v9 =	vadd.s32 v28, v9;
	v4 =	vadd.s32 v44, v4;
	v14 =	vshrl.u32 v47, $0x13  }
0x8f: {  	v50 =	vld [tilespmem:s21+$0x27D0];
	v18 =	vmul.u32 $0xFFFFFF9C, v18;
	v11 =	vsub.s32 v11, v0;
	v5 =	vadd.s32 v27, v5  }
0x90: {  	v51 =	vld [tilespmem:s21+$0x27E0];
	v4 =	vnsel vm7, $0x9C400, v4;
	v19 =	vshrl.u32 v49, $0x13;
	v14 =	vmul.u32 $0xFFFFFF9C, v14  }
0x91: {  	v13 =	vsub.s32 v38, v0;
	v53 =	vshll.u32 v11, $0x7;
	vm8 =	vlt.u32 v11, $0x1388  }
0x92: {  	[tilespmem:s21+$0x4F70] =	vst v4;
	v4 =	vmul.u32 $0xFFFFFF9C, v40;
	v19 =	vmul.u32 $0xFFFFFF9C, v19;
	v15 =	vsub.s32 v43, v0  }
0x93: {  	v16 =	vadd.s32 v30, v18;
	v54 =	vshll.u32 v13, $0x7;
	v7 =	vadd.s32 v53, v7  }
0x94: {  	vm9 =	vlt.u32 v13, $0x1388;
	v8 =	vsub.s32 v46, v0;
	v17 =	vsub.s32 v48, v0  }
0x95: {  	v6 =	vsub.s32 v50, v0;
	v10 =	vadd.s32 v10, v14;
	v52 =	vsub.s32 v51, v0  }
0x96: {  	v55 =	vshll.u32 v15, $0x7;
	v7 =	vnsel vm8, $0x9C400, v7;
	vm10 =	vlt.u32 v15, $0x1388  }
0x97: {  	v4 =	vadd.s32 v26, v4;
	v12 =	vadd.s32 v33, v19;
	v56 =	vshll.u32 v8, $0x7  }
0x98: {  	v57 =	vshll.u32 v17, $0x7;
	v58 =	vshll.u32 v6, $0x7;
	v5 =	vadd.s32 v55, v5  }
0x99: {  	v59 =	vshll.u32 v52, $0x7;
	[tilespmem:s21+$0x4F00] =	vst v7;
	v4 =	vadd.s32 v54, v4;
	v5 =	vnsel vm10, $0x9C400, v5  }
0x9a: {  	vm11 =	vlt.u32 v8, $0x1388;
	v60 =	vadd.s32 v56, v9;
	v4 =	vnsel vm9, $0x9C400, v4;
	[tilespmem:s21+$0x4F20] =	vst v5  }
0x9b: {  	vm13 =	vlt.u32 v6, $0x1388;
	v7 =	vnsel vm11, $0x9C400, v60;
	v5 =	vadd.s32 v58, v10;
	[tilespmem:s21+$0x4F10] =	vst v4  }
0x9c: {  	vm12 =	vlt.u32 v17, $0x1388;
	v4 =	vadd.s32 v57, v16;
	[tilespmem:s21+$0x4F30] =	vst v7;
	v5 =	vnsel vm13, $0x9C400, v5  }
0x9d: {  	vm14 =	vlt.u32 v52, $0x1388;
	v61 =	vadd.s32 v59, v12;
	v4 =	vnsel vm12, $0x9C400, v4;
	[tilespmem:s21+$0x4F50] =	vst v5  }
0x9e: {  	[tilespmem:s21+$0x4F40] =	vst v4;
	v4 =	vnsel vm14, $0x9C400, v61  }
0x9f: {  	[tilespmem:s21+$0x4F60] =	vst v4  }
0xa0: {  	v4 =	vld [tilespmem:$0x2700];
	_ =	sdelay $0x3  }
0xa1: {  	v5 =	vld [tilespmem:$0x4E80]  }
0xa2: {  	v62 =	vmul.u32 $0x147B, v4  }
0xa3: {  	[tilespmem:$0x7610] =	vst v3  }
0xa4: {  	[tilespmem:$0x7620] =	vst v3;
	v6 =	vshrl.u32 v62, $0x13  }
0xa5: {  	[tilespmem:$0x7630] =	vst v3;
	v6 =	vmul.u32 $0xFFFFFF9C, v6  }
0xa6: {  	[tilespmem:$0x7640] =	vst v3;
	v5 =	vsub.s32 v5, v0  }
0xa7: {  	[tilespmem:$0x7650] =	vst v3;
	v63 =	vshll.u32 v5, $0x7;
	v4 =	vadd.s32 v4, v6  }
0xa8: {  	[tilespmem:$0x7660] =	vst v3;
	vm15 =	vlt.u32 v5, $0x1388;
	v4 =	vadd.s32 v63, v4  }
0xa9: {  	[tilespmem:$0x7670] =	vst v3;
	v4 =	vnsel vm15, $0x9C400, v4  }
0xaa: {  	[tilespmem:$0x7600] =	vst v4  }
0xab: {  	_ =	strace $0x9000004B  }
0xac: {  	_ =	strace $0x8000004C  }
0xad: {  	[bflag:$0x0] =	sbarrier.arrive $0xFFFF  }
0xae: {  	_ =	strace $0x9000004C  }
0xaf: {  	s21 =	simm.s32 $0x4F00;
	_ =	strace $0x8000004D  }
0xb0: {  	[spmem:s1] =	stream.indirect.scatter.add.f32 [tilespmem:s20], [sflag:$0x2], $0x1, s21, s18, $0x2000b8;
	[tilespmem:$0x190D0] =	vst v63  }
0xb1: {  	s22 =	simm.s32 $0x4F80  }
0xb2: {  	[spmem:s1] =	stream.indirect.scatter.add.f32 [tilespmem:s20], [sflag:$0x2], $0x1, s22, s18, $0x2000b8;
	[tilespmem:$0x190D0] =	vst v63  }
0xb3: {  	s21 =	simm.s32 $0x5000  }
0xb4: {  	[spmem:s1] =	stream.indirect.scatter.add.f32 [tilespmem:s20], [sflag:$0x2], $0x1, s21, s18, $0x2000b8;
	[tilespmem:$0x190D0] =	vst v63  }
0xb5: {  	s22 =	simm.s32 $0x5080  }
0xb6: {  	[spmem:s1] =	stream.indirect.scatter.add.f32 [tilespmem:s20], [sflag:$0x2], $0x1, s22, s18, $0x2000b8;
	[tilespmem:$0x190D0] =	vst v63  }
0xb7: {  	s21 =	simm.s32 $0x5100  }
0xb8: {  	[spmem:s1] =	stream.indirect.scatter.add.f32 [tilespmem:s20], [sflag:$0x2], $0x1, s21, s18, $0x2000b8;
	[tilespmem:$0x190D0] =	vst v63  }
0xb9: {  	s22 =	simm.s32 $0x5180  }
0xba: {  	[spmem:s1] =	stream.indirect.scatter.add.f32 [tilespmem:s20], [sflag:$0x2], $0x1, s22, s18, $0x2000b8;
	[tilespmem:$0x190D0] =	vst v63  }
0xbb: {  	s21 =	simm.s32 $0x5200  }
0xbc: {  	[spmem:s1] =	stream.indirect.scatter.add.f32 [tilespmem:s20], [sflag:$0x2], $0x1, s21, s18, $0x2000b8;
	[tilespmem:$0x190D0] =	vst v63  }
0xbd: {  	s22 =	simm.s32 $0x5280  }
0xbe: {  	[spmem:s1] =	stream.indirect.scatter.add.f32 [tilespmem:s20], [sflag:$0x2], $0x1, s22, s18, $0x2000b8;
	[tilespmem:$0x190D0] =	vst v63  }
0xbf: {  	s21 =	simm.s32 $0x5300  }
0xc0: {  	[spmem:s1] =	stream.indirect.scatter.add.f32 [tilespmem:s20], [sflag:$0x2], $0x1, s21, s18, $0x2000b8;
	[tilespmem:$0x190D0] =	vst v63  }
0xc1: {  	s22 =	simm.s32 $0x5380  }
0xc2: {  	[spmem:s1] =	stream.indirect.scatter.add.f32 [tilespmem:s20], [sflag:$0x2], $0x1, s22, s18, $0x2000b8;
	[tilespmem:$0x190D0] =	vst v63  }
0xc3: {  	s21 =	simm.s32 $0x5400  }
0xc4: {  	[spmem:s1] =	stream.indirect.scatter.add.f32 [tilespmem:s20], [sflag:$0x2], $0x1, s21, s18, $0x2000b8;
	[tilespmem:$0x190D0] =	vst v63  }
0xc5: {  	s22 =	simm.s32 $0x5480  }
0xc6: {  	[spmem:s1] =	stream.indirect.scatter.add.f32 [tilespmem:s20], [sflag:$0x2], $0x1, s22, s18, $0x2000b8;
	[tilespmem:$0x190D0] =	vst v63  }
0xc7: {  	s21 =	simm.s32 $0x5500  }
0xc8: {  	[spmem:s1] =	stream.indirect.scatter.add.f32 [tilespmem:s20], [sflag:$0x2], $0x1, s21, s18, $0x2000b8;
	[tilespmem:$0x190D0] =	vst v63  }
0xc9: {  	s22 =	simm.s32 $0x5580  }
0xca: {  	[spmem:s1] =	stream.indirect.scatter.add.f32 [tilespmem:s20], [sflag:$0x2], $0x1, s22, s18, $0x2000b8;
	[tilespmem:$0x190D0] =	vst v63  }
0xcb: {  	s21 =	simm.s32 $0x5600  }
0xcc: {  	[spmem:s1] =	stream.indirect.scatter.add.f32 [tilespmem:s20], [sflag:$0x2], $0x1, s21, s18, $0x2000b8;
	[tilespmem:$0x190D0] =	vst v63  }
0xcd: {  	s22 =	simm.s32 $0x5680  }
0xce: {  	[spmem:s1] =	stream.indirect.scatter.add.f32 [tilespmem:s20], [sflag:$0x2], $0x1, s22, s18, $0x2000b8;
	[tilespmem:$0x190D0] =	vst v63  }
0xcf: {  	s21 =	simm.s32 $0x5700  }
0xd0: {  	[spmem:s1] =	stream.indirect.scatter.add.f32 [tilespmem:s20], [sflag:$0x2], $0x1, s21, s18, $0x2000b8;
	[tilespmem:$0x190D0] =	vst v63  }
0xd1: {  	s22 =	simm.s32 $0x5780  }
0xd2: {  	[spmem:s1] =	stream.indirect.scatter.add.f32 [tilespmem:s20], [sflag:$0x2], $0x1, s22, s18, $0x2000b8;
	[tilespmem:$0x190D0] =	vst v63  }
0xd3: {  	s21 =	simm.s32 $0x5800  }
0xd4: {  	[spmem:s1] =	stream.indirect.scatter.add.f32 [tilespmem:s20], [sflag:$0x2], $0x1, s21, s18, $0x2000b8;
	[tilespmem:$0x190D0] =	vst v63  }
0xd5: {  	s22 =	simm.s32 $0x5880  }
0xd6: {  	[spmem:s1] =	stream.indirect.scatter.add.f32 [tilespmem:s20], [sflag:$0x2], $0x1, s22, s18, $0x2000b8;
	[tilespmem:$0x190D0] =	vst v63  }
0xd7: {  	s21 =	simm.s32 $0x5900  }
0xd8: {  	[spmem:s1] =	stream.indirect.scatter.add.f32 [tilespmem:s20], [sflag:$0x2], $0x1, s21, s18, $0x2000b8;
	[tilespmem:$0x190D0] =	vst v63  }
0xd9: {  	s22 =	simm.s32 $0x5980  }
0xda: {  	[spmem:s1] =	stream.indirect.scatter.add.f32 [tilespmem:s20], [sflag:$0x2], $0x1, s22, s18, $0x2000b8;
	[tilespmem:$0x190D0] =	vst v63  }
0xdb: {  	s21 =	simm.s32 $0x5A00  }
0xdc: {  	[spmem:s1] =	stream.indirect.scatter.add.f32 [tilespmem:s20], [sflag:$0x2], $0x1, s21, s18, $0x2000b8;
	[tilespmem:$0x190D0] =	vst v63  }
0xdd: {  	s22 =	simm.s32 $0x5A80  }
0xde: {  	[spmem:s1] =	stream.indirect.scatter.add.f32 [tilespmem:s20], [sflag:$0x2], $0x1, s22, s18, $0x2000b8;
	[tilespmem:$0x190D0] =	vst v63  }
0xdf: {  	s21 =	simm.s32 $0x5B00  }
0xe0: {  	[spmem:s1] =	stream.indirect.scatter.add.f32 [tilespmem:s20], [sflag:$0x2], $0x1, s21, s18, $0x2000b8;
	[tilespmem:$0x190D0] =	vst v63  }
0xe1: {  	s22 =	simm.s32 $0x5B80  }
0xe2: {  	[spmem:s1] =	stream.indirect.scatter.add.f32 [tilespmem:s20], [sflag:$0x2], $0x1, s22, s18, $0x2000b8;
	[tilespmem:$0x190D0] =	vst v63  }
0xe3: {  	s21 =	simm.s32 $0x5C00  }
0xe4: {  	[spmem:s1] =	stream.indirect.scatter.add.f32 [tilespmem:s20], [sflag:$0x2], $0x1, s21, s18, $0x2000b8;
	[tilespmem:$0x190D0] =	vst v63  }
0xe5: {  	s22 =	simm.s32 $0x5C80  }
0xe6: {  	[spmem:s1] =	stream.indirect.scatter.add.f32 [tilespmem:s20], [sflag:$0x2], $0x1, s22, s18, $0x2000b8;
	[tilespmem:$0x190D0] =	vst v63  }
0xe7: {  	s21 =	simm.s32 $0x5D00  }
0xe8: {  	[spmem:s1] =	stream.indirect.scatter.add.f32 [tilespmem:s20], [sflag:$0x2], $0x1, s21, s18, $0x2000b8;
	[tilespmem:$0x190D0] =	vst v63  }
0xe9: {  	s22 =	simm.s32 $0x5D80  }
0xea: {  	[spmem:s1] =	stream.indirect.scatter.add.f32 [tilespmem:s20], [sflag:$0x2], $0x1, s22, s18, $0x2000b8;
	[tilespmem:$0x190D0] =	vst v63  }
0xeb: {  	s21 =	simm.s32 $0x5E00  }
0xec: {  	[spmem:s1] =	stream.indirect.scatter.add.f32 [tilespmem:s20], [sflag:$0x2], $0x1, s21, s18, $0x2000b8;
	[tilespmem:$0x190D0] =	vst v63  }
0xed: {  	s22 =	simm.s32 $0x5E80  }
0xee: {  	[spmem:s1] =	stream.indirect.scatter.add.f32 [tilespmem:s20], [sflag:$0x2], $0x1, s22, s18, $0x2000b8;
	[tilespmem:$0x190D0] =	vst v63  }
0xef: {  	s21 =	simm.s32 $0x5F00  }
0xf0: {  	[spmem:s1] =	stream.indirect.scatter.add.f32 [tilespmem:s20], [sflag:$0x2], $0x1, s21, s18, $0x2000b8;
	[tilespmem:$0x190D0] =	vst v63  }
0xf1: {  	s22 =	simm.s32 $0x5F80  }
0xf2: {  	[spmem:s1] =	stream.indirect.scatter.add.f32 [tilespmem:s20], [sflag:$0x2], $0x1, s22, s18, $0x2000b8;
	[tilespmem:$0x190D0] =	vst v63  }
0xf3: {  	s21 =	simm.s32 $0x6000  }
0xf4: {  	[spmem:s1] =	stream.indirect.scatter.add.f32 [tilespmem:s20], [sflag:$0x2], $0x1, s21, s18, $0x2000b8;
	[tilespmem:$0x190D0] =	vst v63  }
0xf5: {  	s22 =	simm.s32 $0x6080  }
0xf6: {  	[spmem:s1] =	stream.indirect.scatter.add.f32 [tilespmem:s20], [sflag:$0x2], $0x1, s22, s18, $0x2000b8;
	[tilespmem:$0x190D0] =	vst v63  }
0xf7: {  	s21 =	simm.s32 $0x6100  }
0xf8: {  	[spmem:s1] =	stream.indirect.scatter.add.f32 [tilespmem:s20], [sflag:$0x2], $0x1, s21, s18, $0x2000b8;
	[tilespmem:$0x190D0] =	vst v63  }
0xf9: {  	s22 =	simm.s32 $0x6180  }
0xfa: {  	[spmem:s1] =	stream.indirect.scatter.add.f32 [tilespmem:s20], [sflag:$0x2], $0x1, s22, s18, $0x2000b8;
	[tilespmem:$0x190D0] =	vst v63  }
0xfb: {  	s21 =	simm.s32 $0x6200  }
0xfc: {  	[spmem:s1] =	stream.indirect.scatter.add.f32 [tilespmem:s20], [sflag:$0x2], $0x1, s21, s18, $0x2000b8;
	[tilespmem:$0x190D0] =	vst v63  }
0xfd: {  	s22 =	simm.s32 $0x6280  }
0xfe: {  	[spmem:s1] =	stream.indirect.scatter.add.f32 [tilespmem:s20], [sflag:$0x2], $0x1, s22, s18, $0x2000b8;
	[tilespmem:$0x190D0] =	vst v63  }
0xff: {  	_ =	swait.ge [sflag:s2], $0x80  }
0x100: {  	[sflag:s2] =	ssyncset.done $0x0  }
0x101: {  	[sflag:s2] =	ssyncadd.s32 $0xFFFFFF80  }
0x102: {  	_ =	swait.ge [sflag:s2], $0x80  }
0x103: {  	[sflag:s2] =	ssyncset.done $0x0  }
0x104: {  	[sflag:s2] =	ssyncadd.s32 $0xFFFFFF80  }
0x105: {  	_ =	swait.ge [sflag:s2], $0x80  }
0x106: {  	[sflag:s2] =	ssyncset.done $0x0  }
0x107: {  	[sflag:s2] =	ssyncadd.s32 $0xFFFFFF80  }
0x108: {  	_ =	swait.ge [sflag:s2], $0x80  }
0x109: {  	[sflag:s2] =	ssyncset.done $0x0  }
0x10a: {  	[sflag:s2] =	ssyncadd.s32 $0xFFFFFF80  }
0x10b: {  	_ =	swait.ge [sflag:s2], $0x80  }
0x10c: {  	[sflag:s2] =	ssyncset.done $0x0  }
0x10d: {  	[sflag:s2] =	ssyncadd.s32 $0xFFFFFF80  }
0x10e: {  	_ =	swait.ge [sflag:s2], $0x80  }
0x10f: {  	[sflag:s2] =	ssyncset.done $0x0  }
0x110: {  	[sflag:s2] =	ssyncadd.s32 $0xFFFFFF80  }
0x111: {  	_ =	swait.ge [sflag:s2], $0x80  }
0x112: {  	[sflag:s2] =	ssyncset.done $0x0  }
0x113: {  	[sflag:s2] =	ssyncadd.s32 $0xFFFFFF80  }
0x114: {  	_ =	swait.ge [sflag:s2], $0x80  }
0x115: {  	[sflag:s2] =	ssyncset.done $0x0  }
0x116: {  	[sflag:s2] =	ssyncadd.s32 $0xFFFFFF80  }
0x117: {  	_ =	swait.ge [sflag:s2], $0x80  }
0x118: {  	[sflag:s2] =	ssyncset.done $0x0  }
0x119: {  	[sflag:s2] =	ssyncadd.s32 $0xFFFFFF80  }
0x11a: {  	_ =	swait.ge [sflag:s2], $0x80  }
0x11b: {  	[sflag:s2] =	ssyncset.done $0x0  }
0x11c: {  	[sflag:s2] =	ssyncadd.s32 $0xFFFFFF80  }
0x11d: {  	_ =	swait.ge [sflag:s2], $0x80  }
0x11e: {  	[sflag:s2] =	ssyncset.done $0x0  }
0x11f: {  	[sflag:s2] =	ssyncadd.s32 $0xFFFFFF80  }
0x120: {  	_ =	swait.ge [sflag:s2], $0x80  }
0x121: {  	[sflag:s2] =	ssyncset.done $0x0  }
0x122: {  	[sflag:s2] =	ssyncadd.s32 $0xFFFFFF80  }
0x123: {  	_ =	swait.ge [sflag:s2], $0x80  }
0x124: {  	[sflag:s2] =	ssyncset.done $0x0  }
0x125: {  	[sflag:s2] =	ssyncadd.s32 $0xFFFFFF80  }
0x126: {  	_ =	swait.ge [sflag:s2], $0x80  }
0x127: {  	[sflag:s2] =	ssyncset.done $0x0  }
0x128: {  	[sflag:s2] =	ssyncadd.s32 $0xFFFFFF80  }
0x129: {  	_ =	swait.ge [sflag:s2], $0x80  }
0x12a: {  	[sflag:s2] =	ssyncset.done $0x0  }
0x12b: {  	[sflag:s2] =	ssyncadd.s32 $0xFFFFFF80  }
0x12c: {  	_ =	swait.ge [sflag:s2], $0x80  }
0x12d: {  	[sflag:s2] =	ssyncset.done $0x0  }
0x12e: {  	[sflag:s2] =	ssyncadd.s32 $0xFFFFFF80  }
0x12f: {  	_ =	swait.ge [sflag:s2], $0x80  }
0x130: {  	[sflag:s2] =	ssyncset.done $0x0  }
0x131: {  	[sflag:s2] =	ssyncadd.s32 $0xFFFFFF80  }
0x132: {  	_ =	swait.ge [sflag:s2], $0x80  }
0x133: {  	[sflag:s2] =	ssyncset.done $0x0  }
0x134: {  	[sflag:s2] =	ssyncadd.s32 $0xFFFFFF80  }
0x135: {  	_ =	swait.ge [sflag:s2], $0x80  }
0x136: {  	[sflag:s2] =	ssyncset.done $0x0  }
0x137: {  	[sflag:s2] =	ssyncadd.s32 $0xFFFFFF80  }
0x138: {  	_ =	swait.ge [sflag:s2], $0x80  }
0x139: {  	[sflag:s2] =	ssyncset.done $0x0  }
0x13a: {  	[sflag:s2] =	ssyncadd.s32 $0xFFFFFF80  }
0x13b: {  	_ =	swait.ge [sflag:s2], $0x80  }
0x13c: {  	[sflag:s2] =	ssyncset.done $0x0  }
0x13d: {  	[sflag:s2] =	ssyncadd.s32 $0xFFFFFF80  }
0x13e: {  	_ =	swait.ge [sflag:s2], $0x80  }
0x13f: {  	[sflag:s2] =	ssyncset.done $0x0  }
0x140: {  	[sflag:s2] =	ssyncadd.s32 $0xFFFFFF80  }
0x141: {  	_ =	swait.ge [sflag:s2], $0x80  }
0x142: {  	[sflag:s2] =	ssyncset.done $0x0  }
0x143: {  	[sflag:s2] =	ssyncadd.s32 $0xFFFFFF80  }
0x144: {  	_ =	swait.ge [sflag:s2], $0x80  }
0x145: {  	[sflag:s2] =	ssyncset.done $0x0  }
0x146: {  	[sflag:s2] =	ssyncadd.s32 $0xFFFFFF80  }
0x147: {  	_ =	swait.ge [sflag:s2], $0x80  }
0x148: {  	[sflag:s2] =	ssyncset.done $0x0  }
0x149: {  	[sflag:s2] =	ssyncadd.s32 $0xFFFFFF80  }
0x14a: {  	_ =	swait.ge [sflag:s2], $0x80  }
0x14b: {  	[sflag:s2] =	ssyncset.done $0x0  }
0x14c: {  	[sflag:s2] =	ssyncadd.s32 $0xFFFFFF80  }
0x14d: {  	_ =	swait.ge [sflag:s2], $0x80  }
0x14e: {  	[sflag:s2] =	ssyncset.done $0x0  }
0x14f: {  	[sflag:s2] =	ssyncadd.s32 $0xFFFFFF80  }
0x150: {  	_ =	swait.ge [sflag:s2], $0x80  }
0x151: {  	[sflag:s2] =	ssyncset.done $0x0  }
0x152: {  	[sflag:s2] =	ssyncadd.s32 $0xFFFFFF80  }
0x153: {  	_ =	swait.ge [sflag:s2], $0x80  }
0x154: {  	[sflag:s2] =	ssyncset.done $0x0  }
0x155: {  	[sflag:s2] =	ssyncadd.s32 $0xFFFFFF80  }
0x156: {  	_ =	swait.ge [sflag:s2], $0x80  }
0x157: {  	[sflag:s2] =	ssyncset.done $0x0  }
0x158: {  	[sflag:s2] =	ssyncadd.s32 $0xFFFFFF80  }
0x159: {  	_ =	swait.ge [sflag:s2], $0x80  }
0x15a: {  	[sflag:s2] =	ssyncset.done $0x0  }
0x15b: {  	[sflag:s2] =	ssyncadd.s32 $0xFFFFFF80  }
0x15c: {  	_ =	swait.ge [sflag:s2], $0x80  }
0x15d: {  	[sflag:s2] =	ssyncset.done $0x0  }
0x15e: {  	[sflag:s2] =	ssyncadd.s32 $0xFFFFFF80  }
0x15f: {  	_ =	swait.ge [sflag:s2], $0x80  }
0x160: {  	[sflag:s2] =	ssyncset.done $0x0  }
0x161: {  	[sflag:s2] =	ssyncadd.s32 $0xFFFFFF80  }
0x162: {  	_ =	swait.ge [sflag:s2], $0x80  }
0x163: {  	[sflag:s2] =	ssyncset.done $0x0  }
0x164: {  	[sflag:s2] =	ssyncadd.s32 $0xFFFFFF80  }
0x165: {  	_ =	swait.ge [sflag:s2], $0x80  }
0x166: {  	[sflag:s2] =	ssyncset.done $0x0  }
0x167: {  	[sflag:s2] =	ssyncadd.s32 $0xFFFFFF80  }
0x168: {  	_ =	swait.ge [sflag:s2], $0x80  }
0x169: {  	[sflag:s2] =	ssyncset.done $0x0  }
0x16a: {  	[sflag:s2] =	ssyncadd.s32 $0xFFFFFF80  }
0x16b: {  	_ =	swait.ge [sflag:s2], $0x80  }
0x16c: {  	[sflag:s2] =	ssyncset.done $0x0  }
0x16d: {  	[sflag:s2] =	ssyncadd.s32 $0xFFFFFF80  }
0x16e: {  	_ =	swait.ge [sflag:s2], $0x80  }
0x16f: {  	[sflag:s2] =	ssyncset.done $0x0  }
0x170: {  	[sflag:s2] =	ssyncadd.s32 $0xFFFFFF80  }
0x171: {  	_ =	swait.ge [sflag:s2], $0x80  }
0x172: {  	[sflag:s2] =	ssyncset.done $0x0  }
0x173: {  	[sflag:s2] =	ssyncadd.s32 $0xFFFFFF80  }
0x174: {  	_ =	swait.ge [sflag:s2], $0x80  }
0x175: {  	[sflag:s2] =	ssyncset.done $0x0  }
0x176: {  	s21 =	simm.s32 $0x6300;
	[sflag:s2] =	ssyncadd.s32 $0xFFFFFF80  }
0x177: {  	[spmem:s1] =	stream.indirect.scatter.add.f32 [tilespmem:s20], [sflag:$0x2], $0x1, s21, s18, $0x2000b8;
	[tilespmem:$0x190D0] =	vst v63  }
0x178: {  	s22 =	simm.s32 $0x6380  }
0x179: {  	[spmem:s1] =	stream.indirect.scatter.add.f32 [tilespmem:s20], [sflag:$0x2], $0x1, s22, s18, $0x2000b8;
	[tilespmem:$0x190D0] =	vst v63  }
0x17a: {  	s21 =	simm.s32 $0x6400  }
0x17b: {  	[spmem:s1] =	stream.indirect.scatter.add.f32 [tilespmem:s20], [sflag:$0x2], $0x1, s21, s18, $0x2000b8;
	[tilespmem:$0x190D0] =	vst v63  }
0x17c: {  	s22 =	simm.s32 $0x6480  }
0x17d: {  	[spmem:s1] =	stream.indirect.scatter.add.f32 [tilespmem:s20], [sflag:$0x2], $0x1, s22, s18, $0x2000b8;
	[tilespmem:$0x190D0] =	vst v63  }
0x17e: {  	s21 =	simm.s32 $0x6500  }
0x17f: {  	[spmem:s1] =	stream.indirect.scatter.add.f32 [tilespmem:s20], [sflag:$0x2], $0x1, s21, s18, $0x2000b8;
	[tilespmem:$0x190D0] =	vst v63  }
0x180: {  	s22 =	simm.s32 $0x6580  }
0x181: {  	[spmem:s1] =	stream.indirect.scatter.add.f32 [tilespmem:s20], [sflag:$0x2], $0x1, s22, s18, $0x2000b8;
	[tilespmem:$0x190D0] =	vst v63  }
0x182: {  	s21 =	simm.s32 $0x6600  }
0x183: {  	[spmem:s1] =	stream.indirect.scatter.add.f32 [tilespmem:s20], [sflag:$0x2], $0x1, s21, s18, $0x2000b8;
	[tilespmem:$0x190D0] =	vst v63  }
0x184: {  	s22 =	simm.s32 $0x6680  }
0x185: {  	[spmem:s1] =	stream.indirect.scatter.add.f32 [tilespmem:s20], [sflag:$0x2], $0x1, s22, s18, $0x2000b8;
	[tilespmem:$0x190D0] =	vst v63  }
0x186: {  	s21 =	simm.s32 $0x6700  }
0x187: {  	[spmem:s1] =	stream.indirect.scatter.add.f32 [tilespmem:s20], [sflag:$0x2], $0x1, s21, s18, $0x2000b8;
	[tilespmem:$0x190D0] =	vst v63  }
0x188: {  	s22 =	simm.s32 $0x6780  }
0x189: {  	[spmem:s1] =	stream.indirect.scatter.add.f32 [tilespmem:s20], [sflag:$0x2], $0x1, s22, s18, $0x2000b8;
	[tilespmem:$0x190D0] =	vst v63  }
0x18a: {  	s21 =	simm.s32 $0x6800  }
0x18b: {  	[spmem:s1] =	stream.indirect.scatter.add.f32 [tilespmem:s20], [sflag:$0x2], $0x1, s21, s18, $0x2000b8;
	[tilespmem:$0x190D0] =	vst v63  }
0x18c: {  	s22 =	simm.s32 $0x6880  }
0x18d: {  	[spmem:s1] =	stream.indirect.scatter.add.f32 [tilespmem:s20], [sflag:$0x2], $0x1, s22, s18, $0x2000b8;
	[tilespmem:$0x190D0] =	vst v63  }
0x18e: {  	s21 =	simm.s32 $0x6900  }
0x18f: {  	[spmem:s1] =	stream.indirect.scatter.add.f32 [tilespmem:s20], [sflag:$0x2], $0x1, s21, s18, $0x2000b8;
	[tilespmem:$0x190D0] =	vst v63  }
0x190: {  	s22 =	simm.s32 $0x6980  }
0x191: {  	[spmem:s1] =	stream.indirect.scatter.add.f32 [tilespmem:s20], [sflag:$0x2], $0x1, s22, s18, $0x2000b8;
	[tilespmem:$0x190D0] =	vst v63  }
0x192: {  	s21 =	simm.s32 $0x6A00  }
0x193: {  	[spmem:s1] =	stream.indirect.scatter.add.f32 [tilespmem:s20], [sflag:$0x2], $0x1, s21, s18, $0x2000b8;
	[tilespmem:$0x190D0] =	vst v63  }
0x194: {  	s22 =	simm.s32 $0x6A80  }
0x195: {  	[spmem:s1] =	stream.indirect.scatter.add.f32 [tilespmem:s20], [sflag:$0x2], $0x1, s22, s18, $0x2000b8;
	[tilespmem:$0x190D0] =	vst v63  }
0x196: {  	s21 =	simm.s32 $0x6B00  }
0x197: {  	[spmem:s1] =	stream.indirect.scatter.add.f32 [tilespmem:s20], [sflag:$0x2], $0x1, s21, s18, $0x2000b8;
	[tilespmem:$0x190D0] =	vst v63  }
0x198: {  	s22 =	simm.s32 $0x6B80  }
0x199: {  	[spmem:s1] =	stream.indirect.scatter.add.f32 [tilespmem:s20], [sflag:$0x2], $0x1, s22, s18, $0x2000b8;
	[tilespmem:$0x190D0] =	vst v63  }
0x19a: {  	s21 =	simm.s32 $0x6C00  }
0x19b: {  	[spmem:s1] =	stream.indirect.scatter.add.f32 [tilespmem:s20], [sflag:$0x2], $0x1, s21, s18, $0x2000b8;
	[tilespmem:$0x190D0] =	vst v63  }
0x19c: {  	s22 =	simm.s32 $0x6C80  }
0x19d: {  	[spmem:s1] =	stream.indirect.scatter.add.f32 [tilespmem:s20], [sflag:$0x2], $0x1, s22, s18, $0x2000b8;
	[tilespmem:$0x190D0] =	vst v63  }
0x19e: {  	s21 =	simm.s32 $0x6D00  }
0x19f: {  	[spmem:s1] =	stream.indirect.scatter.add.f32 [tilespmem:s20], [sflag:$0x2], $0x1, s21, s18, $0x2000b8;
	[tilespmem:$0x190D0] =	vst v63  }
0x1a0: {  	s22 =	simm.s32 $0x6D80  }
0x1a1: {  	[spmem:s1] =	stream.indirect.scatter.add.f32 [tilespmem:s20], [sflag:$0x2], $0x1, s22, s18, $0x2000b8;
	[tilespmem:$0x190D0] =	vst v63  }
0x1a2: {  	s21 =	simm.s32 $0x6E00  }
0x1a3: {  	[spmem:s1] =	stream.indirect.scatter.add.f32 [tilespmem:s20], [sflag:$0x2], $0x1, s21, s18, $0x2000b8;
	[tilespmem:$0x190D0] =	vst v63  }
0x1a4: {  	s22 =	simm.s32 $0x6E80  }
0x1a5: {  	[spmem:s1] =	stream.indirect.scatter.add.f32 [tilespmem:s20], [sflag:$0x2], $0x1, s22, s18, $0x2000b8;
	[tilespmem:$0x190D0] =	vst v63  }
0x1a6: {  	s21 =	simm.s32 $0x6F00  }
0x1a7: {  	[spmem:s1] =	stream.indirect.scatter.add.f32 [tilespmem:s20], [sflag:$0x2], $0x1, s21, s18, $0x2000b8;
	[tilespmem:$0x190D0] =	vst v63  }
0x1a8: {  	s22 =	simm.s32 $0x6F80  }
0x1a9: {  	[spmem:s1] =	stream.indirect.scatter.add.f32 [tilespmem:s20], [sflag:$0x2], $0x1, s22, s18, $0x2000b8;
	[tilespmem:$0x190D0] =	vst v63  }
0x1aa: {  	s21 =	simm.s32 $0x7000  }
0x1ab: {  	[spmem:s1] =	stream.indirect.scatter.add.f32 [tilespmem:s20], [sflag:$0x2], $0x1, s21, s18, $0x2000b8;
	[tilespmem:$0x190D0] =	vst v63  }
0x1ac: {  	s22 =	simm.s32 $0x7080  }
0x1ad: {  	[spmem:s1] =	stream.indirect.scatter.add.f32 [tilespmem:s20], [sflag:$0x2], $0x1, s22, s18, $0x2000b8;
	[tilespmem:$0x190D0] =	vst v63  }
0x1ae: {  	s21 =	simm.s32 $0x7100  }
0x1af: {  	[spmem:s1] =	stream.indirect.scatter.add.f32 [tilespmem:s20], [sflag:$0x2], $0x1, s21, s18, $0x2000b8;
	[tilespmem:$0x190D0] =	vst v63  }
0x1b0: {  	s22 =	simm.s32 $0x7180  }
0x1b1: {  	[spmem:s1] =	stream.indirect.scatter.add.f32 [tilespmem:s20], [sflag:$0x2], $0x1, s22, s18, $0x2000b8;
	[tilespmem:$0x190D0] =	vst v63  }
0x1b2: {  	_ = 	snop  }
0x1b3: {  	[spmem:s1] =	stream.indirect.scatter.add.f32 [tilespmem:s20], [sflag:$0x2], $0x1, s23, s18, $0x2000b8;
	[tilespmem:$0x190D0] =	vst v63  }
0x1b4: {  	_ = 	snop  }
0x1b5: {  	[spmem:s1] =	stream.indirect.scatter.add.f32 [tilespmem:s20], [sflag:$0x2], $0x1, s24, s18, $0x2000b8;
	[tilespmem:$0x190D0] =	vst v63  }
0x1b6: {  	_ = 	snop  }
0x1b7: {  	[spmem:s1] =	stream.indirect.scatter.add.f32 [tilespmem:s20], [sflag:$0x2], $0x1, s25, s18, $0x2000b8;
	[tilespmem:$0x190D0] =	vst v63  }
0x1b8: {  	_ = 	snop  }
0x1b9: {  	[spmem:s1] =	stream.indirect.scatter.add.f32 [tilespmem:s20], [sflag:$0x2], $0x1, s26, s18, $0x2000b8;
	[tilespmem:$0x190D0] =	vst v63  }
0x1ba: {  	_ = 	snop  }
0x1bb: {  	[spmem:s1] =	stream.indirect.scatter.add.f32 [tilespmem:s20], [sflag:$0x2], $0x1, s28, s18, $0x2000b8;
	[tilespmem:$0x190D0] =	vst v63  }
0x1bc: {  	_ = 	snop  }
0x1bd: {  	[spmem:s1] =	stream.indirect.scatter.add.f32 [tilespmem:s20], [sflag:$0x2], $0x1, s29, s18, $0x2000b8;
	[tilespmem:$0x190D0] =	vst v63  }
0x1be: {  	_ = 	snop  }
0x1bf: {  	[spmem:s1] =	stream.indirect.scatter.add.f32 [tilespmem:s20], [sflag:$0x2], $0x1, s30, s18, $0x2000b8;
	[tilespmem:$0x190D0] =	vst v63  }
0x1c0: {  	_ = 	snop  }
0x1c1: {  	[spmem:s1] =	stream.indirect.scatter.add.f32 [tilespmem:s20], [sflag:$0x2], $0x1, s31, s18, $0x2000b8;
	[tilespmem:$0x190D0] =	vst v63  }
0x1c2: {  	_ = 	snop  }
0x1c3: {  	[spmem:s1] =	stream.indirect.scatter.add.f32 [tilespmem:s20], [sflag:$0x2], $0x1, s0, s18, $0x2000b8;
	[tilespmem:$0x190D0] =	vst v63  }
0x1c4: {  	_ =	swait.ge [sflag:s2], $0x80  }
0x1c5: {  	[sflag:s2] =	ssyncset.done $0x0  }
0x1c6: {  	[sflag:s2] =	ssyncadd.s32 $0xFFFFFF80  }
0x1c7: {  	_ =	swait.ge [sflag:s2], $0x80  }
0x1c8: {  	[sflag:s2] =	ssyncset.done $0x0  }
0x1c9: {  	[sflag:s2] =	ssyncadd.s32 $0xFFFFFF80  }
0x1ca: {  	_ =	swait.ge [sflag:s2], $0x80  }
0x1cb: {  	[sflag:s2] =	ssyncset.done $0x0  }
0x1cc: {  	[sflag:s2] =	ssyncadd.s32 $0xFFFFFF80  }
0x1cd: {  	_ =	swait.ge [sflag:s2], $0x80  }
0x1ce: {  	[sflag:s2] =	ssyncset.done $0x0  }
0x1cf: {  	[sflag:s2] =	ssyncadd.s32 $0xFFFFFF80  }
0x1d0: {  	_ =	swait.ge [sflag:s2], $0x80  }
0x1d1: {  	[sflag:s2] =	ssyncset.done $0x0  }
0x1d2: {  	[sflag:s2] =	ssyncadd.s32 $0xFFFFFF80  }
0x1d3: {  	_ =	swait.ge [sflag:s2], $0x80  }
0x1d4: {  	[sflag:s2] =	ssyncset.done $0x0  }
0x1d5: {  	[sflag:s2] =	ssyncadd.s32 $0xFFFFFF80  }
0x1d6: {  	_ =	swait.ge [sflag:s2], $0x80  }
0x1d7: {  	[sflag:s2] =	ssyncset.done $0x0  }
0x1d8: {  	[sflag:s2] =	ssyncadd.s32 $0xFFFFFF80  }
0x1d9: {  	_ =	swait.ge [sflag:s2], $0x80  }
0x1da: {  	[sflag:s2] =	ssyncset.done $0x0  }
0x1db: {  	[sflag:s2] =	ssyncadd.s32 $0xFFFFFF80  }
0x1dc: {  	_ =	swait.ge [sflag:s2], $0x80  }
0x1dd: {  	[sflag:s2] =	ssyncset.done $0x0  }
0x1de: {  	[sflag:s2] =	ssyncadd.s32 $0xFFFFFF80  }
0x1df: {  	_ =	swait.ge [sflag:s2], $0x80  }
0x1e0: {  	[sflag:s2] =	ssyncset.done $0x0  }
0x1e1: {  	[sflag:s2] =	ssyncadd.s32 $0xFFFFFF80  }
0x1e2: {  	_ =	swait.ge [sflag:s2], $0x80  }
0x1e3: {  	[sflag:s2] =	ssyncset.done $0x0  }
0x1e4: {  	[sflag:s2] =	ssyncadd.s32 $0xFFFFFF80  }
0x1e5: {  	_ =	swait.ge [sflag:s2], $0x80  }
0x1e6: {  	[sflag:s2] =	ssyncset.done $0x0  }
0x1e7: {  	[sflag:s2] =	ssyncadd.s32 $0xFFFFFF80  }
0x1e8: {  	_ =	swait.ge [sflag:s2], $0x80  }
0x1e9: {  	[sflag:s2] =	ssyncset.done $0x0  }
0x1ea: {  	[sflag:s2] =	ssyncadd.s32 $0xFFFFFF80  }
0x1eb: {  	_ =	swait.ge [sflag:s2], $0x80  }
0x1ec: {  	[sflag:s2] =	ssyncset.done $0x0  }
0x1ed: {  	[sflag:s2] =	ssyncadd.s32 $0xFFFFFF80  }
0x1ee: {  	_ =	swait.ge [sflag:s2], $0x80  }
0x1ef: {  	[sflag:s2] =	ssyncset.done $0x0  }
0x1f0: {  	[sflag:s2] =	ssyncadd.s32 $0xFFFFFF80  }
0x1f1: {  	_ =	swait.ge [sflag:s2], $0x80  }
0x1f2: {  	[sflag:s2] =	ssyncset.done $0x0  }
0x1f3: {  	[sflag:s2] =	ssyncadd.s32 $0xFFFFFF80  }
0x1f4: {  	_ =	swait.ge [sflag:s2], $0x80  }
0x1f5: {  	[sflag:s2] =	ssyncset.done $0x0  }
0x1f6: {  	[sflag:s2] =	ssyncadd.s32 $0xFFFFFF80  }
0x1f7: {  	_ =	swait.ge [sflag:s2], $0x80  }
0x1f8: {  	[sflag:s2] =	ssyncset.done $0x0  }
0x1f9: {  	[sflag:s2] =	ssyncadd.s32 $0xFFFFFF80  }
0x1fa: {  	_ =	swait.ge [sflag:s2], $0x80  }
0x1fb: {  	[sflag:s2] =	ssyncset.done $0x0  }
0x1fc: {  	[sflag:s2] =	ssyncadd.s32 $0xFFFFFF80  }
0x1fd: {  	_ =	swait.ge [sflag:s2], $0x80  }
0x1fe: {  	[sflag:s2] =	ssyncset.done $0x0  }
0x1ff: {  	[sflag:s2] =	ssyncadd.s32 $0xFFFFFF80  }
0x200: {  	_ =	swait.ge [sflag:s2], $0x80  }
0x201: {  	[sflag:s2] =	ssyncset.done $0x0  }
0x202: {  	[sflag:s2] =	ssyncadd.s32 $0xFFFFFF80  }
0x203: {  	_ =	swait.ge [sflag:s2], $0x80  }
0x204: {  	[sflag:s2] =	ssyncset.done $0x0  }
0x205: {  	[sflag:s2] =	ssyncadd.s32 $0xFFFFFF80  }
0x206: {  	_ =	swait.ge [sflag:s2], $0x80  }
0x207: {  	[sflag:s2] =	ssyncset.done $0x0  }
0x208: {  	[sflag:s2] =	ssyncadd.s32 $0xFFFFFF80  }
0x209: {  	_ =	swait.ge [sflag:s2], $0x80  }
0x20a: {  	[sflag:s2] =	ssyncset.done $0x0  }
0x20b: {  	[sflag:s2] =	ssyncadd.s32 $0xFFFFFF80  }
0x20c: {  	_ =	swait.ge [sflag:s2], $0x80  }
0x20d: {  	[sflag:s2] =	ssyncset.done $0x0  }
0x20e: {  	[sflag:s2] =	ssyncadd.s32 $0xFFFFFF80  }
0x20f: {  	_ =	swait.ge [sflag:s2], $0x80  }
0x210: {  	[sflag:s2] =	ssyncset.done $0x0  }
0x211: {  	[sflag:s2] =	ssyncadd.s32 $0xFFFFFF80  }
0x212: {  	_ =	swait.ge [sflag:s2], $0x80  }
0x213: {  	[sflag:s2] =	ssyncset.done $0x0  }
0x214: {  	[sflag:s2] =	ssyncadd.s32 $0xFFFFFF80  }
0x215: {  	_ =	swait.ge [sflag:s2], $0x80  }
0x216: {  	[sflag:s2] =	ssyncset.done $0x0  }
0x217: {  	[sflag:s2] =	ssyncadd.s32 $0xFFFFFF80  }
0x218: {  	_ =	swait.ge [sflag:s2], $0x80  }
0x219: {  	[sflag:s2] =	ssyncset.done $0x0  }
0x21a: {  	[sflag:s2] =	ssyncadd.s32 $0xFFFFFF80  }
0x21b: {  	_ =	swait.ge [sflag:s2], $0x80  }
0x21c: {  	[sflag:s2] =	ssyncset.done $0x0  }
0x21d: {  	[sflag:s2] =	ssyncadd.s32 $0xFFFFFF80  }
0x21e: {  	_ =	swait.ge [sflag:s2], $0x80  }
0x21f: {  	[sflag:s2] =	ssyncset.done $0x0  }
0x220: {  	[sflag:s2] =	ssyncadd.s32 $0xFFFFFF80  }
0x221: {  	_ =	swait.ge [sflag:s2], $0x80  }
0x222: {  	[sflag:s2] =	ssyncset.done $0x0  }
0x223: {  	[sflag:s2] =	ssyncadd.s32 $0xFFFFFF80  }
0x224: {  	_ =	swait.ge [sflag:s2], $0x80  }
0x225: {  	[sflag:s2] =	ssyncset.done $0x0  }
0x226: {  	[sflag:s2] =	ssyncadd.s32 $0xFFFFFF80  }
0x227: {  	_ =	swait.ge [sflag:s2], $0x80  }
0x228: {  	[sflag:s2] =	ssyncset.done $0x0  }
0x229: {  	[sflag:s2] =	ssyncadd.s32 $0xFFFFFF80  }
0x22a: {  	_ =	swait.ge [sflag:s2], $0x80  }
0x22b: {  	[sflag:s2] =	ssyncset.done $0x0  }
0x22c: {  	[sflag:s2] =	ssyncadd.s32 $0xFFFFFF80  }
0x22d: {  	_ =	swait.ge [sflag:s2], $0x80  }
0x22e: {  	[sflag:s2] =	ssyncset.done $0x0  }
0x22f: {  	[sflag:s2] =	ssyncadd.s32 $0xFFFFFF80  }
0x230: {  	_ =	swait.ge [sflag:s2], $0x80  }
0x231: {  	[sflag:s2] =	ssyncset.done $0x0  }
0x232: {  	[sflag:s2] =	ssyncadd.s32 $0xFFFFFF80  }
0x233: {  	_ =	swait.ge [sflag:s2], $0x80  }
0x234: {  	[sflag:s2] =	ssyncset.done $0x0  }
0x235: {  	[sflag:s2] =	ssyncadd.s32 $0xFFFFFF80  }
0x236: {  	_ =	swait.ge [sflag:s2], $0x80  }
0x237: {  	[sflag:s2] =	ssyncset.done $0x0  }
0x238: {  	[sflag:s2] =	ssyncadd.s32 $0xFFFFFF80  }
0x239: {  	_ =	strace $0x9000004D  }
0x23a: {  	_ =	strace $0x8000004E  }
0x23b: {  	[bflag:$0x0] =	sbarrier.arrive $0xFFFF  }
0x23c: {  	_ =	strace $0x9000004E  }
0x23d: {  	_ =	strace $0x8000004F  }
0x23e: {  	[tilespmem:s15], [sflag:$0x3] =	stream.linear.gather [spmem:s9], $0x7D00, $0x200038;
	[tilespmem:$0x190D0] =	vst v63  }
0x23f: {  	_ =	swait.ge [sflag:s16], $0x7D00  }
0x240: {  	[sflag:s16] =	ssyncset.done $0x0  }
0x241: {  	[sflag:s16] =	ssyncadd.s32 $0xFFFF8300  }
0x242: {  	[hbm4b:s10+s3] =	stream.linear.scatter [tilespmem:s15], [sflag:$0x3], $0x7D00, $0x200038;
	[tilespmem:$0x190D0] =	vst v63  }
0x243: {  	_ =	swait.ge [sflag:s16], $0x7D00  }
0x244: {  	[sflag:s16] =	ssyncset.done $0x0  }
0x245: {  	s19 =	simm.s32 @!p0 $0x7780;
	s21 =	simm.s32 @!p0 $0x3;
	[sflag:s16] =	ssyncadd.s32 $0xFFFF8300  }
0x246: {  	[tilespmem:s19], [sflag:$0x3] =	stream.linear.gather @!p0 [spmem:s11], $0x7D00, $0x200038;
	[tilespmem:$0x190D0] =	vst v63  }
0x247: {  	_ =	swait.ge @!p0 [sflag:s21], $0x7D00  }
0x248: {  	s14 =	sadd.s32 $0x1, s14;
	[sflag:s21] =	ssyncset.done @!p0 $0x0  }
0x249: {  	p2 =	sne.s32 s14, s13;
	s22 =	simm.s32 @!p0 $0x0;
	[sflag:s21] =	ssyncadd.s32 @!p0 $0xFFFF8300  }
0x24a: {  	[hbm4b:s12+s22] =	stream.linear.scatter @!p0 [tilespmem:s19], [sflag:$0x3], $0x7D00, $0x200038;
	[tilespmem:$0x190D0] =	vst v63  }
.Ltmp2:
0x24b: {  	_ = 	snop;
	(pc) =	sbr.rel @p2 .LBB2_1-.Ltmp2, $4  }
0x24c: {  	_ =	swait.ge @!p0 [sflag:s21], $0x7D00  }
0x24d: {  	[sflag:s21] =	ssyncset.done @!p0 $0x0  }
0x24e: {  	[sflag:s21] =	ssyncadd.s32 @!p0 $0xFFFF8300  }
0x24f: {  	_ =	strace $0x9000004F  }
0x250: {  	_ =	sfence.sel $0x180000  }
0x251: {  	[bflag:$0x0] =	sbarrier.arrive $0xFFFF  }
0x252: {  	_ =	strace $0x90000047  }
0x253: {  	s0 =	stileid.u32;
	[bflag:$0x2] =	sbarrier.arrive $0xFFFF  }
0x254: {  	p0 =	sne.s32 s0, $0x0;
	s0 =	rddreg [dreg:$0x3]  }
0x255: {  	s0 =	sadd.s32 @!p0 $0x100000, s0  }
0x256: {  	[sflag:s0] =	ssyncadd.tile.s32 @!p0 $0x1;
	_ =	shalt  }
.Lfunc_end2:
_tile_overlayer_lowered:
.L_overlay_start_2:
0x257: {  	(tag) =	ssettag $0x2  }
0x258: {  	s0 =	rddreg [dreg:$0x0];
	s2 =	stileid.u32  }
0x259: {  	s1 =	rddreg [dreg:$0x1];
	p0 =	sne.s32 s2, $0x0  }
0x25a: {  	s3 =	rddreg [dreg:$0x2];
	[bflag:$0x3] =	sbarrier.arrive $0xFFFF;
	s2 =	simm.s32 @!p0 $0x1C03  }
0x25b: {  	[timem:s3], [sflag:s2] =	dma.local @!p0 [hbm:s0], s1  }
0x25c: {  	s0 =	simm.s32 @!p0 $0x3  }
0x25d: {  	_ =	swait.ge @!p0 [sflag:s0], s1  }
0x25e: {  	s1 =	ssub.s32 @!p0 $0x0, s1;
	[sflag:s0] =	ssyncset.done @!p0 $0x0  }
0x25f: {  	[sflag:s0] =	ssyncadd.s32 @!p0 s1  }
0x260: {  	[bflag:$0x3] =	sbarrier.arrive $0xFFFF  }
0x261: {  	_ =	shalt  }

</sc_bundles>
